<compile_context>
chip_gen: v7x
topology: tpu7x:2x2x1
jax: 0.10.2.dev20260603
libtpu: 0.0.44.dev20260713+nightly
codegen_flags: <defaults>
</compile_context>

<pallas_src>
import jax
import jax.numpy as jnp
from jax import lax
from jax.experimental import pallas as pl
from jax.experimental.pallas import tpu as pltpu
from jax.experimental.pallas import tpu_sc as plsc

N = 10000
E = 320000
CH = 128
HW = 64
OUT = 16
G = 64
NEG = 0.2

NP = 10240
NB = 10
RB = NP // NB

NSUB = 16
EB = 128
NBLK = 157
EPT = NBLK * EB
EPAD = EPT * NSUB
STRIPE = 2 * NP // NSUB
DSTRIPE = NP // NSUB


def _prologue_body(x_ref, w_ref, asr_ref, adr_ref, t_ref, h_ref, a_ref, d_ref):
    hf = pl.program_id(1)
    cls = pl.program_id(2)
    h = jnp.dot(x_ref[...], w_ref[...], preferred_element_type=jnp.float32)
    av = jnp.sum(h * asr_ref[...], axis=1)
    dv = jnp.sum(h * adr_ref[...], axis=1)
    scale = jnp.where(cls == 0, 1.0, NEG)
    p = jnp.exp(scale * av)
    ph = p[:, None] * h
    t_ref[...] = jnp.where(hf == 0, ph[:, :HW], ph[:, HW:])
    h_ref[...] = h
    a_ref[...] = av
    d_ref[...] = dv


def _prologue(xp, w, asr, adr):
    return pl.pallas_call(
        _prologue_body,
        grid=(NB, 2, 2),
        in_specs=[
            pl.BlockSpec((RB, CH), lambda i, hf, c: (i, 0)),
            pl.BlockSpec((CH, CH), lambda i, hf, c: (0, 0)),
            pl.BlockSpec((1, CH), lambda i, hf, c: (0, 0)),
            pl.BlockSpec((1, CH), lambda i, hf, c: (0, 0)),
        ],
        out_specs=[
            pl.BlockSpec((RB, HW), lambda i, hf, c: ((hf * 2 + c) * NB + i, 0)),
            pl.BlockSpec((RB, CH), lambda i, hf, c: (i, 0)),
            pl.BlockSpec((RB,), lambda i, hf, c: (i,)),
            pl.BlockSpec((RB,), lambda i, hf, c: (i,)),
        ],
        out_shape=[
            jax.ShapeDtypeStruct((4 * NP, HW), jnp.float32),
            jax.ShapeDtypeStruct((NP, CH), jnp.float32),
            jax.ShapeDtypeStruct((NP,), jnp.float32),
            jax.ShapeDtypeStruct((NP,), jnp.float32),
        ],
    )(xp, w, asr, adr)


def _edge_body(t_hbm, ei_hbm, as_hbm, ad_hbm, z2_hbm, z1_hbm,
               acc_hbm, den_hbm,
               as_v, ad_v, ebuf,
               gbuf0, sidx0, didx0, dval0, rows0,
               gbuf1, sidx1, didx1, dval1, rows1,
               acc_s, den_s, sem0, sem1):
    c = lax.axis_index("c")
    s = lax.axis_index("s")

    pltpu.sync_copy(z2_hbm, acc_s.at[pl.ds(s * STRIPE, STRIPE)])
    pltpu.sync_copy(z1_hbm, den_s.at[pl.ds(s * DSTRIPE, DSTRIPE)])
    pltpu.sync_copy(as_hbm, as_v)
    pltpu.sync_copy(ad_hbm, ad_v)
    plsc.subcore_barrier()

    cneg = jnp.broadcast_to(c == 1, (16,))
    trash = jnp.broadcast_to(N + s, (16,))
    goff = jnp.broadcast_to(c * (2 * NP), (16,))
    npvec = jnp.broadcast_to(NP, (16,))
    zvec = jnp.zeros((16,), jnp.int32)
    ascale = jnp.where(c == 1, NEG, 1.0)
    bbase = s * NBLK

    def classify(off, gbuf, sidx, didx, dval):

        for j in range(EB // 16):
            s16 = ebuf[pl.ds(off + j * 16, 16)]
            d16 = ebuf[pl.ds(off + EB + j * 16, 16)]
            a16 = plsc.load_gather(as_v, [s16])
            b16 = plsc.load_gather(ad_v, [d16])
            pos = (a16 + b16) > 0.0
            clsoff = jnp.where(pos, zvec, npvec)
            gbuf[pl.ds(j * 16, 16)] = s16 + goff + clsoff
            sidx[pl.ds(j * 16, 16)] = d16 + clsoff
            didx[pl.ds(j * 16, 16)] = jnp.where(pos != cneg, d16, trash)
            dval[pl.ds(j * 16, 16)] = jnp.exp(ascale * a16)

    def fire(gbuf, rows, sem):
        pltpu.async_copy(t_hbm.at[gbuf], rows, sem)

    def scatter(rows, sidx, didx, dval):
        pltpu.sync_copy(rows, acc_s.at[sidx], add=True)
        pltpu.sync_copy(dval, den_s.at[didx], add=True)

    pltpu.sync_copy(ei_hbm.at[pl.ds(bbase * 2 * EB, 2 * EB)],
                    ebuf.at[pl.ds(0, 2 * EB)])
    classify(0, gbuf0, sidx0, didx0, dval0)
    fire(gbuf0, rows0, sem0)

    def pair(g, carry):
        b1 = 2 * g + 1
        pltpu.sync_copy(ei_hbm.at[pl.ds((bbase + b1) * 2 * EB, 4 * EB)], ebuf)
        classify(0, gbuf1, sidx1, didx1, dval1)
        fire(gbuf1, rows1, sem1)
        pltpu.make_async_copy(t_hbm.at[gbuf0], rows0, sem0).wait()
        scatter(rows0, sidx0, didx0, dval0)
        classify(2 * EB, gbuf0, sidx0, didx0, dval0)
        fire(gbuf0, rows0, sem0)
        pltpu.make_async_copy(t_hbm.at[gbuf1], rows1, sem1).wait()
        scatter(rows1, sidx1, didx1, dval1)
        return carry

    lax.fori_loop(0, (NBLK - 1) // 2, pair, 0)
    pltpu.make_async_copy(t_hbm.at[gbuf0], rows0, sem0).wait()
    scatter(rows0, sidx0, didx0, dval0)
    plsc.subcore_barrier()

    pltpu.sync_copy(acc_s.at[pl.ds(s * STRIPE, STRIPE)],
                    acc_hbm.at[pl.ds(c * 2 * NP + s * STRIPE, STRIPE)])
    pltpu.sync_copy(den_s.at[pl.ds(s * DSTRIPE, DSTRIPE)],
                    den_hbm.at[pl.ds(c * NP + s * DSTRIPE, DSTRIPE)])


def _edge_call(*args):
    return pl.kernel(
        _edge_body,
        out_type=[jax.ShapeDtypeStruct((4 * NP, HW), jnp.float32),
                  jax.ShapeDtypeStruct((2 * NP,), jnp.float32)],
        mesh=plsc.VectorSubcoreMesh(core_axis_name="c", subcore_axis_name="s",
                                    num_cores=2, num_subcores=NSUB),
        compiler_params=pltpu.CompilerParams(needs_layout_passes=False,
                                             use_tc_tiling_on_sc=False),
        scratch_types=(
            [pltpu.VMEM((NP,), jnp.float32),
             pltpu.VMEM((NP,), jnp.float32),
             pltpu.VMEM((4 * EB,), jnp.int32)]
            + 2 * [pltpu.VMEM((EB,), jnp.int32),
                   pltpu.VMEM((EB,), jnp.int32),
                   pltpu.VMEM((EB,), jnp.int32),
                   pltpu.VMEM((EB,), jnp.float32),
                   pltpu.VMEM((EB, HW), jnp.float32)]
            + [pltpu.VMEM_SHARED((2 * NP, HW), jnp.float32),
               pltpu.VMEM_SHARED((NP,), jnp.float32),
               pltpu.SemaphoreType.DMA,
               pltpu.SemaphoreType.DMA]
        ),
    )(*args)


def _combine_body(h_ref, a_ref, d_ref, p0_ref, n0_ref, p1_ref, n1_ref,
                  denp_ref, denn_ref, b_ref, o_ref):
    av = a_ref[...]
    dv = d_ref[...]
    q = jnp.exp(dv)
    q2 = jnp.exp(NEG * dv)
    sl = av + dv
    wself = jnp.where(sl > 0.0, jnp.exp(sl), jnp.exp(NEG * sl))
    hv = h_ref[...]
    den = q * denp_ref[...] + q2 * denn_ref[...] + wself
    inv = 1.0 / (den + 1e-16)
    lo = (q[:, None] * p0_ref[...] + q2[:, None] * n0_ref[...]
          + wself[:, None] * hv[:, :HW])
    hi = (q[:, None] * p1_ref[...] + q2[:, None] * n1_ref[...]
          + wself[:, None] * hv[:, HW:])
    bv = b_ref[...]
    o_ref[...] = jnp.maximum(
        jnp.concatenate([lo, hi], axis=1) * inv[:, None] + bv[None, :], 0.0)


def _combine(h, av, dv, acc, den, b):
    return pl.pallas_call(
        _combine_body,
        grid=(NB,),
        in_specs=[
            pl.BlockSpec((RB, CH), lambda i: (i, 0)),
            pl.BlockSpec((RB,), lambda i: (i,)),
            pl.BlockSpec((RB,), lambda i: (i,)),
            pl.BlockSpec((RB, HW), lambda i: (i, 0)),
            pl.BlockSpec((RB, HW), lambda i: (NB + i, 0)),
            pl.BlockSpec((RB, HW), lambda i: (2 * NB + i, 0)),
            pl.BlockSpec((RB, HW), lambda i: (3 * NB + i, 0)),
            pl.BlockSpec((RB,), lambda i: (i,)),
            pl.BlockSpec((RB,), lambda i: (NB + i,)),
            pl.BlockSpec((CH,), lambda i: (0,)),
        ],
        out_specs=pl.BlockSpec((RB, CH), lambda i: (i, 0)),
        out_shape=jax.ShapeDtypeStruct((NP, CH), jnp.float32),
    )(h, av, dv, acc, acc, acc, acc, den, den, b)


def _pool_body(bt_ref, h_ref, wl_ref, bl_ref, o_ref):
    bt = bt_ref[...]
    gid = lax.broadcasted_iota(jnp.int32, (G, NP), 0)
    m = (bt[None, :] == gid).astype(jnp.float32)
    sums = jnp.dot(m, h_ref[...], preferred_element_type=jnp.float32)
    counts = jnp.sum(m, axis=1)
    pooled = sums / jnp.maximum(counts, 1.0)[:, None]
    o_ref[...] = (jnp.dot(pooled, wl_ref[...], preferred_element_type=jnp.float32)
                  + bl_ref[...][None, :])


def _pool(batch_p, h, wl, bl):
    return pl.pallas_call(
        _pool_body,
        out_shape=jax.ShapeDtypeStruct((G, OUT), jnp.float32),
    )(batch_p, h, wl, bl)


def kernel(x, edge_index, batch, W1, a1_src, a1_dst, b1,
           W2, a2_src, a2_dst, b2, Wl, bl):
    xp = jnp.zeros((NP, CH), jnp.float32).at[:N].set(x)
    src = edge_index[0]
    dst = edge_index[1]
    pad = EPAD - E
    srcp = jnp.concatenate([src, jnp.zeros((pad,), jnp.int32)])
    dstp = jnp.concatenate([dst, jnp.full((pad,), N, jnp.int32)])
    eint = jnp.stack([srcp.reshape(-1, EB), dstp.reshape(-1, EB)],
                     axis=1).reshape(-1)
    batch_p = jnp.concatenate([batch, jnp.full((NP - N,), G, jnp.int32)])
    z2 = jnp.zeros((STRIPE, HW), jnp.float32)
    z1 = jnp.zeros((DSTRIPE,), jnp.float32)

    h = xp
    for w, asr, adr, b in ((W1, a1_src, a1_dst, b1), (W2, a2_src, a2_dst, b2)):
        table, hd, av, dv = _prologue(h, w, asr, adr)
        acc, den = _edge_call(table, eint, av, dv, z2, z1)
        h = _combine(hd, av, dv, acc, den, b)
    return _pool(batch_p, h, Wl, bl)

# --- scband reference (transcript-rebuilt; emitter-appended) ---
"""Pipeline reference for scband-gat-79061757985147 (READ-ONLY COPY).

The authoritative reference and input builder live on the scoring server;
editing this copy changes nothing except your own understanding.
"""

import jax, jax.numpy as jnp
import numpy as np

N = 10000
E = 320000
F_IN = 128
HEADS = 1
C = 128
OUT = 16
NUM_GRAPHS = 64
NEG_SLOPE = 0.2


def setup_inputs(seed: int = 0) -> dict:
    key = jax.random.key(seed)
    ks = jax.random.split(key, 16)
    x = jax.random.normal(ks[0], (N, F_IN), dtype=jnp.float32)
    edge_index = jax.random.randint(ks[1], (2, E), 0, N, dtype=jnp.int32)
    batch = jnp.sort(jax.random.randint(ks[2], (N,), 0, NUM_GRAPHS, dtype=jnp.int32))
    s1 = 1.0 / np.sqrt(F_IN)
    s2 = 1.0 / np.sqrt(HEADS * C)
    W1 = jax.random.normal(ks[3], (F_IN, HEADS * C), dtype=jnp.float32) * s1
    a1_src = jax.random.normal(ks[4], (HEADS, C), dtype=jnp.float32) * s2
    a1_dst = jax.random.normal(ks[5], (HEADS, C), dtype=jnp.float32) * s2
    b1 = jnp.zeros((HEADS * C,), dtype=jnp.float32)
    W2 = jax.random.normal(ks[6], (HEADS * C, HEADS * C), dtype=jnp.float32) * s2
    a2_src = jax.random.normal(ks[7], (HEADS, C), dtype=jnp.float32) * s2
    a2_dst = jax.random.normal(ks[8], (HEADS, C), dtype=jnp.float32) * s2
    b2 = jnp.zeros((HEADS * C,), dtype=jnp.float32)
    Wl = jax.random.normal(ks[9], (HEADS * C, OUT), dtype=jnp.float32) * s2
    bl = jnp.zeros((OUT,), dtype=jnp.float32)
    return {"x": x, "edge_index": edge_index, "batch": batch,
            "W1": W1, "a1_src": a1_src, "a1_dst": a1_dst, "b1": b1,
            "W2": W2, "a2_src": a2_src, "a2_dst": a2_dst, "b2": b2,
            "Wl": Wl, "bl": bl}


def _segment_softmax(scores, seg, num_segments):
    smax = jax.ops.segment_max(scores, seg, num_segments=num_segments)
    smax = jnp.where(jnp.isfinite(smax), smax, 0.0)
    ex = jnp.exp(scores - smax[seg])
    denom = jax.ops.segment_sum(ex, seg, num_segments=num_segments)
    return ex / (denom[seg] + 1e-16)


def _gat_conv(x, edge_index, W, a_src, a_dst, b):
    n = x.shape[0]
    loops = jnp.arange(n, dtype=edge_index.dtype)
    ei = jnp.concatenate([edge_index, jnp.stack([loops, loops])], axis=1)
    src, dst = ei[0], ei[1]
    h = (x @ W).reshape(n, HEADS, C)
    alpha_src = (h * a_src[None, :, :]).sum(-1)
    alpha_dst = (h * a_dst[None, :, :]).sum(-1)
    e = jax.nn.leaky_relu(alpha_src[src] + alpha_dst[dst], NEG_SLOPE)
    att = _segment_softmax(e, dst, n)
    msg = h[src] * att[:, :, None]
    out = jax.ops.segment_sum(msg, dst, num_segments=n)
    return out.reshape(n, HEADS * C) + b


def reference(x, edge_index, batch, W1, a1_src, a1_dst, b1, W2, a2_src, a2_dst, b2, Wl, bl):
    h = jax.nn.relu(_gat_conv(x, edge_index, W1, a1_src, a1_dst, b1))
    h = jax.nn.relu(_gat_conv(h, edge_index, W2, a2_src, a2_dst, b2))
    sums = jax.ops.segment_sum(h, batch, num_segments=NUM_GRAPHS)
    counts = jax.ops.segment_sum(jnp.ones((h.shape[0],), h.dtype), batch, num_segments=NUM_GRAPHS)
    pooled = sums / jnp.maximum(counts, 1.0)[:, None]
    return pooled @ Wl + bl

if __name__ == "__main__":
    import jax
    _d = setup_inputs()
    print(jax.jit(kernel)(*tuple(_d.values())))

</pallas_src>

<mosaic_0001>
#map = affine_map<(d0, d1) -> (0, 0)>
#map1 = affine_map<(d0, d1) -> (0)>
module attributes {stable_mosaic.version = 14 : i64} {
  func.func @_edge_body(%arg0: i32, %arg1: i32, %arg2: memref<40960x64xf32, #tpu.memory_space<hbm>>, %arg3: memref<643072xi32, #tpu.memory_space<hbm>>, %arg4: memref<10240xf32, #tpu.memory_space<hbm>>, %arg5: memref<10240xf32, #tpu.memory_space<hbm>>, %arg6: memref<1280x64xf32, #tpu.memory_space<hbm>>, %arg7: memref<640xf32, #tpu.memory_space<hbm>>, %arg8: memref<40960x64xf32, #tpu.memory_space<hbm>>, %arg9: memref<20480xf32, #tpu.memory_space<hbm>>, %arg10: memref<10240xf32, #tpu.memory_space<vmem>>, %arg11: memref<10240xf32, #tpu.memory_space<vmem>>, %arg12: memref<512xi32, #tpu.memory_space<vmem>>, %arg13: memref<128xi32, #tpu.memory_space<vmem>>, %arg14: memref<128xi32, #tpu.memory_space<vmem>>, %arg15: memref<128xi32, #tpu.memory_space<vmem>>, %arg16: memref<128xf32, #tpu.memory_space<vmem>>, %arg17: memref<128x64xf32, #tpu.memory_space<vmem>>, %arg18: memref<128xi32, #tpu.memory_space<vmem>>, %arg19: memref<128xi32, #tpu.memory_space<vmem>>, %arg20: memref<128xi32, #tpu.memory_space<vmem>>, %arg21: memref<128xf32, #tpu.memory_space<vmem>>, %arg22: memref<128x64xf32, #tpu.memory_space<vmem>>, %arg23: memref<20480x64xf32, #tpu.memory_space<vmem_shared>>, %arg24: memref<10240xf32, #tpu.memory_space<vmem_shared>>, %arg25: memref<!tpu.dma_semaphore, #tpu.memory_space<semaphore_mem>>, %arg26: memref<!tpu.dma_semaphore, #tpu.memory_space<semaphore_mem>>) attributes {dimension_semantics = [#tpu.dimension_semantics<core_parallel>, #tpu.dimension_semantics<subcore_parallel>], iteration_bounds = array<i64: 2, 16>, scalar_prefetch = 0 : i64, scratch_operands = 17 : i64, tpu.core_type = #tpu.core_type<sc_vector_subcore>, window_params = [{transform_indices = #map}, {transform_indices = #map1}, {transform_indices = #map1}, {transform_indices = #map1}, {transform_indices = #map}, {transform_indices = #map1}, {transform_indices = #map}, {transform_indices = #map1}]} {
    %mul3A = arith.constant 1280 : i32
    %mul3A_0 = arith.muli %arg1, %mul3A : i32
    "tpu.region"() ({
      %run_scoped3A = tpu.sem_alloc : memref<!tpu.dma_semaphore, #tpu.memory_space<semaphore_mem>>
      %dma_start3A_258 = arith.constant 0 : i32
      %dma_start3A_259 = tpu.memref_slice %arg23[%mul3A_0, %dma_start3A_258] : memref<20480x64xf32, #tpu.memory_space<vmem_shared>> -> memref<1280x64xf32, #tpu.memory_space<vmem_shared>>
      tpu.enqueue_dma source(%arg6 : memref<1280x64xf32, #tpu.memory_space<hbm>>) target(%dma_start3A_259 : memref<1280x64xf32, #tpu.memory_space<vmem_shared>>) target_semaphore(%run_scoped3A : memref<!tpu.dma_semaphore, #tpu.memory_space<semaphore_mem>>)
      %dma_wait3A_260 = arith.constant 0 : i32
      %dma_wait3A_261 = tpu.memref_slice %arg23[%mul3A_0, %dma_wait3A_260] : memref<20480x64xf32, #tpu.memory_space<vmem_shared>> -> memref<1280x64xf32, #tpu.memory_space<vmem_shared>>
      tpu.wait_dma2 semaphore(%run_scoped3A : memref<!tpu.dma_semaphore, #tpu.memory_space<semaphore_mem>>) src(%arg6 : memref<1280x64xf32, #tpu.memory_space<hbm>>) dst(%dma_wait3A_261 : memref<1280x64xf32, #tpu.memory_space<vmem_shared>>)
      tpu.yield
    }) : () -> ()
    %mul3A_1 = arith.constant 640 : i32
    %mul3A_2 = arith.muli %arg1, %mul3A_1 : i32
    "tpu.region"() ({
      %run_scoped3A = tpu.sem_alloc : memref<!tpu.dma_semaphore, #tpu.memory_space<semaphore_mem>>
      %dma_start3A_258 = tpu.memref_slice %arg24[%mul3A_2] : memref<10240xf32, #tpu.memory_space<vmem_shared>> -> memref<640xf32, #tpu.memory_space<vmem_shared>>
      tpu.enqueue_dma source(%arg7 : memref<640xf32, #tpu.memory_space<hbm>>) target(%dma_start3A_258 : memref<640xf32, #tpu.memory_space<vmem_shared>>) target_semaphore(%run_scoped3A : memref<!tpu.dma_semaphore, #tpu.memory_space<semaphore_mem>>)
      %dma_wait3A_259 = tpu.memref_slice %arg24[%mul3A_2] : memref<10240xf32, #tpu.memory_space<vmem_shared>> -> memref<640xf32, #tpu.memory_space<vmem_shared>>
      tpu.wait_dma2 semaphore(%run_scoped3A : memref<!tpu.dma_semaphore, #tpu.memory_space<semaphore_mem>>) src(%arg7 : memref<640xf32, #tpu.memory_space<hbm>>) dst(%dma_wait3A_259 : memref<640xf32, #tpu.memory_space<vmem_shared>>)
      tpu.yield
    }) : () -> ()
    "tpu.region"() ({
      %run_scoped3A = tpu.sem_alloc : memref<!tpu.dma_semaphore, #tpu.memory_space<semaphore_mem>>
      tpu.enqueue_dma source(%arg4 : memref<10240xf32, #tpu.memory_space<hbm>>) target(%arg10 : memref<10240xf32, #tpu.memory_space<vmem>>) target_semaphore(%run_scoped3A : memref<!tpu.dma_semaphore, #tpu.memory_space<semaphore_mem>>)
      tpu.wait_dma2 semaphore(%run_scoped3A : memref<!tpu.dma_semaphore, #tpu.memory_space<semaphore_mem>>) src(%arg4 : memref<10240xf32, #tpu.memory_space<hbm>>) dst(%arg10 : memref<10240xf32, #tpu.memory_space<vmem>>)
      tpu.yield
    }) : () -> ()
    "tpu.region"() ({
      %run_scoped3A = tpu.sem_alloc : memref<!tpu.dma_semaphore, #tpu.memory_space<semaphore_mem>>
      tpu.enqueue_dma source(%arg5 : memref<10240xf32, #tpu.memory_space<hbm>>) target(%arg11 : memref<10240xf32, #tpu.memory_space<vmem>>) target_semaphore(%run_scoped3A : memref<!tpu.dma_semaphore, #tpu.memory_space<semaphore_mem>>)
      tpu.wait_dma2 semaphore(%run_scoped3A : memref<!tpu.dma_semaphore, #tpu.memory_space<semaphore_mem>>) src(%arg5 : memref<10240xf32, #tpu.memory_space<hbm>>) dst(%arg11 : memref<10240xf32, #tpu.memory_space<vmem>>)
      tpu.yield
    }) : () -> ()
    %barrier3A = arith.constant 0 : index
    tpu.barrier barrier_id(%barrier3A)
    %eq3A = arith.constant 1 : i32
    %eq3A_3 = arith.cmpi eq, %arg0, %eq3A : i32
    %broadcast_in_dim3A = vector.broadcast %eq3A_3 : i1 to vector<16xi1>
    %add3A = arith.constant 10000 : i32
    %add3A_4 = arith.addi %add3A, %arg1 : i32
    %broadcast_in_dim3A_5 = vector.broadcast %add3A_4 : i32 to vector<16xi32>
    %mul3A_6 = arith.constant 20480 : i32
    %mul3A_7 = arith.muli %arg0, %mul3A_6 : i32
    %broadcast_in_dim3A_8 = vector.broadcast %mul3A_7 : i32 to vector<16xi32>
    %broadcast_in_dim3A_9 = arith.constant 10240 : i32
    %broadcast_in_dim3A_10 = vector.broadcast %broadcast_in_dim3A_9 : i32 to vector<16xi32>
    %broadcast_in_dim3A_11 = arith.constant 0 : i32
    %broadcast_in_dim3A_12 = vector.broadcast %broadcast_in_dim3A_11 : i32 to vector<16xi32>
    %eq3A_13 = arith.constant 1 : i32
    %eq3A_14 = arith.cmpi eq, %arg0, %eq3A_13 : i32
    %jit3A = arith.constant 2.000000e-01 : f32
    %jit3A_15 = arith.constant 1.000000e+00 : f32
    %select_n3A = arith.select %eq3A_14, %jit3A, %jit3A_15 : f32
    %mul3A_16 = arith.constant 157 : i32
    %mul3A_17 = arith.muli %arg1, %mul3A_16 : i32
    %mul3A_18 = arith.constant 2 : i32
    %mul3A_19 = arith.muli %mul3A_17, %mul3A_18 : i32
    %mul3A_20 = arith.constant 128 : i32
    %mul3A_21 = arith.muli %mul3A_19, %mul3A_20 : i32
    "tpu.region"() ({
      %run_scoped3A = tpu.sem_alloc : memref<!tpu.dma_semaphore, #tpu.memory_space<semaphore_mem>>
      %dma_start3A_258 = arith.constant 0 : i32
      %dma_start3A_259 = tpu.memref_slice %arg12[%dma_start3A_258] : memref<512xi32, #tpu.memory_space<vmem>> -> memref<256xi32, #tpu.memory_space<vmem>>
      %dma_start3A_260 = tpu.memref_slice %arg3[%mul3A_21] : memref<643072xi32, #tpu.memory_space<hbm>> -> memref<256xi32, #tpu.memory_space<hbm>>
      %dma_start3A_261 = arith.constant 0 : i32
      %dma_start3A_262 = tpu.memref_slice %arg12[%dma_start3A_261] : memref<512xi32, #tpu.memory_space<vmem>> -> memref<256xi32, #tpu.memory_space<vmem>>
      %dma_start3A_263 = tpu.memref_slice %arg3[%mul3A_21] : memref<643072xi32, #tpu.memory_space<hbm>> -> memref<256xi32, #tpu.memory_space<hbm>>
      tpu.enqueue_dma source(%dma_start3A_263 : memref<256xi32, #tpu.memory_space<hbm>>) target(%dma_start3A_262 : memref<256xi32, #tpu.memory_space<vmem>>) target_semaphore(%run_scoped3A : memref<!tpu.dma_semaphore, #tpu.memory_space<semaphore_mem>>)
      %dma_wait3A_264 = arith.constant 0 : i32
      %dma_wait3A_265 = tpu.memref_slice %arg12[%dma_wait3A_264] : memref<512xi32, #tpu.memory_space<vmem>> -> memref<256xi32, #tpu.memory_space<vmem>>
      %dma_wait3A_266 = tpu.memref_slice %arg3[%mul3A_21] : memref<643072xi32, #tpu.memory_space<hbm>> -> memref<256xi32, #tpu.memory_space<hbm>>
      %dma_wait3A_267 = arith.constant 0 : i32
      %dma_wait3A_268 = tpu.memref_slice %arg12[%dma_wait3A_267] : memref<512xi32, #tpu.memory_space<vmem>> -> memref<256xi32, #tpu.memory_space<vmem>>
      %dma_wait3A_269 = tpu.memref_slice %arg3[%mul3A_21] : memref<643072xi32, #tpu.memory_space<hbm>> -> memref<256xi32, #tpu.memory_space<hbm>>
      tpu.wait_dma2 semaphore(%run_scoped3A : memref<!tpu.dma_semaphore, #tpu.memory_space<semaphore_mem>>) src(%dma_wait3A_269 : memref<256xi32, #tpu.memory_space<hbm>>) dst(%dma_wait3A_268 : memref<256xi32, #tpu.memory_space<vmem>>)
      tpu.yield
    }) : () -> ()
    %get3A = arith.constant 0 : index
    %get3A_22 = tpu.vector_load %arg12[%get3A] {strides = array<i32>} : memref<512xi32, #tpu.memory_space<vmem>>, vector<16xi32>,
    %get3A_23 = arith.constant 128 : index
    %get3A_24 = tpu.vector_load %arg12[%get3A_23] {strides = array<i32>} : memref<512xi32, #tpu.memory_space<vmem>>, vector<16xi32>,
    %gather3A = tpu.vector_load_idx %arg10[%get3A_22] : memref<10240xf32, #tpu.memory_space<vmem>>[vector<16xi32>], vector<16xf32>,
    %gather3A_25 = tpu.vector_load_idx %arg11[%get3A_24] : memref<10240xf32, #tpu.memory_space<vmem>>[vector<16xi32>], vector<16xf32>,
    %add3A_26 = arith.addf %gather3A, %gather3A_25 : vector<16xf32>
    %gt3A = arith.constant 0.000000e+00 : f32
    %gt3A_27 = vector.broadcast %gt3A : f32 to vector<16xf32>
    %gt3A_28 = arith.cmpf ogt, %add3A_26, %gt3A_27 : vector<16xf32>
    %select_n3A_29 = arith.select %gt3A_28, %broadcast_in_dim3A_12, %broadcast_in_dim3A_10 : vector<16xi1>, vector<16xi32>
    %add3A_30 = arith.addi %get3A_22, %broadcast_in_dim3A_8 : vector<16xi32>
    %add3A_31 = arith.addi %add3A_30, %select_n3A_29 : vector<16xi32>
    %swap3A = arith.constant 0 : index
    %swap3A_32 = tpu.vector_load %arg13[%swap3A] {strides = array<i32>} : memref<128xi32, #tpu.memory_space<vmem>>, vector<16xi32>,
    tpu.vector_store %arg13[%swap3A], %add3A_31 {strides = array<i32>} : memref<128xi32, #tpu.memory_space<vmem>>, vector<16xi32>,
    %add3A_33 = arith.addi %get3A_24, %select_n3A_29 : vector<16xi32>
    %swap3A_34 = arith.constant 0 : index
    %swap3A_35 = tpu.vector_load %arg14[%swap3A_34] {strides = array<i32>} : memref<128xi32, #tpu.memory_space<vmem>>, vector<16xi32>,
    tpu.vector_store %arg14[%swap3A_34], %add3A_33 {strides = array<i32>} : memref<128xi32, #tpu.memory_space<vmem>>, vector<16xi32>,
    %ne3A = arith.xori %gt3A_28, %broadcast_in_dim3A : vector<16xi1>
    %select_n3A_36 = arith.select %ne3A, %get3A_24, %broadcast_in_dim3A_5 : vector<16xi1>, vector<16xi32>
    %swap3A_37 = arith.constant 0 : index
    %swap3A_38 = tpu.vector_load %arg15[%swap3A_37] {strides = array<i32>} : memref<128xi32, #tpu.memory_space<vmem>>, vector<16xi32>,
    tpu.vector_store %arg15[%swap3A_37], %select_n3A_36 {strides = array<i32>} : memref<128xi32, #tpu.memory_space<vmem>>, vector<16xi32>,
    %mul3A_39 = vector.broadcast %select_n3A : f32 to vector<16xf32>
    %mul3A_40 = arith.mulf %mul3A_39, %gather3A : vector<16xf32>
    %exp3A = math.exp %mul3A_40 : vector<16xf32>
    %swap3A_41 = arith.constant 0 : index
    %swap3A_42 = tpu.vector_load %arg16[%swap3A_41] {strides = array<i32>} : memref<128xf32, #tpu.memory_space<vmem>>, vector<16xf32>,
    tpu.vector_store %arg16[%swap3A_41], %exp3A {strides = array<i32>} : memref<128xf32, #tpu.memory_space<vmem>>, vector<16xf32>,
    %get3A_43 = arith.constant 16 : index
    %get3A_44 = tpu.vector_load %arg12[%get3A_43] {strides = array<i32>} : memref<512xi32, #tpu.memory_space<vmem>>, vector<16xi32>,
    %get3A_45 = arith.constant 144 : index
    %get3A_46 = tpu.vector_load %arg12[%get3A_45] {strides = array<i32>} : memref<512xi32, #tpu.memory_space<vmem>>, vector<16xi32>,
    %gather3A_47 = tpu.vector_load_idx %arg10[%get3A_44] : memref<10240xf32, #tpu.memory_space<vmem>>[vector<16xi32>], vector<16xf32>,
    %gather3A_48 = tpu.vector_load_idx %arg11[%get3A_46] : memref<10240xf32, #tpu.memory_space<vmem>>[vector<16xi32>], vector<16xf32>,
    %add3A_49 = arith.addf %gather3A_47, %gather3A_48 : vector<16xf32>
    %gt3A_50 = arith.constant 0.000000e+00 : f32
    %gt3A_51 = vector.broadcast %gt3A_50 : f32 to vector<16xf32>
    %gt3A_52 = arith.cmpf ogt, %add3A_49, %gt3A_51 : vector<16xf32>
    %select_n3A_53 = arith.select %gt3A_52, %broadcast_in_dim3A_12, %broadcast_in_dim3A_10 : vector<16xi1>, vector<16xi32>
    %add3A_54 = arith.addi %get3A_44, %broadcast_in_dim3A_8 : vector<16xi32>
    %add3A_55 = arith.addi %add3A_54, %select_n3A_53 : vector<16xi32>
    %swap3A_56 = arith.constant 16 : index
    %swap3A_57 = tpu.vector_load %arg13[%swap3A_56] {strides = array<i32>} : memref<128xi32, #tpu.memory_space<vmem>>, vector<16xi32>,
    tpu.vector_store %arg13[%swap3A_56], %add3A_55 {strides = array<i32>} : memref<128xi32, #tpu.memory_space<vmem>>, vector<16xi32>,
    %add3A_58 = arith.addi %get3A_46, %select_n3A_53 : vector<16xi32>
    %swap3A_59 = arith.constant 16 : index
    %swap3A_60 = tpu.vector_load %arg14[%swap3A_59] {strides = array<i32>} : memref<128xi32, #tpu.memory_space<vmem>>, vector<16xi32>,
    tpu.vector_store %arg14[%swap3A_59], %add3A_58 {strides = array<i32>} : memref<128xi32, #tpu.memory_space<vmem>>, vector<16xi32>,
    %ne3A_61 = arith.xori %gt3A_52, %broadcast_in_dim3A : vector<16xi1>
    %select_n3A_62 = arith.select %ne3A_61, %get3A_46, %broadcast_in_dim3A_5 : vector<16xi1>, vector<16xi32>
    %swap3A_63 = arith.constant 16 : index
    %swap3A_64 = tpu.vector_load %arg15[%swap3A_63] {strides = array<i32>} : memref<128xi32, #tpu.memory_space<vmem>>, vector<16xi32>,
    tpu.vector_store %arg15[%swap3A_63], %select_n3A_62 {strides = array<i32>} : memref<128xi32, #tpu.memory_space<vmem>>, vector<16xi32>,
    %mul3A_65 = vector.broadcast %select_n3A : f32 to vector<16xf32>
    %mul3A_66 = arith.mulf %mul3A_65, %gather3A_47 : vector<16xf32>
    %exp3A_67 = math.exp %mul3A_66 : vector<16xf32>
    %swap3A_68 = arith.constant 16 : index
    %swap3A_69 = tpu.vector_load %arg16[%swap3A_68] {strides = array<i32>} : memref<128xf32, #tpu.memory_space<vmem>>, vector<16xf32>,
    tpu.vector_store %arg16[%swap3A_68], %exp3A_67 {strides = array<i32>} : memref<128xf32, #tpu.memory_space<vmem>>, vector<16xf32>,
    %get3A_70 = arith.constant 32 : index
    %get3A_71 = tpu.vector_load %arg12[%get3A_70] {strides = array<i32>} : memref<512xi32, #tpu.memory_space<vmem>>, vector<16xi32>,
    %get3A_72 = arith.constant 160 : index
    %get3A_73 = tpu.vector_load %arg12[%get3A_72] {strides = array<i32>} : memref<512xi32, #tpu.memory_space<vmem>>, vector<16xi32>,
    %gather3A_74 = tpu.vector_load_idx %arg10[%get3A_71] : memref<10240xf32, #tpu.memory_space<vmem>>[vector<16xi32>], vector<16xf32>,
    %gather3A_75 = tpu.vector_load_idx %arg11[%get3A_73] : memref<10240xf32, #tpu.memory_space<vmem>>[vector<16xi32>], vector<16xf32>,
    %add3A_76 = arith.addf %gather3A_74, %gather3A_75 : vector<16xf32>
    %gt3A_77 = arith.constant 0.000000e+00 : f32
    %gt3A_78 = vector.broadcast %gt3A_77 : f32 to vector<16xf32>
    %gt3A_79 = arith.cmpf ogt, %add3A_76, %gt3A_78 : vector<16xf32>
    %select_n3A_80 = arith.select %gt3A_79, %broadcast_in_dim3A_12, %broadcast_in_dim3A_10 : vector<16xi1>, vector<16xi32>
    %add3A_81 = arith.addi %get3A_71, %broadcast_in_dim3A_8 : vector<16xi32>
    %add3A_82 = arith.addi %add3A_81, %select_n3A_80 : vector<16xi32>
    %swap3A_83 = arith.constant 32 : index
    %swap3A_84 = tpu.vector_load %arg13[%swap3A_83] {strides = array<i32>} : memref<128xi32, #tpu.memory_space<vmem>>, vector<16xi32>,
    tpu.vector_store %arg13[%swap3A_83], %add3A_82 {strides = array<i32>} : memref<128xi32, #tpu.memory_space<vmem>>, vector<16xi32>,
    %add3A_85 = arith.addi %get3A_73, %select_n3A_80 : vector<16xi32>
    %swap3A_86 = arith.constant 32 : index
    %swap3A_87 = tpu.vector_load %arg14[%swap3A_86] {strides = array<i32>} : memref<128xi32, #tpu.memory_space<vmem>>, vector<16xi32>,
    tpu.vector_store %arg14[%swap3A_86], %add3A_85 {strides = array<i32>} : memref<128xi32, #tpu.memory_space<vmem>>, vector<16xi32>,
    %ne3A_88 = arith.xori %gt3A_79, %broadcast_in_dim3A : vector<16xi1>
    %select_n3A_89 = arith.select %ne3A_88, %get3A_73, %broadcast_in_dim3A_5 : vector<16xi1>, vector<16xi32>
    %swap3A_90 = arith.constant 32 : index
    %swap3A_91 = tpu.vector_load %arg15[%swap3A_90] {strides = array<i32>} : memref<128xi32, #tpu.memory_space<vmem>>, vector<16xi32>,
    tpu.vector_store %arg15[%swap3A_90], %select_n3A_89 {strides = array<i32>} : memref<128xi32, #tpu.memory_space<vmem>>, vector<16xi32>,
    %mul3A_92 = vector.broadcast %select_n3A : f32 to vector<16xf32>
    %mul3A_93 = arith.mulf %mul3A_92, %gather3A_74 : vector<16xf32>
    %exp3A_94 = math.exp %mul3A_93 : vector<16xf32>
    %swap3A_95 = arith.constant 32 : index
    %swap3A_96 = tpu.vector_load %arg16[%swap3A_95] {strides = array<i32>} : memref<128xf32, #tpu.memory_space<vmem>>, vector<16xf32>,
    tpu.vector_store %arg16[%swap3A_95], %exp3A_94 {strides = array<i32>} : memref<128xf32, #tpu.memory_space<vmem>>, vector<16xf32>,
    %get3A_97 = arith.constant 48 : index
    %get3A_98 = tpu.vector_load %arg12[%get3A_97] {strides = array<i32>} : memref<512xi32, #tpu.memory_space<vmem>>, vector<16xi32>,
    %get3A_99 = arith.constant 176 : index
    %get3A_100 = tpu.vector_load %arg12[%get3A_99] {strides = array<i32>} : memref<512xi32, #tpu.memory_space<vmem>>, vector<16xi32>,
    %gather3A_101 = tpu.vector_load_idx %arg10[%get3A_98] : memref<10240xf32, #tpu.memory_space<vmem>>[vector<16xi32>], vector<16xf32>,
    %gather3A_102 = tpu.vector_load_idx %arg11[%get3A_100] : memref<10240xf32, #tpu.memory_space<vmem>>[vector<16xi32>], vector<16xf32>,
    %add3A_103 = arith.addf %gather3A_101, %gather3A_102 : vector<16xf32>
    %gt3A_104 = arith.constant 0.000000e+00 : f32
    %gt3A_105 = vector.broadcast %gt3A_104 : f32 to vector<16xf32>
    %gt3A_106 = arith.cmpf ogt, %add3A_103, %gt3A_105 : vector<16xf32>
    %select_n3A_107 = arith.select %gt3A_106, %broadcast_in_dim3A_12, %broadcast_in_dim3A_10 : vector<16xi1>, vector<16xi32>
    %add3A_108 = arith.addi %get3A_98, %broadcast_in_dim3A_8 : vector<16xi32>
    %add3A_109 = arith.addi %add3A_108, %select_n3A_107 : vector<16xi32>
    %swap3A_110 = arith.constant 48 : index
    %swap3A_111 = tpu.vector_load %arg13[%swap3A_110] {strides = array<i32>} : memref<128xi32, #tpu.memory_space<vmem>>, vector<16xi32>,
    tpu.vector_store %arg13[%swap3A_110], %add3A_109 {strides = array<i32>} : memref<128xi32, #tpu.memory_space<vmem>>, vector<16xi32>,
    %add3A_112 = arith.addi %get3A_100, %select_n3A_107 : vector<16xi32>
    %swap3A_113 = arith.constant 48 : index
    %swap3A_114 = tpu.vector_load %arg14[%swap3A_113] {strides = array<i32>} : memref<128xi32, #tpu.memory_space<vmem>>, vector<16xi32>,
    tpu.vector_store %arg14[%swap3A_113], %add3A_112 {strides = array<i32>} : memref<128xi32, #tpu.memory_space<vmem>>, vector<16xi32>,
    %ne3A_115 = arith.xori %gt3A_106, %broadcast_in_dim3A : vector<16xi1>
    %select_n3A_116 = arith.select %ne3A_115, %get3A_100, %broadcast_in_dim3A_5 : vector<16xi1>, vector<16xi32>
    %swap3A_117 = arith.constant 48 : index
    %swap3A_118 = tpu.vector_load %arg15[%swap3A_117] {strides = array<i32>} : memref<128xi32, #tpu.memory_space<vmem>>, vector<16xi32>,
    tpu.vector_store %arg15[%swap3A_117], %select_n3A_116 {strides = array<i32>} : memref<128xi32, #tpu.memory_space<vmem>>, vector<16xi32>,
    %mul3A_119 = vector.broadcast %select_n3A : f32 to vector<16xf32>
    %mul3A_120 = arith.mulf %mul3A_119, %gather3A_101 : vector<16xf32>
    %exp3A_121 = math.exp %mul3A_120 : vector<16xf32>
    %swap3A_122 = arith.constant 48 : index
    %swap3A_123 = tpu.vector_load %arg16[%swap3A_122] {strides = array<i32>} : memref<128xf32, #tpu.memory_space<vmem>>, vector<16xf32>,
    tpu.vector_store %arg16[%swap3A_122], %exp3A_121 {strides = array<i32>} : memref<128xf32, #tpu.memory_space<vmem>>, vector<16xf32>,
    %get3A_124 = arith.constant 64 : index
    %get3A_125 = tpu.vector_load %arg12[%get3A_124] {strides = array<i32>} : memref<512xi32, #tpu.memory_space<vmem>>, vector<16xi32>,
    %get3A_126 = arith.constant 192 : index
    %get3A_127 = tpu.vector_load %arg12[%get3A_126] {strides = array<i32>} : memref<512xi32, #tpu.memory_space<vmem>>, vector<16xi32>,
    %gather3A_128 = tpu.vector_load_idx %arg10[%get3A_125] : memref<10240xf32, #tpu.memory_space<vmem>>[vector<16xi32>], vector<16xf32>,
    %gather3A_129 = tpu.vector_load_idx %arg11[%get3A_127] : memref<10240xf32, #tpu.memory_space<vmem>>[vector<16xi32>], vector<16xf32>,
    %add3A_130 = arith.addf %gather3A_128, %gather3A_129 : vector<16xf32>
    %gt3A_131 = arith.constant 0.000000e+00 : f32
    %gt3A_132 = vector.broadcast %gt3A_131 : f32 to vector<16xf32>
    %gt3A_133 = arith.cmpf ogt, %add3A_130, %gt3A_132 : vector<16xf32>
    %select_n3A_134 = arith.select %gt3A_133, %broadcast_in_dim3A_12, %broadcast_in_dim3A_10 : vector<16xi1>, vector<16xi32>
    %add3A_135 = arith.addi %get3A_125, %broadcast_in_dim3A_8 : vector<16xi32>
    %add3A_136 = arith.addi %add3A_135, %select_n3A_134 : vector<16xi32>
    %swap3A_137 = arith.constant 64 : index
    %swap3A_138 = tpu.vector_load %arg13[%swap3A_137] {strides = array<i32>} : memref<128xi32, #tpu.memory_space<vmem>>, vector<16xi32>,
    tpu.vector_store %arg13[%swap3A_137], %add3A_136 {strides = array<i32>} : memref<128xi32, #tpu.memory_space<vmem>>, vector<16xi32>,
    %add3A_139 = arith.addi %get3A_127, %select_n3A_134 : vector<16xi32>
    %swap3A_140 = arith.constant 64 : index
    %swap3A_141 = tpu.vector_load %arg14[%swap3A_140] {strides = array<i32>} : memref<128xi32, #tpu.memory_space<vmem>>, vector<16xi32>,
    tpu.vector_store %arg14[%swap3A_140], %add3A_139 {strides = array<i32>} : memref<128xi32, #tpu.memory_space<vmem>>, vector<16xi32>,
    %ne3A_142 = arith.xori %gt3A_133, %broadcast_in_dim3A : vector<16xi1>
    %select_n3A_143 = arith.select %ne3A_142, %get3A_127, %broadcast_in_dim3A_5 : vector<16xi1>, vector<16xi32>
    %swap3A_144 = arith.constant 64 : index
    %swap3A_145 = tpu.vector_load %arg15[%swap3A_144] {strides = array<i32>} : memref<128xi32, #tpu.memory_space<vmem>>, vector<16xi32>,
    tpu.vector_store %arg15[%swap3A_144], %select_n3A_143 {strides = array<i32>} : memref<128xi32, #tpu.memory_space<vmem>>, vector<16xi32>,
    %mul3A_146 = vector.broadcast %select_n3A : f32 to vector<16xf32>
    %mul3A_147 = arith.mulf %mul3A_146, %gather3A_128 : vector<16xf32>
    %exp3A_148 = math.exp %mul3A_147 : vector<16xf32>
    %swap3A_149 = arith.constant 64 : index
    %swap3A_150 = tpu.vector_load %arg16[%swap3A_149] {strides = array<i32>} : memref<128xf32, #tpu.memory_space<vmem>>, vector<16xf32>,
    tpu.vector_store %arg16[%swap3A_149], %exp3A_148 {strides = array<i32>} : memref<128xf32, #tpu.memory_space<vmem>>, vector<16xf32>,
    %get3A_151 = arith.constant 80 : index
    %get3A_152 = tpu.vector_load %arg12[%get3A_151] {strides = array<i32>} : memref<512xi32, #tpu.memory_space<vmem>>, vector<16xi32>,
    %get3A_153 = arith.constant 208 : index
    %get3A_154 = tpu.vector_load %arg12[%get3A_153] {strides = array<i32>} : memref<512xi32, #tpu.memory_space<vmem>>, vector<16xi32>,
    %gather3A_155 = tpu.vector_load_idx %arg10[%get3A_152] : memref<10240xf32, #tpu.memory_space<vmem>>[vector<16xi32>], vector<16xf32>,
    %gather3A_156 = tpu.vector_load_idx %arg11[%get3A_154] : memref<10240xf32, #tpu.memory_space<vmem>>[vector<16xi32>], vector<16xf32>,
    %add3A_157 = arith.addf %gather3A_155, %gather3A_156 : vector<16xf32>
    %gt3A_158 = arith.constant 0.000000e+00 : f32
    %gt3A_159 = vector.broadcast %gt3A_158 : f32 to vector<16xf32>
    %gt3A_160 = arith.cmpf ogt, %add3A_157, %gt3A_159 : vector<16xf32>
    %select_n3A_161 = arith.select %gt3A_160, %broadcast_in_dim3A_12, %broadcast_in_dim3A_10 : vector<16xi1>, vector<16xi32>
    %add3A_162 = arith.addi %get3A_152, %broadcast_in_dim3A_8 : vector<16xi32>
    %add3A_163 = arith.addi %add3A_162, %select_n3A_161 : vector<16xi32>
    %swap3A_164 = arith.constant 80 : index
    %swap3A_165 = tpu.vector_load %arg13[%swap3A_164] {strides = array<i32>} : memref<128xi32, #tpu.memory_space<vmem>>, vector<16xi32>,
    tpu.vector_store %arg13[%swap3A_164], %add3A_163 {strides = array<i32>} : memref<128xi32, #tpu.memory_space<vmem>>, vector<16xi32>,
    %add3A_166 = arith.addi %get3A_154, %select_n3A_161 : vector<16xi32>
    %swap3A_167 = arith.constant 80 : index
    %swap3A_168 = tpu.vector_load %arg14[%swap3A_167] {strides = array<i32>} : memref<128xi32, #tpu.memory_space<vmem>>, vector<16xi32>,
    tpu.vector_store %arg14[%swap3A_167], %add3A_166 {strides = array<i32>} : memref<128xi32, #tpu.memory_space<vmem>>, vector<16xi32>,
    %ne3A_169 = arith.xori %gt3A_160, %broadcast_in_dim3A : vector<16xi1>
    %select_n3A_170 = arith.select %ne3A_169, %get3A_154, %broadcast_in_dim3A_5 : vector<16xi1>, vector<16xi32>
    %swap3A_171 = arith.constant 80 : index
    %swap3A_172 = tpu.vector_load %arg15[%swap3A_171] {strides = array<i32>} : memref<128xi32, #tpu.memory_space<vmem>>, vector<16xi32>,
    tpu.vector_store %arg15[%swap3A_171], %select_n3A_170 {strides = array<i32>} : memref<128xi32, #tpu.memory_space<vmem>>, vector<16xi32>,
    %mul3A_173 = vector.broadcast %select_n3A : f32 to vector<16xf32>
    %mul3A_174 = arith.mulf %mul3A_173, %gather3A_155 : vector<16xf32>
    %exp3A_175 = math.exp %mul3A_174 : vector<16xf32>
    %swap3A_176 = arith.constant 80 : index
    %swap3A_177 = tpu.vector_load %arg16[%swap3A_176] {strides = array<i32>} : memref<128xf32, #tpu.memory_space<vmem>>, vector<16xf32>,
    tpu.vector_store %arg16[%swap3A_176], %exp3A_175 {strides = array<i32>} : memref<128xf32, #tpu.memory_space<vmem>>, vector<16xf32>,
    %get3A_178 = arith.constant 96 : index
    %get3A_179 = tpu.vector_load %arg12[%get3A_178] {strides = array<i32>} : memref<512xi32, #tpu.memory_space<vmem>>, vector<16xi32>,
    %get3A_180 = arith.constant 224 : index
    %get3A_181 = tpu.vector_load %arg12[%get3A_180] {strides = array<i32>} : memref<512xi32, #tpu.memory_space<vmem>>, vector<16xi32>,
    %gather3A_182 = tpu.vector_load_idx %arg10[%get3A_179] : memref<10240xf32, #tpu.memory_space<vmem>>[vector<16xi32>], vector<16xf32>,
    %gather3A_183 = tpu.vector_load_idx %arg11[%get3A_181] : memref<10240xf32, #tpu.memory_space<vmem>>[vector<16xi32>], vector<16xf32>,
    %add3A_184 = arith.addf %gather3A_182, %gather3A_183 : vector<16xf32>
    %gt3A_185 = arith.constant 0.000000e+00 : f32
    %gt3A_186 = vector.broadcast %gt3A_185 : f32 to vector<16xf32>
    %gt3A_187 = arith.cmpf ogt, %add3A_184, %gt3A_186 : vector<16xf32>
    %select_n3A_188 = arith.select %gt3A_187, %broadcast_in_dim3A_12, %broadcast_in_dim3A_10 : vector<16xi1>, vector<16xi32>
    %add3A_189 = arith.addi %get3A_179, %broadcast_in_dim3A_8 : vector<16xi32>
    %add3A_190 = arith.addi %add3A_189, %select_n3A_188 : vector<16xi32>
    %swap3A_191 = arith.constant 96 : index
    %swap3A_192 = tpu.vector_load %arg13[%swap3A_191] {strides = array<i32>} : memref<128xi32, #tpu.memory_space<vmem>>, vector<16xi32>,
    tpu.vector_store %arg13[%swap3A_191], %add3A_190 {strides = array<i32>} : memref<128xi32, #tpu.memory_space<vmem>>, vector<16xi32>,
    %add3A_193 = arith.addi %get3A_181, %select_n3A_188 : vector<16xi32>
    %swap3A_194 = arith.constant 96 : index
    %swap3A_195 = tpu.vector_load %arg14[%swap3A_194] {strides = array<i32>} : memref<128xi32, #tpu.memory_space<vmem>>, vector<16xi32>,
    tpu.vector_store %arg14[%swap3A_194], %add3A_193 {strides = array<i32>} : memref<128xi32, #tpu.memory_space<vmem>>, vector<16xi32>,
    %ne3A_196 = arith.xori %gt3A_187, %broadcast_in_dim3A : vector<16xi1>
    %select_n3A_197 = arith.select %ne3A_196, %get3A_181, %broadcast_in_dim3A_5 : vector<16xi1>, vector<16xi32>
    %swap3A_198 = arith.constant 96 : index
    %swap3A_199 = tpu.vector_load %arg15[%swap3A_198] {strides = array<i32>} : memref<128xi32, #tpu.memory_space<vmem>>, vector<16xi32>,
    tpu.vector_store %arg15[%swap3A_198], %select_n3A_197 {strides = array<i32>} : memref<128xi32, #tpu.memory_space<vmem>>, vector<16xi32>,
    %mul3A_200 = vector.broadcast %select_n3A : f32 to vector<16xf32>
    %mul3A_201 = arith.mulf %mul3A_200, %gather3A_182 : vector<16xf32>
    %exp3A_202 = math.exp %mul3A_201 : vector<16xf32>
    %swap3A_203 = arith.constant 96 : index
    %swap3A_204 = tpu.vector_load %arg16[%swap3A_203] {strides = array<i32>} : memref<128xf32, #tpu.memory_space<vmem>>, vector<16xf32>,
    tpu.vector_store %arg16[%swap3A_203], %exp3A_202 {strides = array<i32>} : memref<128xf32, #tpu.memory_space<vmem>>, vector<16xf32>,
    %get3A_205 = arith.constant 112 : index
    %get3A_206 = tpu.vector_load %arg12[%get3A_205] {strides = array<i32>} : memref<512xi32, #tpu.memory_space<vmem>>, vector<16xi32>,
    %get3A_207 = arith.constant 240 : index
    %get3A_208 = tpu.vector_load %arg12[%get3A_207] {strides = array<i32>} : memref<512xi32, #tpu.memory_space<vmem>>, vector<16xi32>,
    %gather3A_209 = tpu.vector_load_idx %arg10[%get3A_206] : memref<10240xf32, #tpu.memory_space<vmem>>[vector<16xi32>], vector<16xf32>,
    %gather3A_210 = tpu.vector_load_idx %arg11[%get3A_208] : memref<10240xf32, #tpu.memory_space<vmem>>[vector<16xi32>], vector<16xf32>,
    %add3A_211 = arith.addf %gather3A_209, %gather3A_210 : vector<16xf32>
    %gt3A_212 = arith.constant 0.000000e+00 : f32
    %gt3A_213 = vector.broadcast %gt3A_212 : f32 to vector<16xf32>
    %gt3A_214 = arith.cmpf ogt, %add3A_211, %gt3A_213 : vector<16xf32>
    %select_n3A_215 = arith.select %gt3A_214, %broadcast_in_dim3A_12, %broadcast_in_dim3A_10 : vector<16xi1>, vector<16xi32>
    %add3A_216 = arith.addi %get3A_206, %broadcast_in_dim3A_8 : vector<16xi32>
    %add3A_217 = arith.addi %add3A_216, %select_n3A_215 : vector<16xi32>
    %swap3A_218 = arith.constant 112 : index
    %swap3A_219 = tpu.vector_load %arg13[%swap3A_218] {strides = array<i32>} : memref<128xi32, #tpu.memory_space<vmem>>, vector<16xi32>,
    tpu.vector_store %arg13[%swap3A_218], %add3A_217 {strides = array<i32>} : memref<128xi32, #tpu.memory_space<vmem>>, vector<16xi32>,
    %add3A_220 = arith.addi %get3A_208, %select_n3A_215 : vector<16xi32>
    %swap3A_221 = arith.constant 112 : index
    %swap3A_222 = tpu.vector_load %arg14[%swap3A_221] {strides = array<i32>} : memref<128xi32, #tpu.memory_space<vmem>>, vector<16xi32>,
    tpu.vector_store %arg14[%swap3A_221], %add3A_220 {strides = array<i32>} : memref<128xi32, #tpu.memory_space<vmem>>, vector<16xi32>,
    %ne3A_223 = arith.xori %gt3A_214, %broadcast_in_dim3A : vector<16xi1>
    %select_n3A_224 = arith.select %ne3A_223, %get3A_208, %broadcast_in_dim3A_5 : vector<16xi1>, vector<16xi32>
    %swap3A_225 = arith.constant 112 : index
    %swap3A_226 = tpu.vector_load %arg15[%swap3A_225] {strides = array<i32>} : memref<128xi32, #tpu.memory_space<vmem>>, vector<16xi32>,
    tpu.vector_store %arg15[%swap3A_225], %select_n3A_224 {strides = array<i32>} : memref<128xi32, #tpu.memory_space<vmem>>, vector<16xi32>,
    %mul3A_227 = vector.broadcast %select_n3A : f32 to vector<16xf32>
    %mul3A_228 = arith.mulf %mul3A_227, %gather3A_209 : vector<16xf32>
    %exp3A_229 = math.exp %mul3A_228 : vector<16xf32>
    %swap3A_230 = arith.constant 112 : index
    %swap3A_231 = tpu.vector_load %arg16[%swap3A_230] {strides = array<i32>} : memref<128xf32, #tpu.memory_space<vmem>>, vector<16xf32>,
    tpu.vector_store %arg16[%swap3A_230], %exp3A_229 {strides = array<i32>} : memref<128xf32, #tpu.memory_space<vmem>>, vector<16xf32>,
    %dma_start3A = arith.constant 0 : i32
    %dma_start3A_232 = arith.constant 0 : i32
    %dma_start3A_233 = tpu.memref_slice %arg2[%dma_start3A, %dma_start3A_232] : memref<40960x64xf32, #tpu.memory_space<hbm>> -> memref<40960x64xf32, #tpu.memory_space<hbm>>
    tpu.enqueue_indirect_dma source(%dma_start3A_233 : memref<40960x64xf32, #tpu.memory_space<hbm>>) target(%arg17 : memref<128x64xf32, #tpu.memory_space<vmem>>) offsets(%arg13 : memref<128xi32, #tpu.memory_space<vmem>>) semaphore(%arg25 : memref<!tpu.dma_semaphore, #tpu.memory_space<semaphore_mem>>)
    %scan3A = arith.constant 0 : i32
    %scan3A_234 = arith.constant 0 : i32
    %scan3A_235 = arith.constant 78 : i32
    %scan3A_236 = arith.addi %scan3A_234, %scan3A_235 : i32
    %scan3A_237 = arith.constant 1 : i32
    scf.for %scan3A_258 = %scan3A_234 to %scan3A_236 step %scan3A_237  : i32 {
      %mul3A_259 = arith.constant 2 : i32
      %mul3A_260 = arith.muli %mul3A_259, %scan3A_258 : i32
      %add3A_261 = arith.constant 1 : i32
      %add3A_262 = arith.addi %mul3A_260, %add3A_261 : i32
      %add3A_263 = arith.addi %mul3A_17, %add3A_262 : i32
      %mul3A_264 = arith.constant 2 : i32
      %mul3A_265 = arith.muli %add3A_263, %mul3A_264 : i32
      %mul3A_266 = arith.constant 128 : i32
      %mul3A_267 = arith.muli %mul3A_265, %mul3A_266 : i32
      "tpu.region"() ({
        %run_scoped3A = tpu.sem_alloc : memref<!tpu.dma_semaphore, #tpu.memory_space<semaphore_mem>>
        %dma_start3A_712 = tpu.memref_slice %arg3[%mul3A_267] : memref<643072xi32, #tpu.memory_space<hbm>> -> memref<512xi32, #tpu.memory_space<hbm>>
        %dma_start3A_713 = tpu.memref_slice %arg3[%mul3A_267] : memref<643072xi32, #tpu.memory_space<hbm>> -> memref<512xi32, #tpu.memory_space<hbm>>
        tpu.enqueue_dma source(%dma_start3A_713 : memref<512xi32, #tpu.memory_space<hbm>>) target(%arg12 : memref<512xi32, #tpu.memory_space<vmem>>) target_semaphore(%run_scoped3A : memref<!tpu.dma_semaphore, #tpu.memory_space<semaphore_mem>>)
        %dma_wait3A_714 = tpu.memref_slice %arg3[%mul3A_267] : memref<643072xi32, #tpu.memory_space<hbm>> -> memref<512xi32, #tpu.memory_space<hbm>>
        %dma_wait3A_715 = tpu.memref_slice %arg3[%mul3A_267] : memref<643072xi32, #tpu.memory_space<hbm>> -> memref<512xi32, #tpu.memory_space<hbm>>
        tpu.wait_dma2 semaphore(%run_scoped3A : memref<!tpu.dma_semaphore, #tpu.memory_space<semaphore_mem>>) src(%dma_wait3A_715 : memref<512xi32, #tpu.memory_space<hbm>>) dst(%arg12 : memref<512xi32, #tpu.memory_space<vmem>>)
        tpu.yield
      }) : () -> ()
      %get3A_268 = arith.constant 0 : index
      %get3A_269 = tpu.vector_load %arg12[%get3A_268] {strides = array<i32>} : memref<512xi32, #tpu.memory_space<vmem>>, vector<16xi32>,
      %get3A_270 = arith.constant 128 : index
      %get3A_271 = tpu.vector_load %arg12[%get3A_270] {strides = array<i32>} : memref<512xi32, #tpu.memory_space<vmem>>, vector<16xi32>,
      %gather3A_272 = tpu.vector_load_idx %arg10[%get3A_269] : memref<10240xf32, #tpu.memory_space<vmem>>[vector<16xi32>], vector<16xf32>,
      %gather3A_273 = tpu.vector_load_idx %arg11[%get3A_271] : memref<10240xf32, #tpu.memory_space<vmem>>[vector<16xi32>], vector<16xf32>,
      %add3A_274 = arith.addf %gather3A_272, %gather3A_273 : vector<16xf32>
      %gt3A_275 = arith.constant 0.000000e+00 : f32
      %gt3A_276 = vector.broadcast %gt3A_275 : f32 to vector<16xf32>
      %gt3A_277 = arith.cmpf ogt, %add3A_274, %gt3A_276 : vector<16xf32>
      %select_n3A_278 = arith.select %gt3A_277, %broadcast_in_dim3A_12, %broadcast_in_dim3A_10 : vector<16xi1>, vector<16xi32>
      %add3A_279 = arith.addi %get3A_269, %broadcast_in_dim3A_8 : vector<16xi32>
      %add3A_280 = arith.addi %add3A_279, %select_n3A_278 : vector<16xi32>
      %swap3A_281 = arith.constant 0 : index
      %swap3A_282 = tpu.vector_load %arg18[%swap3A_281] {strides = array<i32>} : memref<128xi32, #tpu.memory_space<vmem>>, vector<16xi32>,
      tpu.vector_store %arg18[%swap3A_281], %add3A_280 {strides = array<i32>} : memref<128xi32, #tpu.memory_space<vmem>>, vector<16xi32>,
      %add3A_283 = arith.addi %get3A_271, %select_n3A_278 : vector<16xi32>
      %swap3A_284 = arith.constant 0 : index
      %swap3A_285 = tpu.vector_load %arg19[%swap3A_284] {strides = array<i32>} : memref<128xi32, #tpu.memory_space<vmem>>, vector<16xi32>,
      tpu.vector_store %arg19[%swap3A_284], %add3A_283 {strides = array<i32>} : memref<128xi32, #tpu.memory_space<vmem>>, vector<16xi32>,
      %ne3A_286 = arith.xori %gt3A_277, %broadcast_in_dim3A : vector<16xi1>
      %select_n3A_287 = arith.select %ne3A_286, %get3A_271, %broadcast_in_dim3A_5 : vector<16xi1>, vector<16xi32>
      %swap3A_288 = arith.constant 0 : index
      %swap3A_289 = tpu.vector_load %arg20[%swap3A_288] {strides = array<i32>} : memref<128xi32, #tpu.memory_space<vmem>>, vector<16xi32>,
      tpu.vector_store %arg20[%swap3A_288], %select_n3A_287 {strides = array<i32>} : memref<128xi32, #tpu.memory_space<vmem>>, vector<16xi32>,
      %mul3A_290 = vector.broadcast %select_n3A : f32 to vector<16xf32>
      %mul3A_291 = arith.mulf %mul3A_290, %gather3A_272 : vector<16xf32>
      %exp3A_292 = math.exp %mul3A_291 : vector<16xf32>
      %swap3A_293 = arith.constant 0 : index
      %swap3A_294 = tpu.vector_load %arg21[%swap3A_293] {strides = array<i32>} : memref<128xf32, #tpu.memory_space<vmem>>, vector<16xf32>,
      tpu.vector_store %arg21[%swap3A_293], %exp3A_292 {strides = array<i32>} : memref<128xf32, #tpu.memory_space<vmem>>, vector<16xf32>,
      %get3A_295 = arith.constant 16 : index
      %get3A_296 = tpu.vector_load %arg12[%get3A_295] {strides = array<i32>} : memref<512xi32, #tpu.memory_space<vmem>>, vector<16xi32>,
      %get3A_297 = arith.constant 144 : index
      %get3A_298 = tpu.vector_load %arg12[%get3A_297] {strides = array<i32>} : memref<512xi32, #tpu.memory_space<vmem>>, vector<16xi32>,
      %gather3A_299 = tpu.vector_load_idx %arg10[%get3A_296] : memref<10240xf32, #tpu.memory_space<vmem>>[vector<16xi32>], vector<16xf32>,
      %gather3A_300 = tpu.vector_load_idx %arg11[%get3A_298] : memref<10240xf32, #tpu.memory_space<vmem>>[vector<16xi32>], vector<16xf32>,
      %add3A_301 = arith.addf %gather3A_299, %gather3A_300 : vector<16xf32>
      %gt3A_302 = arith.constant 0.000000e+00 : f32
      %gt3A_303 = vector.broadcast %gt3A_302 : f32 to vector<16xf32>
      %gt3A_304 = arith.cmpf ogt, %add3A_301, %gt3A_303 : vector<16xf32>
      %select_n3A_305 = arith.select %gt3A_304, %broadcast_in_dim3A_12, %broadcast_in_dim3A_10 : vector<16xi1>, vector<16xi32>
      %add3A_306 = arith.addi %get3A_296, %broadcast_in_dim3A_8 : vector<16xi32>
      %add3A_307 = arith.addi %add3A_306, %select_n3A_305 : vector<16xi32>
      %swap3A_308 = arith.constant 16 : index
      %swap3A_309 = tpu.vector_load %arg18[%swap3A_308] {strides = array<i32>} : memref<128xi32, #tpu.memory_space<vmem>>, vector<16xi32>,
      tpu.vector_store %arg18[%swap3A_308], %add3A_307 {strides = array<i32>} : memref<128xi32, #tpu.memory_space<vmem>>, vector<16xi32>,
      %add3A_310 = arith.addi %get3A_298, %select_n3A_305 : vector<16xi32>
      %swap3A_311 = arith.constant 16 : index
      %swap3A_312 = tpu.vector_load %arg19[%swap3A_311] {strides = array<i32>} : memref<128xi32, #tpu.memory_space<vmem>>, vector<16xi32>,
      tpu.vector_store %arg19[%swap3A_311], %add3A_310 {strides = array<i32>} : memref<128xi32, #tpu.memory_space<vmem>>, vector<16xi32>,
      %ne3A_313 = arith.xori %gt3A_304, %broadcast_in_dim3A : vector<16xi1>
      %select_n3A_314 = arith.select %ne3A_313, %get3A_298, %broadcast_in_dim3A_5 : vector<16xi1>, vector<16xi32>
      %swap3A_315 = arith.constant 16 : index
      %swap3A_316 = tpu.vector_load %arg20[%swap3A_315] {strides = array<i32>} : memref<128xi32, #tpu.memory_space<vmem>>, vector<16xi32>,
      tpu.vector_store %arg20[%swap3A_315], %select_n3A_314 {strides = array<i32>} : memref<128xi32, #tpu.memory_space<vmem>>, vector<16xi32>,
      %mul3A_317 = vector.broadcast %select_n3A : f32 to vector<16xf32>
      %mul3A_318 = arith.mulf %mul3A_317, %gather3A_299 : vector<16xf32>
      %exp3A_319 = math.exp %mul3A_318 : vector<16xf32>
      %swap3A_320 = arith.constant 16 : index
      %swap3A_321 = tpu.vector_load %arg21[%swap3A_320] {strides = array<i32>} : memref<128xf32, #tpu.memory_space<vmem>>, vector<16xf32>,
      tpu.vector_store %arg21[%swap3A_320], %exp3A_319 {strides = array<i32>} : memref<128xf32, #tpu.memory_space<vmem>>, vector<16xf32>,
      %get3A_322 = arith.constant 32 : index
      %get3A_323 = tpu.vector_load %arg12[%get3A_322] {strides = array<i32>} : memref<512xi32, #tpu.memory_space<vmem>>, vector<16xi32>,
      %get3A_324 = arith.constant 160 : index
      %get3A_325 = tpu.vector_load %arg12[%get3A_324] {strides = array<i32>} : memref<512xi32, #tpu.memory_space<vmem>>, vector<16xi32>,
      %gather3A_326 = tpu.vector_load_idx %arg10[%get3A_323] : memref<10240xf32, #tpu.memory_space<vmem>>[vector<16xi32>], vector<16xf32>,
      %gather3A_327 = tpu.vector_load_idx %arg11[%get3A_325] : memref<10240xf32, #tpu.memory_space<vmem>>[vector<16xi32>], vector<16xf32>,
      %add3A_328 = arith.addf %gather3A_326, %gather3A_327 : vector<16xf32>
      %gt3A_329 = arith.constant 0.000000e+00 : f32
      %gt3A_330 = vector.broadcast %gt3A_329 : f32 to vector<16xf32>
      %gt3A_331 = arith.cmpf ogt, %add3A_328, %gt3A_330 : vector<16xf32>
      %select_n3A_332 = arith.select %gt3A_331, %broadcast_in_dim3A_12, %broadcast_in_dim3A_10 : vector<16xi1>, vector<16xi32>
      %add3A_333 = arith.addi %get3A_323, %broadcast_in_dim3A_8 : vector<16xi32>
      %add3A_334 = arith.addi %add3A_333, %select_n3A_332 : vector<16xi32>
      %swap3A_335 = arith.constant 32 : index
      %swap3A_336 = tpu.vector_load %arg18[%swap3A_335] {strides = array<i32>} : memref<128xi32, #tpu.memory_space<vmem>>, vector<16xi32>,
      tpu.vector_store %arg18[%swap3A_335], %add3A_334 {strides = array<i32>} : memref<128xi32, #tpu.memory_space<vmem>>, vector<16xi32>,
      %add3A_337 = arith.addi %get3A_325, %select_n3A_332 : vector<16xi32>
      %swap3A_338 = arith.constant 32 : index
      %swap3A_339 = tpu.vector_load %arg19[%swap3A_338] {strides = array<i32>} : memref<128xi32, #tpu.memory_space<vmem>>, vector<16xi32>,
      tpu.vector_store %arg19[%swap3A_338], %add3A_337 {strides = array<i32>} : memref<128xi32, #tpu.memory_space<vmem>>, vector<16xi32>,
      %ne3A_340 = arith.xori %gt3A_331, %broadcast_in_dim3A : vector<16xi1>
      %select_n3A_341 = arith.select %ne3A_340, %get3A_325, %broadcast_in_dim3A_5 : vector<16xi1>, vector<16xi32>
      %swap3A_342 = arith.constant 32 : index
      %swap3A_343 = tpu.vector_load %arg20[%swap3A_342] {strides = array<i32>} : memref<128xi32, #tpu.memory_space<vmem>>, vector<16xi32>,
      tpu.vector_store %arg20[%swap3A_342], %select_n3A_341 {strides = array<i32>} : memref<128xi32, #tpu.memory_space<vmem>>, vector<16xi32>,
      %mul3A_344 = vector.broadcast %select_n3A : f32 to vector<16xf32>
      %mul3A_345 = arith.mulf %mul3A_344, %gather3A_326 : vector<16xf32>
      %exp3A_346 = math.exp %mul3A_345 : vector<16xf32>
      %swap3A_347 = arith.constant 32 : index
      %swap3A_348 = tpu.vector_load %arg21[%swap3A_347] {strides = array<i32>} : memref<128xf32, #tpu.memory_space<vmem>>, vector<16xf32>,
      tpu.vector_store %arg21[%swap3A_347], %exp3A_346 {strides = array<i32>} : memref<128xf32, #tpu.memory_space<vmem>>, vector<16xf32>,
      %get3A_349 = arith.constant 48 : index
      %get3A_350 = tpu.vector_load %arg12[%get3A_349] {strides = array<i32>} : memref<512xi32, #tpu.memory_space<vmem>>, vector<16xi32>,
      %get3A_351 = arith.constant 176 : index
      %get3A_352 = tpu.vector_load %arg12[%get3A_351] {strides = array<i32>} : memref<512xi32, #tpu.memory_space<vmem>>, vector<16xi32>,
      %gather3A_353 = tpu.vector_load_idx %arg10[%get3A_350] : memref<10240xf32, #tpu.memory_space<vmem>>[vector<16xi32>], vector<16xf32>,
      %gather3A_354 = tpu.vector_load_idx %arg11[%get3A_352] : memref<10240xf32, #tpu.memory_space<vmem>>[vector<16xi32>], vector<16xf32>,
      %add3A_355 = arith.addf %gather3A_353, %gather3A_354 : vector<16xf32>
      %gt3A_356 = arith.constant 0.000000e+00 : f32
      %gt3A_357 = vector.broadcast %gt3A_356 : f32 to vector<16xf32>
      %gt3A_358 = arith.cmpf ogt, %add3A_355, %gt3A_357 : vector<16xf32>
      %select_n3A_359 = arith.select %gt3A_358, %broadcast_in_dim3A_12, %broadcast_in_dim3A_10 : vector<16xi1>, vector<16xi32>
      %add3A_360 = arith.addi %get3A_350, %broadcast_in_dim3A_8 : vector<16xi32>
      %add3A_361 = arith.addi %add3A_360, %select_n3A_359 : vector<16xi32>
      %swap3A_362 = arith.constant 48 : index
      %swap3A_363 = tpu.vector_load %arg18[%swap3A_362] {strides = array<i32>} : memref<128xi32, #tpu.memory_space<vmem>>, vector<16xi32>,
      tpu.vector_store %arg18[%swap3A_362], %add3A_361 {strides = array<i32>} : memref<128xi32, #tpu.memory_space<vmem>>, vector<16xi32>,
      %add3A_364 = arith.addi %get3A_352, %select_n3A_359 : vector<16xi32>
      %swap3A_365 = arith.constant 48 : index
      %swap3A_366 = tpu.vector_load %arg19[%swap3A_365] {strides = array<i32>} : memref<128xi32, #tpu.memory_space<vmem>>, vector<16xi32>,
      tpu.vector_store %arg19[%swap3A_365], %add3A_364 {strides = array<i32>} : memref<128xi32, #tpu.memory_space<vmem>>, vector<16xi32>,
      %ne3A_367 = arith.xori %gt3A_358, %broadcast_in_dim3A : vector<16xi1>
      %select_n3A_368 = arith.select %ne3A_367, %get3A_352, %broadcast_in_dim3A_5 : vector<16xi1>, vector<16xi32>
      %swap3A_369 = arith.constant 48 : index
      %swap3A_370 = tpu.vector_load %arg20[%swap3A_369] {strides = array<i32>} : memref<128xi32, #tpu.memory_space<vmem>>, vector<16xi32>,
      tpu.vector_store %arg20[%swap3A_369], %select_n3A_368 {strides = array<i32>} : memref<128xi32, #tpu.memory_space<vmem>>, vector<16xi32>,
      %mul3A_371 = vector.broadcast %select_n3A : f32 to vector<16xf32>
      %mul3A_372 = arith.mulf %mul3A_371, %gather3A_353 : vector<16xf32>
      %exp3A_373 = math.exp %mul3A_372 : vector<16xf32>
      %swap3A_374 = arith.constant 48 : index
      %swap3A_375 = tpu.vector_load %arg21[%swap3A_374] {strides = array<i32>} : memref<128xf32, #tpu.memory_space<vmem>>, vector<16xf32>,
      tpu.vector_store %arg21[%swap3A_374], %exp3A_373 {strides = array<i32>} : memref<128xf32, #tpu.memory_space<vmem>>, vector<16xf32>,
      %get3A_376 = arith.constant 64 : index
      %get3A_377 = tpu.vector_load %arg12[%get3A_376] {strides = array<i32>} : memref<512xi32, #tpu.memory_space<vmem>>, vector<16xi32>,
      %get3A_378 = arith.constant 192 : index
      %get3A_379 = tpu.vector_load %arg12[%get3A_378] {strides = array<i32>} : memref<512xi32, #tpu.memory_space<vmem>>, vector<16xi32>,
      %gather3A_380 = tpu.vector_load_idx %arg10[%get3A_377] : memref<10240xf32, #tpu.memory_space<vmem>>[vector<16xi32>], vector<16xf32>,
      %gather3A_381 = tpu.vector_load_idx %arg11[%get3A_379] : memref<10240xf32, #tpu.memory_space<vmem>>[vector<16xi32>], vector<16xf32>,
      %add3A_382 = arith.addf %gather3A_380, %gather3A_381 : vector<16xf32>
      %gt3A_383 = arith.constant 0.000000e+00 : f32
      %gt3A_384 = vector.broadcast %gt3A_383 : f32 to vector<16xf32>
      %gt3A_385 = arith.cmpf ogt, %add3A_382, %gt3A_384 : vector<16xf32>
      %select_n3A_386 = arith.select %gt3A_385, %broadcast_in_dim3A_12, %broadcast_in_dim3A_10 : vector<16xi1>, vector<16xi32>
      %add3A_387 = arith.addi %get3A_377, %broadcast_in_dim3A_8 : vector<16xi32>
      %add3A_388 = arith.addi %add3A_387, %select_n3A_386 : vector<16xi32>
      %swap3A_389 = arith.constant 64 : index
      %swap3A_390 = tpu.vector_load %arg18[%swap3A_389] {strides = array<i32>} : memref<128xi32, #tpu.memory_space<vmem>>, vector<16xi32>,
      tpu.vector_store %arg18[%swap3A_389], %add3A_388 {strides = array<i32>} : memref<128xi32, #tpu.memory_space<vmem>>, vector<16xi32>,
      %add3A_391 = arith.addi %get3A_379, %select_n3A_386 : vector<16xi32>
      %swap3A_392 = arith.constant 64 : index
      %swap3A_393 = tpu.vector_load %arg19[%swap3A_392] {strides = array<i32>} : memref<128xi32, #tpu.memory_space<vmem>>, vector<16xi32>,
      tpu.vector_store %arg19[%swap3A_392], %add3A_391 {strides = array<i32>} : memref<128xi32, #tpu.memory_space<vmem>>, vector<16xi32>,
      %ne3A_394 = arith.xori %gt3A_385, %broadcast_in_dim3A : vector<16xi1>
      %select_n3A_395 = arith.select %ne3A_394, %get3A_379, %broadcast_in_dim3A_5 : vector<16xi1>, vector<16xi32>
      %swap3A_396 = arith.constant 64 : index
      %swap3A_397 = tpu.vector_load %arg20[%swap3A_396] {strides = array<i32>} : memref<128xi32, #tpu.memory_space<vmem>>, vector<16xi32>,
      tpu.vector_store %arg20[%swap3A_396], %select_n3A_395 {strides = array<i32>} : memref<128xi32, #tpu.memory_space<vmem>>, vector<16xi32>,
      %mul3A_398 = vector.broadcast %select_n3A : f32 to vector<16xf32>
      %mul3A_399 = arith.mulf %mul3A_398, %gather3A_380 : vector<16xf32>
      %exp3A_400 = math.exp %mul3A_399 : vector<16xf32>
      %swap3A_401 = arith.constant 64 : index
      %swap3A_402 = tpu.vector_load %arg21[%swap3A_401] {strides = array<i32>} : memref<128xf32, #tpu.memory_space<vmem>>, vector<16xf32>,
      tpu.vector_store %arg21[%swap3A_401], %exp3A_400 {strides = array<i32>} : memref<128xf32, #tpu.memory_space<vmem>>, vector<16xf32>,
      %get3A_403 = arith.constant 80 : index
      %get3A_404 = tpu.vector_load %arg12[%get3A_403] {strides = array<i32>} : memref<512xi32, #tpu.memory_space<vmem>>, vector<16xi32>,
      %get3A_405 = arith.constant 208 : index
      %get3A_406 = tpu.vector_load %arg12[%get3A_405] {strides = array<i32>} : memref<512xi32, #tpu.memory_space<vmem>>, vector<16xi32>,
      %gather3A_407 = tpu.vector_load_idx %arg10[%get3A_404] : memref<10240xf32, #tpu.memory_space<vmem>>[vector<16xi32>], vector<16xf32>,
      %gather3A_408 = tpu.vector_load_idx %arg11[%get3A_406] : memref<10240xf32, #tpu.memory_space<vmem>>[vector<16xi32>], vector<16xf32>,
      %add3A_409 = arith.addf %gather3A_407, %gather3A_408 : vector<16xf32>
      %gt3A_410 = arith.constant 0.000000e+00 : f32
      %gt3A_411 = vector.broadcast %gt3A_410 : f32 to vector<16xf32>
      %gt3A_412 = arith.cmpf ogt, %add3A_409, %gt3A_411 : vector<16xf32>
      %select_n3A_413 = arith.select %gt3A_412, %broadcast_in_dim3A_12, %broadcast_in_dim3A_10 : vector<16xi1>, vector<16xi32>
      %add3A_414 = arith.addi %get3A_404, %broadcast_in_dim3A_8 : vector<16xi32>
      %add3A_415 = arith.addi %add3A_414, %select_n3A_413 : vector<16xi32>
      %swap3A_416 = arith.constant 80 : index
      %swap3A_417 = tpu.vector_load %arg18[%swap3A_416] {strides = array<i32>} : memref<128xi32, #tpu.memory_space<vmem>>, vector<16xi32>,
      tpu.vector_store %arg18[%swap3A_416], %add3A_415 {strides = array<i32>} : memref<128xi32, #tpu.memory_space<vmem>>, vector<16xi32>,
      %add3A_418 = arith.addi %get3A_406, %select_n3A_413 : vector<16xi32>
      %swap3A_419 = arith.constant 80 : index
      %swap3A_420 = tpu.vector_load %arg19[%swap3A_419] {strides = array<i32>} : memref<128xi32, #tpu.memory_space<vmem>>, vector<16xi32>,
      tpu.vector_store %arg19[%swap3A_419], %add3A_418 {strides = array<i32>} : memref<128xi32, #tpu.memory_space<vmem>>, vector<16xi32>,
      %ne3A_421 = arith.xori %gt3A_412, %broadcast_in_dim3A : vector<16xi1>
      %select_n3A_422 = arith.select %ne3A_421, %get3A_406, %broadcast_in_dim3A_5 : vector<16xi1>, vector<16xi32>
      %swap3A_423 = arith.constant 80 : index
      %swap3A_424 = tpu.vector_load %arg20[%swap3A_423] {strides = array<i32>} : memref<128xi32, #tpu.memory_space<vmem>>, vector<16xi32>,
      tpu.vector_store %arg20[%swap3A_423], %select_n3A_422 {strides = array<i32>} : memref<128xi32, #tpu.memory_space<vmem>>, vector<16xi32>,
      %mul3A_425 = vector.broadcast %select_n3A : f32 to vector<16xf32>
      %mul3A_426 = arith.mulf %mul3A_425, %gather3A_407 : vector<16xf32>
      %exp3A_427 = math.exp %mul3A_426 : vector<16xf32>
      %swap3A_428 = arith.constant 80 : index
      %swap3A_429 = tpu.vector_load %arg21[%swap3A_428] {strides = array<i32>} : memref<128xf32, #tpu.memory_space<vmem>>, vector<16xf32>,
      tpu.vector_store %arg21[%swap3A_428], %exp3A_427 {strides = array<i32>} : memref<128xf32, #tpu.memory_space<vmem>>, vector<16xf32>,
      %get3A_430 = arith.constant 96 : index
      %get3A_431 = tpu.vector_load %arg12[%get3A_430] {strides = array<i32>} : memref<512xi32, #tpu.memory_space<vmem>>, vector<16xi32>,
      %get3A_432 = arith.constant 224 : index
      %get3A_433 = tpu.vector_load %arg12[%get3A_432] {strides = array<i32>} : memref<512xi32, #tpu.memory_space<vmem>>, vector<16xi32>,
      %gather3A_434 = tpu.vector_load_idx %arg10[%get3A_431] : memref<10240xf32, #tpu.memory_space<vmem>>[vector<16xi32>], vector<16xf32>,
      %gather3A_435 = tpu.vector_load_idx %arg11[%get3A_433] : memref<10240xf32, #tpu.memory_space<vmem>>[vector<16xi32>], vector<16xf32>,
      %add3A_436 = arith.addf %gather3A_434, %gather3A_435 : vector<16xf32>
      %gt3A_437 = arith.constant 0.000000e+00 : f32
      %gt3A_438 = vector.broadcast %gt3A_437 : f32 to vector<16xf32>
      %gt3A_439 = arith.cmpf ogt, %add3A_436, %gt3A_438 : vector<16xf32>
      %select_n3A_440 = arith.select %gt3A_439, %broadcast_in_dim3A_12, %broadcast_in_dim3A_10 : vector<16xi1>, vector<16xi32>
      %add3A_441 = arith.addi %get3A_431, %broadcast_in_dim3A_8 : vector<16xi32>
      %add3A_442 = arith.addi %add3A_441, %select_n3A_440 : vector<16xi32>
      %swap3A_443 = arith.constant 96 : index
      %swap3A_444 = tpu.vector_load %arg18[%swap3A_443] {strides = array<i32>} : memref<128xi32, #tpu.memory_space<vmem>>, vector<16xi32>,
      tpu.vector_store %arg18[%swap3A_443], %add3A_442 {strides = array<i32>} : memref<128xi32, #tpu.memory_space<vmem>>, vector<16xi32>,
      %add3A_445 = arith.addi %get3A_433, %select_n3A_440 : vector<16xi32>
      %swap3A_446 = arith.constant 96 : index
      %swap3A_447 = tpu.vector_load %arg19[%swap3A_446] {strides = array<i32>} : memref<128xi32, #tpu.memory_space<vmem>>, vector<16xi32>,
      tpu.vector_store %arg19[%swap3A_446], %add3A_445 {strides = array<i32>} : memref<128xi32, #tpu.memory_space<vmem>>, vector<16xi32>,
      %ne3A_448 = arith.xori %gt3A_439, %broadcast_in_dim3A : vector<16xi1>
      %select_n3A_449 = arith.select %ne3A_448, %get3A_433, %broadcast_in_dim3A_5 : vector<16xi1>, vector<16xi32>
      %swap3A_450 = arith.constant 96 : index
      %swap3A_451 = tpu.vector_load %arg20[%swap3A_450] {strides = array<i32>} : memref<128xi32, #tpu.memory_space<vmem>>, vector<16xi32>,
      tpu.vector_store %arg20[%swap3A_450], %select_n3A_449 {strides = array<i32>} : memref<128xi32, #tpu.memory_space<vmem>>, vector<16xi32>,
      %mul3A_452 = vector.broadcast %select_n3A : f32 to vector<16xf32>
      %mul3A_453 = arith.mulf %mul3A_452, %gather3A_434 : vector<16xf32>
      %exp3A_454 = math.exp %mul3A_453 : vector<16xf32>
      %swap3A_455 = arith.constant 96 : index
      %swap3A_456 = tpu.vector_load %arg21[%swap3A_455] {strides = array<i32>} : memref<128xf32, #tpu.memory_space<vmem>>, vector<16xf32>,
      tpu.vector_store %arg21[%swap3A_455], %exp3A_454 {strides = array<i32>} : memref<128xf32, #tpu.memory_space<vmem>>, vector<16xf32>,
      %get3A_457 = arith.constant 112 : index
      %get3A_458 = tpu.vector_load %arg12[%get3A_457] {strides = array<i32>} : memref<512xi32, #tpu.memory_space<vmem>>, vector<16xi32>,
      %get3A_459 = arith.constant 240 : index
      %get3A_460 = tpu.vector_load %arg12[%get3A_459] {strides = array<i32>} : memref<512xi32, #tpu.memory_space<vmem>>, vector<16xi32>,
      %gather3A_461 = tpu.vector_load_idx %arg10[%get3A_458] : memref<10240xf32, #tpu.memory_space<vmem>>[vector<16xi32>], vector<16xf32>,
      %gather3A_462 = tpu.vector_load_idx %arg11[%get3A_460] : memref<10240xf32, #tpu.memory_space<vmem>>[vector<16xi32>], vector<16xf32>,
      %add3A_463 = arith.addf %gather3A_461, %gather3A_462 : vector<16xf32>
      %gt3A_464 = arith.constant 0.000000e+00 : f32
      %gt3A_465 = vector.broadcast %gt3A_464 : f32 to vector<16xf32>
      %gt3A_466 = arith.cmpf ogt, %add3A_463, %gt3A_465 : vector<16xf32>
      %select_n3A_467 = arith.select %gt3A_466, %broadcast_in_dim3A_12, %broadcast_in_dim3A_10 : vector<16xi1>, vector<16xi32>
      %add3A_468 = arith.addi %get3A_458, %broadcast_in_dim3A_8 : vector<16xi32>
      %add3A_469 = arith.addi %add3A_468, %select_n3A_467 : vector<16xi32>
      %swap3A_470 = arith.constant 112 : index
      %swap3A_471 = tpu.vector_load %arg18[%swap3A_470] {strides = array<i32>} : memref<128xi32, #tpu.memory_space<vmem>>, vector<16xi32>,
      tpu.vector_store %arg18[%swap3A_470], %add3A_469 {strides = array<i32>} : memref<128xi32, #tpu.memory_space<vmem>>, vector<16xi32>,
      %add3A_472 = arith.addi %get3A_460, %select_n3A_467 : vector<16xi32>
      %swap3A_473 = arith.constant 112 : index
      %swap3A_474 = tpu.vector_load %arg19[%swap3A_473] {strides = array<i32>} : memref<128xi32, #tpu.memory_space<vmem>>, vector<16xi32>,
      tpu.vector_store %arg19[%swap3A_473], %add3A_472 {strides = array<i32>} : memref<128xi32, #tpu.memory_space<vmem>>, vector<16xi32>,
      %ne3A_475 = arith.xori %gt3A_466, %broadcast_in_dim3A : vector<16xi1>
      %select_n3A_476 = arith.select %ne3A_475, %get3A_460, %broadcast_in_dim3A_5 : vector<16xi1>, vector<16xi32>
      %swap3A_477 = arith.constant 112 : index
      %swap3A_478 = tpu.vector_load %arg20[%swap3A_477] {strides = array<i32>} : memref<128xi32, #tpu.memory_space<vmem>>, vector<16xi32>,
      tpu.vector_store %arg20[%swap3A_477], %select_n3A_476 {strides = array<i32>} : memref<128xi32, #tpu.memory_space<vmem>>, vector<16xi32>,
      %mul3A_479 = vector.broadcast %select_n3A : f32 to vector<16xf32>
      %mul3A_480 = arith.mulf %mul3A_479, %gather3A_461 : vector<16xf32>
      %exp3A_481 = math.exp %mul3A_480 : vector<16xf32>
      %swap3A_482 = arith.constant 112 : index
      %swap3A_483 = tpu.vector_load %arg21[%swap3A_482] {strides = array<i32>} : memref<128xf32, #tpu.memory_space<vmem>>, vector<16xf32>,
      tpu.vector_store %arg21[%swap3A_482], %exp3A_481 {strides = array<i32>} : memref<128xf32, #tpu.memory_space<vmem>>, vector<16xf32>,
      %dma_start3A_484 = arith.constant 0 : i32
      %dma_start3A_485 = arith.constant 0 : i32
      %dma_start3A_486 = tpu.memref_slice %arg2[%dma_start3A_484, %dma_start3A_485] : memref<40960x64xf32, #tpu.memory_space<hbm>> -> memref<40960x64xf32, #tpu.memory_space<hbm>>
      tpu.enqueue_indirect_dma source(%dma_start3A_486 : memref<40960x64xf32, #tpu.memory_space<hbm>>) target(%arg22 : memref<128x64xf32, #tpu.memory_space<vmem>>) offsets(%arg18 : memref<128xi32, #tpu.memory_space<vmem>>) semaphore(%arg26 : memref<!tpu.dma_semaphore, #tpu.memory_space<semaphore_mem>>)
      %dma_wait3A_487 = arith.constant 0 : i32
      %dma_wait3A_488 = arith.constant 0 : i32
      %dma_wait3A_489 = tpu.memref_slice %arg2[%dma_wait3A_487, %dma_wait3A_488] : memref<40960x64xf32, #tpu.memory_space<hbm>> -> memref<40960x64xf32, #tpu.memory_space<hbm>>
      tpu.wait_indirect_dma semaphore(%arg25 : memref<!tpu.dma_semaphore, #tpu.memory_space<semaphore_mem>>) src(%dma_wait3A_489 : memref<40960x64xf32, #tpu.memory_space<hbm>>) dst(%arg17 : memref<128x64xf32, #tpu.memory_space<vmem>>)
      "tpu.region"() ({
        %run_scoped3A = tpu.sem_alloc : memref<!tpu.dma_semaphore, #tpu.memory_space<semaphore_mem>>
        %dma_start3A_712 = arith.constant 0 : i32
        %dma_start3A_713 = arith.constant 0 : i32
        %dma_start3A_714 = tpu.memref_slice %arg23[%dma_start3A_712, %dma_start3A_713] : memref<20480x64xf32, #tpu.memory_space<vmem_shared>> -> memref<20480x64xf32, #tpu.memory_space<vmem_shared>>
        tpu.enqueue_indirect_dma source(%arg17 : memref<128x64xf32, #tpu.memory_space<vmem>>) target(%dma_start3A_714 : memref<20480x64xf32, #tpu.memory_space<vmem_shared>>) offsets(%arg14 : memref<128xi32, #tpu.memory_space<vmem>>) semaphore(%run_scoped3A : memref<!tpu.dma_semaphore, #tpu.memory_space<semaphore_mem>>) {add = true}
        %dma_wait3A_715 = arith.constant 0 : i32
        %dma_wait3A_716 = arith.constant 0 : i32
        %dma_wait3A_717 = tpu.memref_slice %arg23[%dma_wait3A_715, %dma_wait3A_716] : memref<20480x64xf32, #tpu.memory_space<vmem_shared>> -> memref<20480x64xf32, #tpu.memory_space<vmem_shared>>
        tpu.wait_indirect_dma semaphore(%run_scoped3A : memref<!tpu.dma_semaphore, #tpu.memory_space<semaphore_mem>>) src(%arg17 : memref<128x64xf32, #tpu.memory_space<vmem>>) dst(%dma_wait3A_717 : memref<20480x64xf32, #tpu.memory_space<vmem_shared>>)
        tpu.yield
      }) : () -> ()
      "tpu.region"() ({
        %run_scoped3A = tpu.sem_alloc : memref<!tpu.dma_semaphore, #tpu.memory_space<semaphore_mem>>
        %dma_start3A_712 = arith.constant 0 : i32
        %dma_start3A_713 = tpu.memref_slice %arg24[%dma_start3A_712] : memref<10240xf32, #tpu.memory_space<vmem_shared>> -> memref<10240xf32, #tpu.memory_space<vmem_shared>>
        tpu.enqueue_indirect_dma source(%arg16 : memref<128xf32, #tpu.memory_space<vmem>>) target(%dma_start3A_713 : memref<10240xf32, #tpu.memory_space<vmem_shared>>) offsets(%arg15 : memref<128xi32, #tpu.memory_space<vmem>>) semaphore(%run_scoped3A : memref<!tpu.dma_semaphore, #tpu.memory_space<semaphore_mem>>) {add = true}
        %dma_wait3A_714 = arith.constant 0 : i32
        %dma_wait3A_715 = tpu.memref_slice %arg24[%dma_wait3A_714] : memref<10240xf32, #tpu.memory_space<vmem_shared>> -> memref<10240xf32, #tpu.memory_space<vmem_shared>>
        tpu.wait_indirect_dma semaphore(%run_scoped3A : memref<!tpu.dma_semaphore, #tpu.memory_space<semaphore_mem>>) src(%arg16 : memref<128xf32, #tpu.memory_space<vmem>>) dst(%dma_wait3A_715 : memref<10240xf32, #tpu.memory_space<vmem_shared>>)
        tpu.yield
      }) : () -> ()
      %get3A_490 = arith.constant 256 : index
      %get3A_491 = tpu.vector_load %arg12[%get3A_490] {strides = array<i32>} : memref<512xi32, #tpu.memory_space<vmem>>, vector<16xi32>,
      %get3A_492 = arith.constant 384 : index
      %get3A_493 = tpu.vector_load %arg12[%get3A_492] {strides = array<i32>} : memref<512xi32, #tpu.memory_space<vmem>>, vector<16xi32>,
      %gather3A_494 = tpu.vector_load_idx %arg10[%get3A_491] : memref<10240xf32, #tpu.memory_space<vmem>>[vector<16xi32>], vector<16xf32>,
      %gather3A_495 = tpu.vector_load_idx %arg11[%get3A_493] : memref<10240xf32, #tpu.memory_space<vmem>>[vector<16xi32>], vector<16xf32>,
      %add3A_496 = arith.addf %gather3A_494, %gather3A_495 : vector<16xf32>
      %gt3A_497 = arith.constant 0.000000e+00 : f32
      %gt3A_498 = vector.broadcast %gt3A_497 : f32 to vector<16xf32>
      %gt3A_499 = arith.cmpf ogt, %add3A_496, %gt3A_498 : vector<16xf32>
      %select_n3A_500 = arith.select %gt3A_499, %broadcast_in_dim3A_12, %broadcast_in_dim3A_10 : vector<16xi1>, vector<16xi32>
      %add3A_501 = arith.addi %get3A_491, %broadcast_in_dim3A_8 : vector<16xi32>
      %add3A_502 = arith.addi %add3A_501, %select_n3A_500 : vector<16xi32>
      %swap3A_503 = arith.constant 0 : index
      %swap3A_504 = tpu.vector_load %arg13[%swap3A_503] {strides = array<i32>} : memref<128xi32, #tpu.memory_space<vmem>>, vector<16xi32>,
      tpu.vector_store %arg13[%swap3A_503], %add3A_502 {strides = array<i32>} : memref<128xi32, #tpu.memory_space<vmem>>, vector<16xi32>,
      %add3A_505 = arith.addi %get3A_493, %select_n3A_500 : vector<16xi32>
      %swap3A_506 = arith.constant 0 : index
      %swap3A_507 = tpu.vector_load %arg14[%swap3A_506] {strides = array<i32>} : memref<128xi32, #tpu.memory_space<vmem>>, vector<16xi32>,
      tpu.vector_store %arg14[%swap3A_506], %add3A_505 {strides = array<i32>} : memref<128xi32, #tpu.memory_space<vmem>>, vector<16xi32>,
      %ne3A_508 = arith.xori %gt3A_499, %broadcast_in_dim3A : vector<16xi1>
      %select_n3A_509 = arith.select %ne3A_508, %get3A_493, %broadcast_in_dim3A_5 : vector<16xi1>, vector<16xi32>
      %swap3A_510 = arith.constant 0 : index
      %swap3A_511 = tpu.vector_load %arg15[%swap3A_510] {strides = array<i32>} : memref<128xi32, #tpu.memory_space<vmem>>, vector<16xi32>,
      tpu.vector_store %arg15[%swap3A_510], %select_n3A_509 {strides = array<i32>} : memref<128xi32, #tpu.memory_space<vmem>>, vector<16xi32>,
      %mul3A_512 = vector.broadcast %select_n3A : f32 to vector<16xf32>
      %mul3A_513 = arith.mulf %mul3A_512, %gather3A_494 : vector<16xf32>
      %exp3A_514 = math.exp %mul3A_513 : vector<16xf32>
      %swap3A_515 = arith.constant 0 : index
      %swap3A_516 = tpu.vector_load %arg16[%swap3A_515] {strides = array<i32>} : memref<128xf32, #tpu.memory_space<vmem>>, vector<16xf32>,
      tpu.vector_store %arg16[%swap3A_515], %exp3A_514 {strides = array<i32>} : memref<128xf32, #tpu.memory_space<vmem>>, vector<16xf32>,
      %get3A_517 = arith.constant 272 : index
      %get3A_518 = tpu.vector_load %arg12[%get3A_517] {strides = array<i32>} : memref<512xi32, #tpu.memory_space<vmem>>, vector<16xi32>,
      %get3A_519 = arith.constant 400 : index
      %get3A_520 = tpu.vector_load %arg12[%get3A_519] {strides = array<i32>} : memref<512xi32, #tpu.memory_space<vmem>>, vector<16xi32>,
      %gather3A_521 = tpu.vector_load_idx %arg10[%get3A_518] : memref<10240xf32, #tpu.memory_space<vmem>>[vector<16xi32>], vector<16xf32>,
      %gather3A_522 = tpu.vector_load_idx %arg11[%get3A_520] : memref<10240xf32, #tpu.memory_space<vmem>>[vector<16xi32>], vector<16xf32>,
      %add3A_523 = arith.addf %gather3A_521, %gather3A_522 : vector<16xf32>
      %gt3A_524 = arith.constant 0.000000e+00 : f32
      %gt3A_525 = vector.broadcast %gt3A_524 : f32 to vector<16xf32>
      %gt3A_526 = arith.cmpf ogt, %add3A_523, %gt3A_525 : vector<16xf32>
      %select_n3A_527 = arith.select %gt3A_526, %broadcast_in_dim3A_12, %broadcast_in_dim3A_10 : vector<16xi1>, vector<16xi32>
      %add3A_528 = arith.addi %get3A_518, %broadcast_in_dim3A_8 : vector<16xi32>
      %add3A_529 = arith.addi %add3A_528, %select_n3A_527 : vector<16xi32>
      %swap3A_530 = arith.constant 16 : index
      %swap3A_531 = tpu.vector_load %arg13[%swap3A_530] {strides = array<i32>} : memref<128xi32, #tpu.memory_space<vmem>>, vector<16xi32>,
      tpu.vector_store %arg13[%swap3A_530], %add3A_529 {strides = array<i32>} : memref<128xi32, #tpu.memory_space<vmem>>, vector<16xi32>,
      %add3A_532 = arith.addi %get3A_520, %select_n3A_527 : vector<16xi32>
      %swap3A_533 = arith.constant 16 : index
      %swap3A_534 = tpu.vector_load %arg14[%swap3A_533] {strides = array<i32>} : memref<128xi32, #tpu.memory_space<vmem>>, vector<16xi32>,
      tpu.vector_store %arg14[%swap3A_533], %add3A_532 {strides = array<i32>} : memref<128xi32, #tpu.memory_space<vmem>>, vector<16xi32>,
      %ne3A_535 = arith.xori %gt3A_526, %broadcast_in_dim3A : vector<16xi1>
      %select_n3A_536 = arith.select %ne3A_535, %get3A_520, %broadcast_in_dim3A_5 : vector<16xi1>, vector<16xi32>
      %swap3A_537 = arith.constant 16 : index
      %swap3A_538 = tpu.vector_load %arg15[%swap3A_537] {strides = array<i32>} : memref<128xi32, #tpu.memory_space<vmem>>, vector<16xi32>,
      tpu.vector_store %arg15[%swap3A_537], %select_n3A_536 {strides = array<i32>} : memref<128xi32, #tpu.memory_space<vmem>>, vector<16xi32>,
      %mul3A_539 = vector.broadcast %select_n3A : f32 to vector<16xf32>
      %mul3A_540 = arith.mulf %mul3A_539, %gather3A_521 : vector<16xf32>
      %exp3A_541 = math.exp %mul3A_540 : vector<16xf32>
      %swap3A_542 = arith.constant 16 : index
      %swap3A_543 = tpu.vector_load %arg16[%swap3A_542] {strides = array<i32>} : memref<128xf32, #tpu.memory_space<vmem>>, vector<16xf32>,
      tpu.vector_store %arg16[%swap3A_542], %exp3A_541 {strides = array<i32>} : memref<128xf32, #tpu.memory_space<vmem>>, vector<16xf32>,
      %get3A_544 = arith.constant 288 : index
      %get3A_545 = tpu.vector_load %arg12[%get3A_544] {strides = array<i32>} : memref<512xi32, #tpu.memory_space<vmem>>, vector<16xi32>,
      %get3A_546 = arith.constant 416 : index
      %get3A_547 = tpu.vector_load %arg12[%get3A_546] {strides = array<i32>} : memref<512xi32, #tpu.memory_space<vmem>>, vector<16xi32>,
      %gather3A_548 = tpu.vector_load_idx %arg10[%get3A_545] : memref<10240xf32, #tpu.memory_space<vmem>>[vector<16xi32>], vector<16xf32>,
      %gather3A_549 = tpu.vector_load_idx %arg11[%get3A_547] : memref<10240xf32, #tpu.memory_space<vmem>>[vector<16xi32>], vector<16xf32>,
      %add3A_550 = arith.addf %gather3A_548, %gather3A_549 : vector<16xf32>
      %gt3A_551 = arith.constant 0.000000e+00 : f32
      %gt3A_552 = vector.broadcast %gt3A_551 : f32 to vector<16xf32>
      %gt3A_553 = arith.cmpf ogt, %add3A_550, %gt3A_552 : vector<16xf32>
      %select_n3A_554 = arith.select %gt3A_553, %broadcast_in_dim3A_12, %broadcast_in_dim3A_10 : vector<16xi1>, vector<16xi32>
      %add3A_555 = arith.addi %get3A_545, %broadcast_in_dim3A_8 : vector<16xi32>
      %add3A_556 = arith.addi %add3A_555, %select_n3A_554 : vector<16xi32>
      %swap3A_557 = arith.constant 32 : index
      %swap3A_558 = tpu.vector_load %arg13[%swap3A_557] {strides = array<i32>} : memref<128xi32, #tpu.memory_space<vmem>>, vector<16xi32>,
      tpu.vector_store %arg13[%swap3A_557], %add3A_556 {strides = array<i32>} : memref<128xi32, #tpu.memory_space<vmem>>, vector<16xi32>,
      %add3A_559 = arith.addi %get3A_547, %select_n3A_554 : vector<16xi32>
      %swap3A_560 = arith.constant 32 : index
      %swap3A_561 = tpu.vector_load %arg14[%swap3A_560] {strides = array<i32>} : memref<128xi32, #tpu.memory_space<vmem>>, vector<16xi32>,
      tpu.vector_store %arg14[%swap3A_560], %add3A_559 {strides = array<i32>} : memref<128xi32, #tpu.memory_space<vmem>>, vector<16xi32>,
      %ne3A_562 = arith.xori %gt3A_553, %broadcast_in_dim3A : vector<16xi1>
      %select_n3A_563 = arith.select %ne3A_562, %get3A_547, %broadcast_in_dim3A_5 : vector<16xi1>, vector<16xi32>
      %swap3A_564 = arith.constant 32 : index
      %swap3A_565 = tpu.vector_load %arg15[%swap3A_564] {strides = array<i32>} : memref<128xi32, #tpu.memory_space<vmem>>, vector<16xi32>,
      tpu.vector_store %arg15[%swap3A_564], %select_n3A_563 {strides = array<i32>} : memref<128xi32, #tpu.memory_space<vmem>>, vector<16xi32>,
      %mul3A_566 = vector.broadcast %select_n3A : f32 to vector<16xf32>
      %mul3A_567 = arith.mulf %mul3A_566, %gather3A_548 : vector<16xf32>
      %exp3A_568 = math.exp %mul3A_567 : vector<16xf32>
      %swap3A_569 = arith.constant 32 : index
      %swap3A_570 = tpu.vector_load %arg16[%swap3A_569] {strides = array<i32>} : memref<128xf32, #tpu.memory_space<vmem>>, vector<16xf32>,
      tpu.vector_store %arg16[%swap3A_569], %exp3A_568 {strides = array<i32>} : memref<128xf32, #tpu.memory_space<vmem>>, vector<16xf32>,
      %get3A_571 = arith.constant 304 : index
      %get3A_572 = tpu.vector_load %arg12[%get3A_571] {strides = array<i32>} : memref<512xi32, #tpu.memory_space<vmem>>, vector<16xi32>,
      %get3A_573 = arith.constant 432 : index
      %get3A_574 = tpu.vector_load %arg12[%get3A_573] {strides = array<i32>} : memref<512xi32, #tpu.memory_space<vmem>>, vector<16xi32>,
      %gather3A_575 = tpu.vector_load_idx %arg10[%get3A_572] : memref<10240xf32, #tpu.memory_space<vmem>>[vector<16xi32>], vector<16xf32>,
      %gather3A_576 = tpu.vector_load_idx %arg11[%get3A_574] : memref<10240xf32, #tpu.memory_space<vmem>>[vector<16xi32>], vector<16xf32>,
      %add3A_577 = arith.addf %gather3A_575, %gather3A_576 : vector<16xf32>
      %gt3A_578 = arith.constant 0.000000e+00 : f32
      %gt3A_579 = vector.broadcast %gt3A_578 : f32 to vector<16xf32>
      %gt3A_580 = arith.cmpf ogt, %add3A_577, %gt3A_579 : vector<16xf32>
      %select_n3A_581 = arith.select %gt3A_580, %broadcast_in_dim3A_12, %broadcast_in_dim3A_10 : vector<16xi1>, vector<16xi32>
      %add3A_582 = arith.addi %get3A_572, %broadcast_in_dim3A_8 : vector<16xi32>
      %add3A_583 = arith.addi %add3A_582, %select_n3A_581 : vector<16xi32>
      %swap3A_584 = arith.constant 48 : index
      %swap3A_585 = tpu.vector_load %arg13[%swap3A_584] {strides = array<i32>} : memref<128xi32, #tpu.memory_space<vmem>>, vector<16xi32>,
      tpu.vector_store %arg13[%swap3A_584], %add3A_583 {strides = array<i32>} : memref<128xi32, #tpu.memory_space<vmem>>, vector<16xi32>,
      %add3A_586 = arith.addi %get3A_574, %select_n3A_581 : vector<16xi32>
      %swap3A_587 = arith.constant 48 : index
      %swap3A_588 = tpu.vector_load %arg14[%swap3A_587] {strides = array<i32>} : memref<128xi32, #tpu.memory_space<vmem>>, vector<16xi32>,
      tpu.vector_store %arg14[%swap3A_587], %add3A_586 {strides = array<i32>} : memref<128xi32, #tpu.memory_space<vmem>>, vector<16xi32>,
      %ne3A_589 = arith.xori %gt3A_580, %broadcast_in_dim3A : vector<16xi1>
      %select_n3A_590 = arith.select %ne3A_589, %get3A_574, %broadcast_in_dim3A_5 : vector<16xi1>, vector<16xi32>
      %swap3A_591 = arith.constant 48 : index
      %swap3A_592 = tpu.vector_load %arg15[%swap3A_591] {strides = array<i32>} : memref<128xi32, #tpu.memory_space<vmem>>, vector<16xi32>,
      tpu.vector_store %arg15[%swap3A_591], %select_n3A_590 {strides = array<i32>} : memref<128xi32, #tpu.memory_space<vmem>>, vector<16xi32>,
      %mul3A_593 = vector.broadcast %select_n3A : f32 to vector<16xf32>
      %mul3A_594 = arith.mulf %mul3A_593, %gather3A_575 : vector<16xf32>
      %exp3A_595 = math.exp %mul3A_594 : vector<16xf32>
      %swap3A_596 = arith.constant 48 : index
      %swap3A_597 = tpu.vector_load %arg16[%swap3A_596] {strides = array<i32>} : memref<128xf32, #tpu.memory_space<vmem>>, vector<16xf32>,
      tpu.vector_store %arg16[%swap3A_596], %exp3A_595 {strides = array<i32>} : memref<128xf32, #tpu.memory_space<vmem>>, vector<16xf32>,
      %get3A_598 = arith.constant 320 : index
      %get3A_599 = tpu.vector_load %arg12[%get3A_598] {strides = array<i32>} : memref<512xi32, #tpu.memory_space<vmem>>, vector<16xi32>,
      %get3A_600 = arith.constant 448 : index
      %get3A_601 = tpu.vector_load %arg12[%get3A_600] {strides = array<i32>} : memref<512xi32, #tpu.memory_space<vmem>>, vector<16xi32>,
      %gather3A_602 = tpu.vector_load_idx %arg10[%get3A_599] : memref<10240xf32, #tpu.memory_space<vmem>>[vector<16xi32>], vector<16xf32>,
      %gather3A_603 = tpu.vector_load_idx %arg11[%get3A_601] : memref<10240xf32, #tpu.memory_space<vmem>>[vector<16xi32>], vector<16xf32>,
      %add3A_604 = arith.addf %gather3A_602, %gather3A_603 : vector<16xf32>
      %gt3A_605 = arith.constant 0.000000e+00 : f32
      %gt3A_606 = vector.broadcast %gt3A_605 : f32 to vector<16xf32>
      %gt3A_607 = arith.cmpf ogt, %add3A_604, %gt3A_606 : vector<16xf32>
      %select_n3A_608 = arith.select %gt3A_607, %broadcast_in_dim3A_12, %broadcast_in_dim3A_10 : vector<16xi1>, vector<16xi32>
      %add3A_609 = arith.addi %get3A_599, %broadcast_in_dim3A_8 : vector<16xi32>
      %add3A_610 = arith.addi %add3A_609, %select_n3A_608 : vector<16xi32>
      %swap3A_611 = arith.constant 64 : index
      %swap3A_612 = tpu.vector_load %arg13[%swap3A_611] {strides = array<i32>} : memref<128xi32, #tpu.memory_space<vmem>>, vector<16xi32>,
      tpu.vector_store %arg13[%swap3A_611], %add3A_610 {strides = array<i32>} : memref<128xi32, #tpu.memory_space<vmem>>, vector<16xi32>,
      %add3A_613 = arith.addi %get3A_601, %select_n3A_608 : vector<16xi32>
      %swap3A_614 = arith.constant 64 : index
      %swap3A_615 = tpu.vector_load %arg14[%swap3A_614] {strides = array<i32>} : memref<128xi32, #tpu.memory_space<vmem>>, vector<16xi32>,
      tpu.vector_store %arg14[%swap3A_614], %add3A_613 {strides = array<i32>} : memref<128xi32, #tpu.memory_space<vmem>>, vector<16xi32>,
      %ne3A_616 = arith.xori %gt3A_607, %broadcast_in_dim3A : vector<16xi1>
      %select_n3A_617 = arith.select %ne3A_616, %get3A_601, %broadcast_in_dim3A_5 : vector<16xi1>, vector<16xi32>
      %swap3A_618 = arith.constant 64 : index
      %swap3A_619 = tpu.vector_load %arg15[%swap3A_618] {strides = array<i32>} : memref<128xi32, #tpu.memory_space<vmem>>, vector<16xi32>,
      tpu.vector_store %arg15[%swap3A_618], %select_n3A_617 {strides = array<i32>} : memref<128xi32, #tpu.memory_space<vmem>>, vector<16xi32>,
      %mul3A_620 = vector.broadcast %select_n3A : f32 to vector<16xf32>
      %mul3A_621 = arith.mulf %mul3A_620, %gather3A_602 : vector<16xf32>
      %exp3A_622 = math.exp %mul3A_621 : vector<16xf32>
      %swap3A_623 = arith.constant 64 : index
      %swap3A_624 = tpu.vector_load %arg16[%swap3A_623] {strides = array<i32>} : memref<128xf32, #tpu.memory_space<vmem>>, vector<16xf32>,
      tpu.vector_store %arg16[%swap3A_623], %exp3A_622 {strides = array<i32>} : memref<128xf32, #tpu.memory_space<vmem>>, vector<16xf32>,
      %get3A_625 = arith.constant 336 : index
      %get3A_626 = tpu.vector_load %arg12[%get3A_625] {strides = array<i32>} : memref<512xi32, #tpu.memory_space<vmem>>, vector<16xi32>,
      %get3A_627 = arith.constant 464 : index
      %get3A_628 = tpu.vector_load %arg12[%get3A_627] {strides = array<i32>} : memref<512xi32, #tpu.memory_space<vmem>>, vector<16xi32>,
      %gather3A_629 = tpu.vector_load_idx %arg10[%get3A_626] : memref<10240xf32, #tpu.memory_space<vmem>>[vector<16xi32>], vector<16xf32>,
      %gather3A_630 = tpu.vector_load_idx %arg11[%get3A_628] : memref<10240xf32, #tpu.memory_space<vmem>>[vector<16xi32>], vector<16xf32>,
      %add3A_631 = arith.addf %gather3A_629, %gather3A_630 : vector<16xf32>
      %gt3A_632 = arith.constant 0.000000e+00 : f32
      %gt3A_633 = vector.broadcast %gt3A_632 : f32 to vector<16xf32>
      %gt3A_634 = arith.cmpf ogt, %add3A_631, %gt3A_633 : vector<16xf32>
      %select_n3A_635 = arith.select %gt3A_634, %broadcast_in_dim3A_12, %broadcast_in_dim3A_10 : vector<16xi1>, vector<16xi32>
      %add3A_636 = arith.addi %get3A_626, %broadcast_in_dim3A_8 : vector<16xi32>
      %add3A_637 = arith.addi %add3A_636, %select_n3A_635 : vector<16xi32>
      %swap3A_638 = arith.constant 80 : index
      %swap3A_639 = tpu.vector_load %arg13[%swap3A_638] {strides = array<i32>} : memref<128xi32, #tpu.memory_space<vmem>>, vector<16xi32>,
      tpu.vector_store %arg13[%swap3A_638], %add3A_637 {strides = array<i32>} : memref<128xi32, #tpu.memory_space<vmem>>, vector<16xi32>,
      %add3A_640 = arith.addi %get3A_628, %select_n3A_635 : vector<16xi32>
      %swap3A_641 = arith.constant 80 : index
      %swap3A_642 = tpu.vector_load %arg14[%swap3A_641] {strides = array<i32>} : memref<128xi32, #tpu.memory_space<vmem>>, vector<16xi32>,
      tpu.vector_store %arg14[%swap3A_641], %add3A_640 {strides = array<i32>} : memref<128xi32, #tpu.memory_space<vmem>>, vector<16xi32>,
      %ne3A_643 = arith.xori %gt3A_634, %broadcast_in_dim3A : vector<16xi1>
      %select_n3A_644 = arith.select %ne3A_643, %get3A_628, %broadcast_in_dim3A_5 : vector<16xi1>, vector<16xi32>
      %swap3A_645 = arith.constant 80 : index
      %swap3A_646 = tpu.vector_load %arg15[%swap3A_645] {strides = array<i32>} : memref<128xi32, #tpu.memory_space<vmem>>, vector<16xi32>,
      tpu.vector_store %arg15[%swap3A_645], %select_n3A_644 {strides = array<i32>} : memref<128xi32, #tpu.memory_space<vmem>>, vector<16xi32>,
      %mul3A_647 = vector.broadcast %select_n3A : f32 to vector<16xf32>
      %mul3A_648 = arith.mulf %mul3A_647, %gather3A_629 : vector<16xf32>
      %exp3A_649 = math.exp %mul3A_648 : vector<16xf32>
      %swap3A_650 = arith.constant 80 : index
      %swap3A_651 = tpu.vector_load %arg16[%swap3A_650] {strides = array<i32>} : memref<128xf32, #tpu.memory_space<vmem>>, vector<16xf32>,
      tpu.vector_store %arg16[%swap3A_650], %exp3A_649 {strides = array<i32>} : memref<128xf32, #tpu.memory_space<vmem>>, vector<16xf32>,
      %get3A_652 = arith.constant 352 : index
      %get3A_653 = tpu.vector_load %arg12[%get3A_652] {strides = array<i32>} : memref<512xi32, #tpu.memory_space<vmem>>, vector<16xi32>,
      %get3A_654 = arith.constant 480 : index
      %get3A_655 = tpu.vector_load %arg12[%get3A_654] {strides = array<i32>} : memref<512xi32, #tpu.memory_space<vmem>>, vector<16xi32>,
      %gather3A_656 = tpu.vector_load_idx %arg10[%get3A_653] : memref<10240xf32, #tpu.memory_space<vmem>>[vector<16xi32>], vector<16xf32>,
      %gather3A_657 = tpu.vector_load_idx %arg11[%get3A_655] : memref<10240xf32, #tpu.memory_space<vmem>>[vector<16xi32>], vector<16xf32>,
      %add3A_658 = arith.addf %gather3A_656, %gather3A_657 : vector<16xf32>
      %gt3A_659 = arith.constant 0.000000e+00 : f32
      %gt3A_660 = vector.broadcast %gt3A_659 : f32 to vector<16xf32>
      %gt3A_661 = arith.cmpf ogt, %add3A_658, %gt3A_660 : vector<16xf32>
      %select_n3A_662 = arith.select %gt3A_661, %broadcast_in_dim3A_12, %broadcast_in_dim3A_10 : vector<16xi1>, vector<16xi32>
      %add3A_663 = arith.addi %get3A_653, %broadcast_in_dim3A_8 : vector<16xi32>
      %add3A_664 = arith.addi %add3A_663, %select_n3A_662 : vector<16xi32>
      %swap3A_665 = arith.constant 96 : index
      %swap3A_666 = tpu.vector_load %arg13[%swap3A_665] {strides = array<i32>} : memref<128xi32, #tpu.memory_space<vmem>>, vector<16xi32>,
      tpu.vector_store %arg13[%swap3A_665], %add3A_664 {strides = array<i32>} : memref<128xi32, #tpu.memory_space<vmem>>, vector<16xi32>,
      %add3A_667 = arith.addi %get3A_655, %select_n3A_662 : vector<16xi32>
      %swap3A_668 = arith.constant 96 : index
      %swap3A_669 = tpu.vector_load %arg14[%swap3A_668] {strides = array<i32>} : memref<128xi32, #tpu.memory_space<vmem>>, vector<16xi32>,
      tpu.vector_store %arg14[%swap3A_668], %add3A_667 {strides = array<i32>} : memref<128xi32, #tpu.memory_space<vmem>>, vector<16xi32>,
      %ne3A_670 = arith.xori %gt3A_661, %broadcast_in_dim3A : vector<16xi1>
      %select_n3A_671 = arith.select %ne3A_670, %get3A_655, %broadcast_in_dim3A_5 : vector<16xi1>, vector<16xi32>
      %swap3A_672 = arith.constant 96 : index
      %swap3A_673 = tpu.vector_load %arg15[%swap3A_672] {strides = array<i32>} : memref<128xi32, #tpu.memory_space<vmem>>, vector<16xi32>,
      tpu.vector_store %arg15[%swap3A_672], %select_n3A_671 {strides = array<i32>} : memref<128xi32, #tpu.memory_space<vmem>>, vector<16xi32>,
      %mul3A_674 = vector.broadcast %select_n3A : f32 to vector<16xf32>
      %mul3A_675 = arith.mulf %mul3A_674, %gather3A_656 : vector<16xf32>
      %exp3A_676 = math.exp %mul3A_675 : vector<16xf32>
      %swap3A_677 = arith.constant 96 : index
      %swap3A_678 = tpu.vector_load %arg16[%swap3A_677] {strides = array<i32>} : memref<128xf32, #tpu.memory_space<vmem>>, vector<16xf32>,
      tpu.vector_store %arg16[%swap3A_677], %exp3A_676 {strides = array<i32>} : memref<128xf32, #tpu.memory_space<vmem>>, vector<16xf32>,
      %get3A_679 = arith.constant 368 : index
      %get3A_680 = tpu.vector_load %arg12[%get3A_679] {strides = array<i32>} : memref<512xi32, #tpu.memory_space<vmem>>, vector<16xi32>,
      %get3A_681 = arith.constant 496 : index
      %get3A_682 = tpu.vector_load %arg12[%get3A_681] {strides = array<i32>} : memref<512xi32, #tpu.memory_space<vmem>>, vector<16xi32>,
      %gather3A_683 = tpu.vector_load_idx %arg10[%get3A_680] : memref<10240xf32, #tpu.memory_space<vmem>>[vector<16xi32>], vector<16xf32>,
      %gather3A_684 = tpu.vector_load_idx %arg11[%get3A_682] : memref<10240xf32, #tpu.memory_space<vmem>>[vector<16xi32>], vector<16xf32>,
      %add3A_685 = arith.addf %gather3A_683, %gather3A_684 : vector<16xf32>
      %gt3A_686 = arith.constant 0.000000e+00 : f32
      %gt3A_687 = vector.broadcast %gt3A_686 : f32 to vector<16xf32>
      %gt3A_688 = arith.cmpf ogt, %add3A_685, %gt3A_687 : vector<16xf32>
      %select_n3A_689 = arith.select %gt3A_688, %broadcast_in_dim3A_12, %broadcast_in_dim3A_10 : vector<16xi1>, vector<16xi32>
      %add3A_690 = arith.addi %get3A_680, %broadcast_in_dim3A_8 : vector<16xi32>
      %add3A_691 = arith.addi %add3A_690, %select_n3A_689 : vector<16xi32>
      %swap3A_692 = arith.constant 112 : index
      %swap3A_693 = tpu.vector_load %arg13[%swap3A_692] {strides = array<i32>} : memref<128xi32, #tpu.memory_space<vmem>>, vector<16xi32>,
      tpu.vector_store %arg13[%swap3A_692], %add3A_691 {strides = array<i32>} : memref<128xi32, #tpu.memory_space<vmem>>, vector<16xi32>,
      %add3A_694 = arith.addi %get3A_682, %select_n3A_689 : vector<16xi32>
      %swap3A_695 = arith.constant 112 : index
      %swap3A_696 = tpu.vector_load %arg14[%swap3A_695] {strides = array<i32>} : memref<128xi32, #tpu.memory_space<vmem>>, vector<16xi32>,
      tpu.vector_store %arg14[%swap3A_695], %add3A_694 {strides = array<i32>} : memref<128xi32, #tpu.memory_space<vmem>>, vector<16xi32>,
      %ne3A_697 = arith.xori %gt3A_688, %broadcast_in_dim3A : vector<16xi1>
      %select_n3A_698 = arith.select %ne3A_697, %get3A_682, %broadcast_in_dim3A_5 : vector<16xi1>, vector<16xi32>
      %swap3A_699 = arith.constant 112 : index
      %swap3A_700 = tpu.vector_load %arg15[%swap3A_699] {strides = array<i32>} : memref<128xi32, #tpu.memory_space<vmem>>, vector<16xi32>,
      tpu.vector_store %arg15[%swap3A_699], %select_n3A_698 {strides = array<i32>} : memref<128xi32, #tpu.memory_space<vmem>>, vector<16xi32>,
      %mul3A_701 = vector.broadcast %select_n3A : f32 to vector<16xf32>
      %mul3A_702 = arith.mulf %mul3A_701, %gather3A_683 : vector<16xf32>
      %exp3A_703 = math.exp %mul3A_702 : vector<16xf32>
      %swap3A_704 = arith.constant 112 : index
      %swap3A_705 = tpu.vector_load %arg16[%swap3A_704] {strides = array<i32>} : memref<128xf32, #tpu.memory_space<vmem>>, vector<16xf32>,
      tpu.vector_store %arg16[%swap3A_704], %exp3A_703 {strides = array<i32>} : memref<128xf32, #tpu.memory_space<vmem>>, vector<16xf32>,
      %dma_start3A_706 = arith.constant 0 : i32
      %dma_start3A_707 = arith.constant 0 : i32
      %dma_start3A_708 = tpu.memref_slice %arg2[%dma_start3A_706, %dma_start3A_707] : memref<40960x64xf32, #tpu.memory_space<hbm>> -> memref<40960x64xf32, #tpu.memory_space<hbm>>
      tpu.enqueue_indirect_dma source(%dma_start3A_708 : memref<40960x64xf32, #tpu.memory_space<hbm>>) target(%arg17 : memref<128x64xf32, #tpu.memory_space<vmem>>) offsets(%arg13 : memref<128xi32, #tpu.memory_space<vmem>>) semaphore(%arg25 : memref<!tpu.dma_semaphore, #tpu.memory_space<semaphore_mem>>)
      %dma_wait3A_709 = arith.constant 0 : i32
      %dma_wait3A_710 = arith.constant 0 : i32
      %dma_wait3A_711 = tpu.memref_slice %arg2[%dma_wait3A_709, %dma_wait3A_710] : memref<40960x64xf32, #tpu.memory_space<hbm>> -> memref<40960x64xf32, #tpu.memory_space<hbm>>
      tpu.wait_indirect_dma semaphore(%arg26 : memref<!tpu.dma_semaphore, #tpu.memory_space<semaphore_mem>>) src(%dma_wait3A_711 : memref<40960x64xf32, #tpu.memory_space<hbm>>) dst(%arg22 : memref<128x64xf32, #tpu.memory_space<vmem>>)
      "tpu.region"() ({
        %run_scoped3A = tpu.sem_alloc : memref<!tpu.dma_semaphore, #tpu.memory_space<semaphore_mem>>
        %dma_start3A_712 = arith.constant 0 : i32
        %dma_start3A_713 = arith.constant 0 : i32
        %dma_start3A_714 = tpu.memref_slice %arg23[%dma_start3A_712, %dma_start3A_713] : memref<20480x64xf32, #tpu.memory_space<vmem_shared>> -> memref<20480x64xf32, #tpu.memory_space<vmem_shared>>
        tpu.enqueue_indirect_dma source(%arg22 : memref<128x64xf32, #tpu.memory_space<vmem>>) target(%dma_start3A_714 : memref<20480x64xf32, #tpu.memory_space<vmem_shared>>) offsets(%arg19 : memref<128xi32, #tpu.memory_space<vmem>>) semaphore(%run_scoped3A : memref<!tpu.dma_semaphore, #tpu.memory_space<semaphore_mem>>) {add = true}
        %dma_wait3A_715 = arith.constant 0 : i32
        %dma_wait3A_716 = arith.constant 0 : i32
        %dma_wait3A_717 = tpu.memref_slice %arg23[%dma_wait3A_715, %dma_wait3A_716] : memref<20480x64xf32, #tpu.memory_space<vmem_shared>> -> memref<20480x64xf32, #tpu.memory_space<vmem_shared>>
        tpu.wait_indirect_dma semaphore(%run_scoped3A : memref<!tpu.dma_semaphore, #tpu.memory_space<semaphore_mem>>) src(%arg22 : memref<128x64xf32, #tpu.memory_space<vmem>>) dst(%dma_wait3A_717 : memref<20480x64xf32, #tpu.memory_space<vmem_shared>>)
        tpu.yield
      }) : () -> ()
      "tpu.region"() ({
        %run_scoped3A = tpu.sem_alloc : memref<!tpu.dma_semaphore, #tpu.memory_space<semaphore_mem>>
        %dma_start3A_712 = arith.constant 0 : i32
        %dma_start3A_713 = tpu.memref_slice %arg24[%dma_start3A_712] : memref<10240xf32, #tpu.memory_space<vmem_shared>> -> memref<10240xf32, #tpu.memory_space<vmem_shared>>
        tpu.enqueue_indirect_dma source(%arg21 : memref<128xf32, #tpu.memory_space<vmem>>) target(%dma_start3A_713 : memref<10240xf32, #tpu.memory_space<vmem_shared>>) offsets(%arg20 : memref<128xi32, #tpu.memory_space<vmem>>) semaphore(%run_scoped3A : memref<!tpu.dma_semaphore, #tpu.memory_space<semaphore_mem>>) {add = true}
        %dma_wait3A_714 = arith.constant 0 : i32
        %dma_wait3A_715 = tpu.memref_slice %arg24[%dma_wait3A_714] : memref<10240xf32, #tpu.memory_space<vmem_shared>> -> memref<10240xf32, #tpu.memory_space<vmem_shared>>
        tpu.wait_indirect_dma semaphore(%run_scoped3A : memref<!tpu.dma_semaphore, #tpu.memory_space<semaphore_mem>>) src(%arg21 : memref<128xf32, #tpu.memory_space<vmem>>) dst(%dma_wait3A_715 : memref<10240xf32, #tpu.memory_space<vmem_shared>>)
        tpu.yield
      }) : () -> ()
    }
    %scan3A_238 = arith.constant 78 : i32
    %dma_wait3A = arith.constant 0 : i32
    %dma_wait3A_239 = arith.constant 0 : i32
    %dma_wait3A_240 = tpu.memref_slice %arg2[%dma_wait3A, %dma_wait3A_239] : memref<40960x64xf32, #tpu.memory_space<hbm>> -> memref<40960x64xf32, #tpu.memory_space<hbm>>
    tpu.wait_indirect_dma semaphore(%arg25 : memref<!tpu.dma_semaphore, #tpu.memory_space<semaphore_mem>>) src(%dma_wait3A_240 : memref<40960x64xf32, #tpu.memory_space<hbm>>) dst(%arg17 : memref<128x64xf32, #tpu.memory_space<vmem>>)
    "tpu.region"() ({
      %run_scoped3A = tpu.sem_alloc : memref<!tpu.dma_semaphore, #tpu.memory_space<semaphore_mem>>
      %dma_start3A_258 = arith.constant 0 : i32
      %dma_start3A_259 = arith.constant 0 : i32
      %dma_start3A_260 = tpu.memref_slice %arg23[%dma_start3A_258, %dma_start3A_259] : memref<20480x64xf32, #tpu.memory_space<vmem_shared>> -> memref<20480x64xf32, #tpu.memory_space<vmem_shared>>
      tpu.enqueue_indirect_dma source(%arg17 : memref<128x64xf32, #tpu.memory_space<vmem>>) target(%dma_start3A_260 : memref<20480x64xf32, #tpu.memory_space<vmem_shared>>) offsets(%arg14 : memref<128xi32, #tpu.memory_space<vmem>>) semaphore(%run_scoped3A : memref<!tpu.dma_semaphore, #tpu.memory_space<semaphore_mem>>) {add = true}
      %dma_wait3A_261 = arith.constant 0 : i32
      %dma_wait3A_262 = arith.constant 0 : i32
      %dma_wait3A_263 = tpu.memref_slice %arg23[%dma_wait3A_261, %dma_wait3A_262] : memref<20480x64xf32, #tpu.memory_space<vmem_shared>> -> memref<20480x64xf32, #tpu.memory_space<vmem_shared>>
      tpu.wait_indirect_dma semaphore(%run_scoped3A : memref<!tpu.dma_semaphore, #tpu.memory_space<semaphore_mem>>) src(%arg17 : memref<128x64xf32, #tpu.memory_space<vmem>>) dst(%dma_wait3A_263 : memref<20480x64xf32, #tpu.memory_space<vmem_shared>>)
      tpu.yield
    }) : () -> ()
    "tpu.region"() ({
      %run_scoped3A = tpu.sem_alloc : memref<!tpu.dma_semaphore, #tpu.memory_space<semaphore_mem>>
      %dma_start3A_258 = arith.constant 0 : i32
      %dma_start3A_259 = tpu.memref_slice %arg24[%dma_start3A_258] : memref<10240xf32, #tpu.memory_space<vmem_shared>> -> memref<10240xf32, #tpu.memory_space<vmem_shared>>
      tpu.enqueue_indirect_dma source(%arg16 : memref<128xf32, #tpu.memory_space<vmem>>) target(%dma_start3A_259 : memref<10240xf32, #tpu.memory_space<vmem_shared>>) offsets(%arg15 : memref<128xi32, #tpu.memory_space<vmem>>) semaphore(%run_scoped3A : memref<!tpu.dma_semaphore, #tpu.memory_space<semaphore_mem>>) {add = true}
      %dma_wait3A_260 = arith.constant 0 : i32
      %dma_wait3A_261 = tpu.memref_slice %arg24[%dma_wait3A_260] : memref<10240xf32, #tpu.memory_space<vmem_shared>> -> memref<10240xf32, #tpu.memory_space<vmem_shared>>
      tpu.wait_indirect_dma semaphore(%run_scoped3A : memref<!tpu.dma_semaphore, #tpu.memory_space<semaphore_mem>>) src(%arg16 : memref<128xf32, #tpu.memory_space<vmem>>) dst(%dma_wait3A_261 : memref<10240xf32, #tpu.memory_space<vmem_shared>>)
      tpu.yield
    }) : () -> ()
    %barrier3A_241 = arith.constant 0 : index
    tpu.barrier barrier_id(%barrier3A_241)
    %mul3A_242 = arith.constant 1280 : i32
    %mul3A_243 = arith.muli %arg1, %mul3A_242 : i32
    %mul3A_244 = arith.constant 2 : i32
    %mul3A_245 = arith.muli %arg0, %mul3A_244 : i32
    %mul3A_246 = arith.constant 10240 : i32
    %mul3A_247 = arith.muli %mul3A_245, %mul3A_246 : i32
    %mul3A_248 = arith.constant 1280 : i32
    %mul3A_249 = arith.muli %arg1, %mul3A_248 : i32
    %add3A_250 = arith.addi %mul3A_247, %mul3A_249 : i32
    "tpu.region"() ({
      %run_scoped3A = tpu.sem_alloc : memref<!tpu.dma_semaphore, #tpu.memory_space<semaphore_mem>>
      %dma_start3A_258 = arith.constant 0 : i32
      %dma_start3A_259 = tpu.memref_slice %arg8[%add3A_250, %dma_start3A_258] : memref<40960x64xf32, #tpu.memory_space<hbm>> -> memref<1280x64xf32, #tpu.memory_space<hbm>>
      %dma_start3A_260 = arith.constant 0 : i32
      %dma_start3A_261 = tpu.memref_slice %arg23[%mul3A_243, %dma_start3A_260] : memref<20480x64xf32, #tpu.memory_space<vmem_shared>> -> memref<1280x64xf32, #tpu.memory_space<vmem_shared>>
      tpu.enqueue_dma source(%dma_start3A_261 : memref<1280x64xf32, #tpu.memory_space<vmem_shared>>) target(%dma_start3A_259 : memref<1280x64xf32, #tpu.memory_space<hbm>>) target_semaphore(%run_scoped3A : memref<!tpu.dma_semaphore, #tpu.memory_space<semaphore_mem>>)
      %dma_wait3A_262 = arith.constant 0 : i32
      %dma_wait3A_263 = tpu.memref_slice %arg8[%add3A_250, %dma_wait3A_262] : memref<40960x64xf32, #tpu.memory_space<hbm>> -> memref<1280x64xf32, #tpu.memory_space<hbm>>
      %dma_wait3A_264 = arith.constant 0 : i32
      %dma_wait3A_265 = tpu.memref_slice %arg23[%mul3A_243, %dma_wait3A_264] : memref<20480x64xf32, #tpu.memory_space<vmem_shared>> -> memref<1280x64xf32, #tpu.memory_space<vmem_shared>>
      tpu.wait_dma2 semaphore(%run_scoped3A : memref<!tpu.dma_semaphore, #tpu.memory_space<semaphore_mem>>) src(%dma_wait3A_265 : memref<1280x64xf32, #tpu.memory_space<vmem_shared>>) dst(%dma_wait3A_263 : memref<1280x64xf32, #tpu.memory_space<hbm>>)
      tpu.yield
    }) : () -> ()
    %mul3A_251 = arith.constant 640 : i32
    %mul3A_252 = arith.muli %arg1, %mul3A_251 : i32
    %mul3A_253 = arith.constant 10240 : i32
    %mul3A_254 = arith.muli %arg0, %mul3A_253 : i32
    %mul3A_255 = arith.constant 640 : i32
    %mul3A_256 = arith.muli %arg1, %mul3A_255 : i32
    %add3A_257 = arith.addi %mul3A_254, %mul3A_256 : i32
    "tpu.region"() ({
      %run_scoped3A = tpu.sem_alloc : memref<!tpu.dma_semaphore, #tpu.memory_space<semaphore_mem>>
      %dma_start3A_258 = tpu.memref_slice %arg9[%add3A_257] : memref<20480xf32, #tpu.memory_space<hbm>> -> memref<640xf32, #tpu.memory_space<hbm>>
      %dma_start3A_259 = tpu.memref_slice %arg24[%mul3A_252] : memref<10240xf32, #tpu.memory_space<vmem_shared>> -> memref<640xf32, #tpu.memory_space<vmem_shared>>
      tpu.enqueue_dma source(%dma_start3A_259 : memref<640xf32, #tpu.memory_space<vmem_shared>>) target(%dma_start3A_258 : memref<640xf32, #tpu.memory_space<hbm>>) target_semaphore(%run_scoped3A : memref<!tpu.dma_semaphore, #tpu.memory_space<semaphore_mem>>)
      %dma_wait3A_260 = tpu.memref_slice %arg9[%add3A_257] : memref<20480xf32, #tpu.memory_space<hbm>> -> memref<640xf32, #tpu.memory_space<hbm>>
      %dma_wait3A_261 = tpu.memref_slice %arg24[%mul3A_252] : memref<10240xf32, #tpu.memory_space<vmem_shared>> -> memref<640xf32, #tpu.memory_space<vmem_shared>>
      tpu.wait_dma2 semaphore(%run_scoped3A : memref<!tpu.dma_semaphore, #tpu.memory_space<semaphore_mem>>) src(%dma_wait3A_261 : memref<640xf32, #tpu.memory_space<vmem_shared>>) dst(%dma_wait3A_260 : memref<640xf32, #tpu.memory_space<hbm>>)
      tpu.yield
    }) : () -> ()
    return
  }
}

#map = affine_map<(d0, d1) -> (0, 0)>
#map1 = affine_map<(d0, d1) -> (0)>
module attributes {stable_mosaic.version = 14 : i64} {
  func.func @_edge_body(%arg0: i32, %arg1: i32, %arg2: memref<40960x64xf32, #tpu.memory_space<hbm>>, %arg3: memref<643072xi32, #tpu.memory_space<hbm>>, %arg4: memref<10240xf32, #tpu.memory_space<hbm>>, %arg5: memref<10240xf32, #tpu.memory_space<hbm>>, %arg6: memref<1280x64xf32, #tpu.memory_space<hbm>>, %arg7: memref<640xf32, #tpu.memory_space<hbm>>, %arg8: memref<40960x64xf32, #tpu.memory_space<hbm>>, %arg9: memref<20480xf32, #tpu.memory_space<hbm>>, %arg10: memref<10240xf32, #tpu.memory_space<vmem>>, %arg11: memref<10240xf32, #tpu.memory_space<vmem>>, %arg12: memref<512xi32, #tpu.memory_space<vmem>>, %arg13: memref<128xi32, #tpu.memory_space<vmem>>, %arg14: memref<128xi32, #tpu.memory_space<vmem>>, %arg15: memref<128xi32, #tpu.memory_space<vmem>>, %arg16: memref<128xf32, #tpu.memory_space<vmem>>, %arg17: memref<128x64xf32, #tpu.memory_space<vmem>>, %arg18: memref<128xi32, #tpu.memory_space<vmem>>, %arg19: memref<128xi32, #tpu.memory_space<vmem>>, %arg20: memref<128xi32, #tpu.memory_space<vmem>>, %arg21: memref<128xf32, #tpu.memory_space<vmem>>, %arg22: memref<128x64xf32, #tpu.memory_space<vmem>>, %arg23: memref<20480x64xf32, #tpu.memory_space<vmem_shared>>, %arg24: memref<10240xf32, #tpu.memory_space<vmem_shared>>, %arg25: memref<!tpu.dma_semaphore, #tpu.memory_space<semaphore_mem>>, %arg26: memref<!tpu.dma_semaphore, #tpu.memory_space<semaphore_mem>>) attributes {dimension_semantics = [#tpu.dimension_semantics<core_parallel>, #tpu.dimension_semantics<subcore_parallel>], iteration_bounds = array<i64: 2, 16>, scalar_prefetch = 0 : i64, scratch_operands = 17 : i64, tpu.core_type = #tpu.core_type<sc_vector_subcore>, window_params = [{transform_indices = #map}, {transform_indices = #map1}, {transform_indices = #map1}, {transform_indices = #map1}, {transform_indices = #map}, {transform_indices = #map1}, {transform_indices = #map}, {transform_indices = #map1}]} {
    %mul3A = arith.constant 1280 : i32
    %mul3A_0 = arith.muli %arg1, %mul3A : i32
    "tpu.region"() ({
      %run_scoped3A = tpu.sem_alloc : memref<!tpu.dma_semaphore, #tpu.memory_space<semaphore_mem>>
      %dma_start3A_258 = arith.constant 0 : i32
      %dma_start3A_259 = tpu.memref_slice %arg23[%mul3A_0, %dma_start3A_258] : memref<20480x64xf32, #tpu.memory_space<vmem_shared>> -> memref<1280x64xf32, #tpu.memory_space<vmem_shared>>
      tpu.enqueue_dma source(%arg6 : memref<1280x64xf32, #tpu.memory_space<hbm>>) target(%dma_start3A_259 : memref<1280x64xf32, #tpu.memory_space<vmem_shared>>) target_semaphore(%run_scoped3A : memref<!tpu.dma_semaphore, #tpu.memory_space<semaphore_mem>>)
      %dma_wait3A_260 = arith.constant 0 : i32
      %dma_wait3A_261 = tpu.memref_slice %arg23[%mul3A_0, %dma_wait3A_260] : memref<20480x64xf32, #tpu.memory_space<vmem_shared>> -> memref<1280x64xf32, #tpu.memory_space<vmem_shared>>
      tpu.wait_dma2 semaphore(%run_scoped3A : memref<!tpu.dma_semaphore, #tpu.memory_space<semaphore_mem>>) src(%arg6 : memref<1280x64xf32, #tpu.memory_space<hbm>>) dst(%dma_wait3A_261 : memref<1280x64xf32, #tpu.memory_space<vmem_shared>>)
      tpu.yield
    }) : () -> ()
    %mul3A_1 = arith.constant 640 : i32
    %mul3A_2 = arith.muli %arg1, %mul3A_1 : i32
    "tpu.region"() ({
      %run_scoped3A = tpu.sem_alloc : memref<!tpu.dma_semaphore, #tpu.memory_space<semaphore_mem>>
      %dma_start3A_258 = tpu.memref_slice %arg24[%mul3A_2] : memref<10240xf32, #tpu.memory_space<vmem_shared>> -> memref<640xf32, #tpu.memory_space<vmem_shared>>
      tpu.enqueue_dma source(%arg7 : memref<640xf32, #tpu.memory_space<hbm>>) target(%dma_start3A_258 : memref<640xf32, #tpu.memory_space<vmem_shared>>) target_semaphore(%run_scoped3A : memref<!tpu.dma_semaphore, #tpu.memory_space<semaphore_mem>>)
      %dma_wait3A_259 = tpu.memref_slice %arg24[%mul3A_2] : memref<10240xf32, #tpu.memory_space<vmem_shared>> -> memref<640xf32, #tpu.memory_space<vmem_shared>>
      tpu.wait_dma2 semaphore(%run_scoped3A : memref<!tpu.dma_semaphore, #tpu.memory_space<semaphore_mem>>) src(%arg7 : memref<640xf32, #tpu.memory_space<hbm>>) dst(%dma_wait3A_259 : memref<640xf32, #tpu.memory_space<vmem_shared>>)
      tpu.yield
    }) : () -> ()
    "tpu.region"() ({
      %run_scoped3A = tpu.sem_alloc : memref<!tpu.dma_semaphore, #tpu.memory_space<semaphore_mem>>
      tpu.enqueue_dma source(%arg4 : memref<10240xf32, #tpu.memory_space<hbm>>) target(%arg10 : memref<10240xf32, #tpu.memory_space<vmem>>) target_semaphore(%run_scoped3A : memref<!tpu.dma_semaphore, #tpu.memory_space<semaphore_mem>>)
      tpu.wait_dma2 semaphore(%run_scoped3A : memref<!tpu.dma_semaphore, #tpu.memory_space<semaphore_mem>>) src(%arg4 : memref<10240xf32, #tpu.memory_space<hbm>>) dst(%arg10 : memref<10240xf32, #tpu.memory_space<vmem>>)
      tpu.yield
    }) : () -> ()
    "tpu.region"() ({
      %run_scoped3A = tpu.sem_alloc : memref<!tpu.dma_semaphore, #tpu.memory_space<semaphore_mem>>
      tpu.enqueue_dma source(%arg5 : memref<10240xf32, #tpu.memory_space<hbm>>) target(%arg11 : memref<10240xf32, #tpu.memory_space<vmem>>) target_semaphore(%run_scoped3A : memref<!tpu.dma_semaphore, #tpu.memory_space<semaphore_mem>>)
      tpu.wait_dma2 semaphore(%run_scoped3A : memref<!tpu.dma_semaphore, #tpu.memory_space<semaphore_mem>>) src(%arg5 : memref<10240xf32, #tpu.memory_space<hbm>>) dst(%arg11 : memref<10240xf32, #tpu.memory_space<vmem>>)
      tpu.yield
    }) : () -> ()
    %barrier3A = arith.constant 0 : index
    tpu.barrier barrier_id(%barrier3A)
    %eq3A = arith.constant 1 : i32
    %eq3A_3 = arith.cmpi eq, %arg0, %eq3A : i32
    %broadcast_in_dim3A = vector.broadcast %eq3A_3 : i1 to vector<16xi1>
    %add3A = arith.constant 10000 : i32
    %add3A_4 = arith.addi %add3A, %arg1 : i32
    %broadcast_in_dim3A_5 = vector.broadcast %add3A_4 : i32 to vector<16xi32>
    %mul3A_6 = arith.constant 20480 : i32
    %mul3A_7 = arith.muli %arg0, %mul3A_6 : i32
    %broadcast_in_dim3A_8 = vector.broadcast %mul3A_7 : i32 to vector<16xi32>
    %broadcast_in_dim3A_9 = arith.constant 10240 : i32
    %broadcast_in_dim3A_10 = vector.broadcast %broadcast_in_dim3A_9 : i32 to vector<16xi32>
    %broadcast_in_dim3A_11 = arith.constant 0 : i32
    %broadcast_in_dim3A_12 = vector.broadcast %broadcast_in_dim3A_11 : i32 to vector<16xi32>
    %eq3A_13 = arith.constant 1 : i32
    %eq3A_14 = arith.cmpi eq, %arg0, %eq3A_13 : i32
    %jit3A = arith.constant 2.000000e-01 : f32
    %jit3A_15 = arith.constant 1.000000e+00 : f32
    %select_n3A = arith.select %eq3A_14, %jit3A, %jit3A_15 : f32
    %mul3A_16 = arith.constant 157 : i32
    %mul3A_17 = arith.muli %arg1, %mul3A_16 : i32
    %mul3A_18 = arith.constant 2 : i32
    %mul3A_19 = arith.muli %mul3A_17, %mul3A_18 : i32
    %mul3A_20 = arith.constant 128 : i32
    %mul3A_21 = arith.muli %mul3A_19, %mul3A_20 : i32
    "tpu.region"() ({
      %run_scoped3A = tpu.sem_alloc : memref<!tpu.dma_semaphore, #tpu.memory_space<semaphore_mem>>
      %dma_start3A_258 = arith.constant 0 : i32
      %dma_start3A_259 = tpu.memref_slice %arg12[%dma_start3A_258] : memref<512xi32, #tpu.memory_space<vmem>> -> memref<256xi32, #tpu.memory_space<vmem>>
      %dma_start3A_260 = tpu.memref_slice %arg3[%mul3A_21] : memref<643072xi32, #tpu.memory_space<hbm>> -> memref<256xi32, #tpu.memory_space<hbm>>
      %dma_start3A_261 = arith.constant 0 : i32
      %dma_start3A_262 = tpu.memref_slice %arg12[%dma_start3A_261] : memref<512xi32, #tpu.memory_space<vmem>> -> memref<256xi32, #tpu.memory_space<vmem>>
      %dma_start3A_263 = tpu.memref_slice %arg3[%mul3A_21] : memref<643072xi32, #tpu.memory_space<hbm>> -> memref<256xi32, #tpu.memory_space<hbm>>
      tpu.enqueue_dma source(%dma_start3A_263 : memref<256xi32, #tpu.memory_space<hbm>>) target(%dma_start3A_262 : memref<256xi32, #tpu.memory_space<vmem>>) target_semaphore(%run_scoped3A : memref<!tpu.dma_semaphore, #tpu.memory_space<semaphore_mem>>)
      %dma_wait3A_264 = arith.constant 0 : i32
      %dma_wait3A_265 = tpu.memref_slice %arg12[%dma_wait3A_264] : memref<512xi32, #tpu.memory_space<vmem>> -> memref<256xi32, #tpu.memory_space<vmem>>
      %dma_wait3A_266 = tpu.memref_slice %arg3[%mul3A_21] : memref<643072xi32, #tpu.memory_space<hbm>> -> memref<256xi32, #tpu.memory_space<hbm>>
      %dma_wait3A_267 = arith.constant 0 : i32
      %dma_wait3A_268 = tpu.memref_slice %arg12[%dma_wait3A_267] : memref<512xi32, #tpu.memory_space<vmem>> -> memref<256xi32, #tpu.memory_space<vmem>>
      %dma_wait3A_269 = tpu.memref_slice %arg3[%mul3A_21] : memref<643072xi32, #tpu.memory_space<hbm>> -> memref<256xi32, #tpu.memory_space<hbm>>
      tpu.wait_dma2 semaphore(%run_scoped3A : memref<!tpu.dma_semaphore, #tpu.memory_space<semaphore_mem>>) src(%dma_wait3A_269 : memref<256xi32, #tpu.memory_space<hbm>>) dst(%dma_wait3A_268 : memref<256xi32, #tpu.memory_space<vmem>>)
      tpu.yield
    }) : () -> ()
    %get3A = arith.constant 0 : index
    %get3A_22 = tpu.vector_load %arg12[%get3A] {strides = array<i32>} : memref<512xi32, #tpu.memory_space<vmem>>, vector<16xi32>,
    %get3A_23 = arith.constant 128 : index
    %get3A_24 = tpu.vector_load %arg12[%get3A_23] {strides = array<i32>} : memref<512xi32, #tpu.memory_space<vmem>>, vector<16xi32>,
    %gather3A = tpu.vector_load_idx %arg10[%get3A_22] : memref<10240xf32, #tpu.memory_space<vmem>>[vector<16xi32>], vector<16xf32>,
    %gather3A_25 = tpu.vector_load_idx %arg11[%get3A_24] : memref<10240xf32, #tpu.memory_space<vmem>>[vector<16xi32>], vector<16xf32>,
    %add3A_26 = arith.addf %gather3A, %gather3A_25 : vector<16xf32>
    %gt3A = arith.constant 0.000000e+00 : f32
    %gt3A_27 = vector.broadcast %gt3A : f32 to vector<16xf32>
    %gt3A_28 = arith.cmpf ogt, %add3A_26, %gt3A_27 : vector<16xf32>
    %select_n3A_29 = arith.select %gt3A_28, %broadcast_in_dim3A_12, %broadcast_in_dim3A_10 : vector<16xi1>, vector<16xi32>
    %add3A_30 = arith.addi %get3A_22, %broadcast_in_dim3A_8 : vector<16xi32>
    %add3A_31 = arith.addi %add3A_30, %select_n3A_29 : vector<16xi32>
    %swap3A = arith.constant 0 : index
    %swap3A_32 = tpu.vector_load %arg13[%swap3A] {strides = array<i32>} : memref<128xi32, #tpu.memory_space<vmem>>, vector<16xi32>,
    tpu.vector_store %arg13[%swap3A], %add3A_31 {strides = array<i32>} : memref<128xi32, #tpu.memory_space<vmem>>, vector<16xi32>,
    %add3A_33 = arith.addi %get3A_24, %select_n3A_29 : vector<16xi32>
    %swap3A_34 = arith.constant 0 : index
    %swap3A_35 = tpu.vector_load %arg14[%swap3A_34] {strides = array<i32>} : memref<128xi32, #tpu.memory_space<vmem>>, vector<16xi32>,
    tpu.vector_store %arg14[%swap3A_34], %add3A_33 {strides = array<i32>} : memref<128xi32, #tpu.memory_space<vmem>>, vector<16xi32>,
    %ne3A = arith.xori %gt3A_28, %broadcast_in_dim3A : vector<16xi1>
    %select_n3A_36 = arith.select %ne3A, %get3A_24, %broadcast_in_dim3A_5 : vector<16xi1>, vector<16xi32>
    %swap3A_37 = arith.constant 0 : index
    %swap3A_38 = tpu.vector_load %arg15[%swap3A_37] {strides = array<i32>} : memref<128xi32, #tpu.memory_space<vmem>>, vector<16xi32>,
    tpu.vector_store %arg15[%swap3A_37], %select_n3A_36 {strides = array<i32>} : memref<128xi32, #tpu.memory_space<vmem>>, vector<16xi32>,
    %mul3A_39 = vector.broadcast %select_n3A : f32 to vector<16xf32>
    %mul3A_40 = arith.mulf %mul3A_39, %gather3A : vector<16xf32>
    %exp3A = math.exp %mul3A_40 : vector<16xf32>
    %swap3A_41 = arith.constant 0 : index
    %swap3A_42 = tpu.vector_load %arg16[%swap3A_41] {strides = array<i32>} : memref<128xf32, #tpu.memory_space<vmem>>, vector<16xf32>,
    tpu.vector_store %arg16[%swap3A_41], %exp3A {strides = array<i32>} : memref<128xf32, #tpu.memory_space<vmem>>, vector<16xf32>,
    %get3A_43 = arith.constant 16 : index
    %get3A_44 = tpu.vector_load %arg12[%get3A_43] {strides = array<i32>} : memref<512xi32, #tpu.memory_space<vmem>>, vector<16xi32>,
    %get3A_45 = arith.constant 144 : index
    %get3A_46 = tpu.vector_load %arg12[%get3A_45] {strides = array<i32>} : memref<512xi32, #tpu.memory_space<vmem>>, vector<16xi32>,
    %gather3A_47 = tpu.vector_load_idx %arg10[%get3A_44] : memref<10240xf32, #tpu.memory_space<vmem>>[vector<16xi32>], vector<16xf32>,
    %gather3A_48 = tpu.vector_load_idx %arg11[%get3A_46] : memref<10240xf32, #tpu.memory_space<vmem>>[vector<16xi32>], vector<16xf32>,
    %add3A_49 = arith.addf %gather3A_47, %gather3A_48 : vector<16xf32>
    %gt3A_50 = arith.constant 0.000000e+00 : f32
    %gt3A_51 = vector.broadcast %gt3A_50 : f32 to vector<16xf32>
    %gt3A_52 = arith.cmpf ogt, %add3A_49, %gt3A_51 : vector<16xf32>
    %select_n3A_53 = arith.select %gt3A_52, %broadcast_in_dim3A_12, %broadcast_in_dim3A_10 : vector<16xi1>, vector<16xi32>
    %add3A_54 = arith.addi %get3A_44, %broadcast_in_dim3A_8 : vector<16xi32>
    %add3A_55 = arith.addi %add3A_54, %select_n3A_53 : vector<16xi32>
    %swap3A_56 = arith.constant 16 : index
    %swap3A_57 = tpu.vector_load %arg13[%swap3A_56] {strides = array<i32>} : memref<128xi32, #tpu.memory_space<vmem>>, vector<16xi32>,
    tpu.vector_store %arg13[%swap3A_56], %add3A_55 {strides = array<i32>} : memref<128xi32, #tpu.memory_space<vmem>>, vector<16xi32>,
    %add3A_58 = arith.addi %get3A_46, %select_n3A_53 : vector<16xi32>
    %swap3A_59 = arith.constant 16 : index
    %swap3A_60 = tpu.vector_load %arg14[%swap3A_59] {strides = array<i32>} : memref<128xi32, #tpu.memory_space<vmem>>, vector<16xi32>,
    tpu.vector_store %arg14[%swap3A_59], %add3A_58 {strides = array<i32>} : memref<128xi32, #tpu.memory_space<vmem>>, vector<16xi32>,
    %ne3A_61 = arith.xori %gt3A_52, %broadcast_in_dim3A : vector<16xi1>
    %select_n3A_62 = arith.select %ne3A_61, %get3A_46, %broadcast_in_dim3A_5 : vector<16xi1>, vector<16xi32>
    %swap3A_63 = arith.constant 16 : index
    %swap3A_64 = tpu.vector_load %arg15[%swap3A_63] {strides = array<i32>} : memref<128xi32, #tpu.memory_space<vmem>>, vector<16xi32>,
    tpu.vector_store %arg15[%swap3A_63], %select_n3A_62 {strides = array<i32>} : memref<128xi32, #tpu.memory_space<vmem>>, vector<16xi32>,
    %mul3A_65 = vector.broadcast %select_n3A : f32 to vector<16xf32>
    %mul3A_66 = arith.mulf %mul3A_65, %gather3A_47 : vector<16xf32>
    %exp3A_67 = math.exp %mul3A_66 : vector<16xf32>
    %swap3A_68 = arith.constant 16 : index
    %swap3A_69 = tpu.vector_load %arg16[%swap3A_68] {strides = array<i32>} : memref<128xf32, #tpu.memory_space<vmem>>, vector<16xf32>,
    tpu.vector_store %arg16[%swap3A_68], %exp3A_67 {strides = array<i32>} : memref<128xf32, #tpu.memory_space<vmem>>, vector<16xf32>,
    %get3A_70 = arith.constant 32 : index
    %get3A_71 = tpu.vector_load %arg12[%get3A_70] {strides = array<i32>} : memref<512xi32, #tpu.memory_space<vmem>>, vector<16xi32>,
    %get3A_72 = arith.constant 160 : index
    %get3A_73 = tpu.vector_load %arg12[%get3A_72] {strides = array<i32>} : memref<512xi32, #tpu.memory_space<vmem>>, vector<16xi32>,
    %gather3A_74 = tpu.vector_load_idx %arg10[%get3A_71] : memref<10240xf32, #tpu.memory_space<vmem>>[vector<16xi32>], vector<16xf32>,
    %gather3A_75 = tpu.vector_load_idx %arg11[%get3A_73] : memref<10240xf32, #tpu.memory_space<vmem>>[vector<16xi32>], vector<16xf32>,
    %add3A_76 = arith.addf %gather3A_74, %gather3A_75 : vector<16xf32>
    %gt3A_77 = arith.constant 0.000000e+00 : f32
    %gt3A_78 = vector.broadcast %gt3A_77 : f32 to vector<16xf32>
    %gt3A_79 = arith.cmpf ogt, %add3A_76, %gt3A_78 : vector<16xf32>
    %select_n3A_80 = arith.select %gt3A_79, %broadcast_in_dim3A_12, %broadcast_in_dim3A_10 : vector<16xi1>, vector<16xi32>
    %add3A_81 = arith.addi %get3A_71, %broadcast_in_dim3A_8 : vector<16xi32>
    %add3A_82 = arith.addi %add3A_81, %select_n3A_80 : vector<16xi32>
    %swap3A_83 = arith.constant 32 : index
    %swap3A_84 = tpu.vector_load %arg13[%swap3A_83] {strides = array<i32>} : memref<128xi32, #tpu.memory_space<vmem>>, vector<16xi32>,
    tpu.vector_store %arg13[%swap3A_83], %add3A_82 {strides = array<i32>} : memref<128xi32, #tpu.memory_space<vmem>>, vector<16xi32>,
    %add3A_85 = arith.addi %get3A_73, %select_n3A_80 : vector<16xi32>
    %swap3A_86 = arith.constant 32 : index
    %swap3A_87 = tpu.vector_load %arg14[%swap3A_86] {strides = array<i32>} : memref<128xi32, #tpu.memory_space<vmem>>, vector<16xi32>,
    tpu.vector_store %arg14[%swap3A_86], %add3A_85 {strides = array<i32>} : memref<128xi32, #tpu.memory_space<vmem>>, vector<16xi32>,
    %ne3A_88 = arith.xori %gt3A_79, %broadcast_in_dim3A : vector<16xi1>
    %select_n3A_89 = arith.select %ne3A_88, %get3A_73, %broadcast_in_dim3A_5 : vector<16xi1>, vector<16xi32>
    %swap3A_90 = arith.constant 32 : index
    %swap3A_91 = tpu.vector_load %arg15[%swap3A_90] {strides = array<i32>} : memref<128xi32, #tpu.memory_space<vmem>>, vector<16xi32>,
    tpu.vector_store %arg15[%swap3A_90], %select_n3A_89 {strides = array<i32>} : memref<128xi32, #tpu.memory_space<vmem>>, vector<16xi32>,
    %mul3A_92 = vector.broadcast %select_n3A : f32 to vector<16xf32>
    %mul3A_93 = arith.mulf %mul3A_92, %gather3A_74 : vector<16xf32>
    %exp3A_94 = math.exp %mul3A_93 : vector<16xf32>
    %swap3A_95 = arith.constant 32 : index
    %swap3A_96 = tpu.vector_load %arg16[%swap3A_95] {strides = array<i32>} : memref<128xf32, #tpu.memory_space<vmem>>, vector<16xf32>,
    tpu.vector_store %arg16[%swap3A_95], %exp3A_94 {strides = array<i32>} : memref<128xf32, #tpu.memory_space<vmem>>, vector<16xf32>,
    %get3A_97 = arith.constant 48 : index
    %get3A_98 = tpu.vector_load %arg12[%get3A_97] {strides = array<i32>} : memref<512xi32, #tpu.memory_space<vmem>>, vector<16xi32>,
    %get3A_99 = arith.constant 176 : index
    %get3A_100 = tpu.vector_load %arg12[%get3A_99] {strides = array<i32>} : memref<512xi32, #tpu.memory_space<vmem>>, vector<16xi32>,
    %gather3A_101 = tpu.vector_load_idx %arg10[%get3A_98] : memref<10240xf32, #tpu.memory_space<vmem>>[vector<16xi32>], vector<16xf32>,
    %gather3A_102 = tpu.vector_load_idx %arg11[%get3A_100] : memref<10240xf32, #tpu.memory_space<vmem>>[vector<16xi32>], vector<16xf32>,
    %add3A_103 = arith.addf %gather3A_101, %gather3A_102 : vector<16xf32>
    %gt3A_104 = arith.constant 0.000000e+00 : f32
    %gt3A_105 = vector.broadcast %gt3A_104 : f32 to vector<16xf32>
    %gt3A_106 = arith.cmpf ogt, %add3A_103, %gt3A_105 : vector<16xf32>
    %select_n3A_107 = arith.select %gt3A_106, %broadcast_in_dim3A_12, %broadcast_in_dim3A_10 : vector<16xi1>, vector<16xi32>
    %add3A_108 = arith.addi %get3A_98, %broadcast_in_dim3A_8 : vector<16xi32>
    %add3A_109 = arith.addi %add3A_108, %select_n3A_107 : vector<16xi32>
    %swap3A_110 = arith.constant 48 : index
    %swap3A_111 = tpu.vector_load %arg13[%swap3A_110] {strides = array<i32>} : memref<128xi32, #tpu.memory_space<vmem>>, vector<16xi32>,
    tpu.vector_store %arg13[%swap3A_110], %add3A_109 {strides = array<i32>} : memref<128xi32, #tpu.memory_space<vmem>>, vector<16xi32>,
    %add3A_112 = arith.addi %get3A_100, %select_n3A_107 : vector<16xi32>
    %swap3A_113 = arith.constant 48 : index
    %swap3A_114 = tpu.vector_load %arg14[%swap3A_113] {strides = array<i32>} : memref<128xi32, #tpu.memory_space<vmem>>, vector<16xi32>,
    tpu.vector_store %arg14[%swap3A_113], %add3A_112 {strides = array<i32>} : memref<128xi32, #tpu.memory_space<vmem>>, vector<16xi32>,
    %ne3A_115 = arith.xori %gt3A_106, %broadcast_in_dim3A : vector<16xi1>
    %select_n3A_116 = arith.select %ne3A_115, %get3A_100, %broadcast_in_dim3A_5 : vector<16xi1>, vector<16xi32>
    %swap3A_117 = arith.constant 48 : index
    %swap3A_118 = tpu.vector_load %arg15[%swap3A_117] {strides = array<i32>} : memref<128xi32, #tpu.memory_space<vmem>>, vector<16xi32>,
    tpu.vector_store %arg15[%swap3A_117], %select_n3A_116 {strides = array<i32>} : memref<128xi32, #tpu.memory_space<vmem>>, vector<16xi32>,
    %mul3A_119 = vector.broadcast %select_n3A : f32 to vector<16xf32>
    %mul3A_120 = arith.mulf %mul3A_119, %gather3A_101 : vector<16xf32>
    %exp3A_121 = math.exp %mul3A_120 : vector<16xf32>
    %swap3A_122 = arith.constant 48 : index
    %swap3A_123 = tpu.vector_load %arg16[%swap3A_122] {strides = array<i32>} : memref<128xf32, #tpu.memory_space<vmem>>, vector<16xf32>,
    tpu.vector_store %arg16[%swap3A_122], %exp3A_121 {strides = array<i32>} : memref<128xf32, #tpu.memory_space<vmem>>, vector<16xf32>,
    %get3A_124 = arith.constant 64 : index
    %get3A_125 = tpu.vector_load %arg12[%get3A_124] {strides = array<i32>} : memref<512xi32, #tpu.memory_space<vmem>>, vector<16xi32>,
    %get3A_126 = arith.constant 192 : index
    %get3A_127 = tpu.vector_load %arg12[%get3A_126] {strides = array<i32>} : memref<512xi32, #tpu.memory_space<vmem>>, vector<16xi32>,
    %gather3A_128 = tpu.vector_load_idx %arg10[%get3A_125] : memref<10240xf32, #tpu.memory_space<vmem>>[vector<16xi32>], vector<16xf32>,
    %gather3A_129 = tpu.vector_load_idx %arg11[%get3A_127] : memref<10240xf32, #tpu.memory_space<vmem>>[vector<16xi32>], vector<16xf32>,
    %add3A_130 = arith.addf %gather3A_128, %gather3A_129 : vector<16xf32>
    %gt3A_131 = arith.constant 0.000000e+00 : f32
    %gt3A_132 = vector.broadcast %gt3A_131 : f32 to vector<16xf32>
    %gt3A_133 = arith.cmpf ogt, %add3A_130, %gt3A_132 : vector<16xf32>
    %select_n3A_134 = arith.select %gt3A_133, %broadcast_in_dim3A_12, %broadcast_in_dim3A_10 : vector<16xi1>, vector<16xi32>
    %add3A_135 = arith.addi %get3A_125, %broadcast_in_dim3A_8 : vector<16xi32>
    %add3A_136 = arith.addi %add3A_135, %select_n3A_134 : vector<16xi32>
    %swap3A_137 = arith.constant 64 : index
    %swap3A_138 = tpu.vector_load %arg13[%swap3A_137] {strides = array<i32>} : memref<128xi32, #tpu.memory_space<vmem>>, vector<16xi32>,
    tpu.vector_store %arg13[%swap3A_137], %add3A_136 {strides = array<i32>} : memref<128xi32, #tpu.memory_space<vmem>>, vector<16xi32>,
    %add3A_139 = arith.addi %get3A_127, %select_n3A_134 : vector<16xi32>
    %swap3A_140 = arith.constant 64 : index
    %swap3A_141 = tpu.vector_load %arg14[%swap3A_140] {strides = array<i32>} : memref<128xi32, #tpu.memory_space<vmem>>, vector<16xi32>,
    tpu.vector_store %arg14[%swap3A_140], %add3A_139 {strides = array<i32>} : memref<128xi32, #tpu.memory_space<vmem>>, vector<16xi32>,
    %ne3A_142 = arith.xori %gt3A_133, %broadcast_in_dim3A : vector<16xi1>
    %select_n3A_143 = arith.select %ne3A_142, %get3A_127, %broadcast_in_dim3A_5 : vector<16xi1>, vector<16xi32>
    %swap3A_144 = arith.constant 64 : index
    %swap3A_145 = tpu.vector_load %arg15[%swap3A_144] {strides = array<i32>} : memref<128xi32, #tpu.memory_space<vmem>>, vector<16xi32>,
    tpu.vector_store %arg15[%swap3A_144], %select_n3A_143 {strides = array<i32>} : memref<128xi32, #tpu.memory_space<vmem>>, vector<16xi32>,
    %mul3A_146 = vector.broadcast %select_n3A : f32 to vector<16xf32>
    %mul3A_147 = arith.mulf %mul3A_146, %gather3A_128 : vector<16xf32>
    %exp3A_148 = math.exp %mul3A_147 : vector<16xf32>
    %swap3A_149 = arith.constant 64 : index
    %swap3A_150 = tpu.vector_load %arg16[%swap3A_149] {strides = array<i32>} : memref<128xf32, #tpu.memory_space<vmem>>, vector<16xf32>,
    tpu.vector_store %arg16[%swap3A_149], %exp3A_148 {strides = array<i32>} : memref<128xf32, #tpu.memory_space<vmem>>, vector<16xf32>,
    %get3A_151 = arith.constant 80 : index
    %get3A_152 = tpu.vector_load %arg12[%get3A_151] {strides = array<i32>} : memref<512xi32, #tpu.memory_space<vmem>>, vector<16xi32>,
    %get3A_153 = arith.constant 208 : index
    %get3A_154 = tpu.vector_load %arg12[%get3A_153] {strides = array<i32>} : memref<512xi32, #tpu.memory_space<vmem>>, vector<16xi32>,
    %gather3A_155 = tpu.vector_load_idx %arg10[%get3A_152] : memref<10240xf32, #tpu.memory_space<vmem>>[vector<16xi32>], vector<16xf32>,
    %gather3A_156 = tpu.vector_load_idx %arg11[%get3A_154] : memref<10240xf32, #tpu.memory_space<vmem>>[vector<16xi32>], vector<16xf32>,
    %add3A_157 = arith.addf %gather3A_155, %gather3A_156 : vector<16xf32>
    %gt3A_158 = arith.constant 0.000000e+00 : f32
    %gt3A_159 = vector.broadcast %gt3A_158 : f32 to vector<16xf32>
    %gt3A_160 = arith.cmpf ogt, %add3A_157, %gt3A_159 : vector<16xf32>
    %select_n3A_161 = arith.select %gt3A_160, %broadcast_in_dim3A_12, %broadcast_in_dim3A_10 : vector<16xi1>, vector<16xi32>
    %add3A_162 = arith.addi %get3A_152, %broadcast_in_dim3A_8 : vector<16xi32>
    %add3A_163 = arith.addi %add3A_162, %select_n3A_161 : vector<16xi32>
    %swap3A_164 = arith.constant 80 : index
    %swap3A_165 = tpu.vector_load %arg13[%swap3A_164] {strides = array<i32>} : memref<128xi32, #tpu.memory_space<vmem>>, vector<16xi32>,
    tpu.vector_store %arg13[%swap3A_164], %add3A_163 {strides = array<i32>} : memref<128xi32, #tpu.memory_space<vmem>>, vector<16xi32>,
    %add3A_166 = arith.addi %get3A_154, %select_n3A_161 : vector<16xi32>
    %swap3A_167 = arith.constant 80 : index
    %swap3A_168 = tpu.vector_load %arg14[%swap3A_167] {strides = array<i32>} : memref<128xi32, #tpu.memory_space<vmem>>, vector<16xi32>,
    tpu.vector_store %arg14[%swap3A_167], %add3A_166 {strides = array<i32>} : memref<128xi32, #tpu.memory_space<vmem>>, vector<16xi32>,
    %ne3A_169 = arith.xori %gt3A_160, %broadcast_in_dim3A : vector<16xi1>
    %select_n3A_170 = arith.select %ne3A_169, %get3A_154, %broadcast_in_dim3A_5 : vector<16xi1>, vector<16xi32>
    %swap3A_171 = arith.constant 80 : index
    %swap3A_172 = tpu.vector_load %arg15[%swap3A_171] {strides = array<i32>} : memref<128xi32, #tpu.memory_space<vmem>>, vector<16xi32>,
    tpu.vector_store %arg15[%swap3A_171], %select_n3A_170 {strides = array<i32>} : memref<128xi32, #tpu.memory_space<vmem>>, vector<16xi32>,
    %mul3A_173 = vector.broadcast %select_n3A : f32 to vector<16xf32>
    %mul3A_174 = arith.mulf %mul3A_173, %gather3A_155 : vector<16xf32>
    %exp3A_175 = math.exp %mul3A_174 : vector<16xf32>
    %swap3A_176 = arith.constant 80 : index
    %swap3A_177 = tpu.vector_load %arg16[%swap3A_176] {strides = array<i32>} : memref<128xf32, #tpu.memory_space<vmem>>, vector<16xf32>,
    tpu.vector_store %arg16[%swap3A_176], %exp3A_175 {strides = array<i32>} : memref<128xf32, #tpu.memory_space<vmem>>, vector<16xf32>,
    %get3A_178 = arith.constant 96 : index
    %get3A_179 = tpu.vector_load %arg12[%get3A_178] {strides = array<i32>} : memref<512xi32, #tpu.memory_space<vmem>>, vector<16xi32>,
    %get3A_180 = arith.constant 224 : index
    %get3A_181 = tpu.vector_load %arg12[%get3A_180] {strides = array<i32>} : memref<512xi32, #tpu.memory_space<vmem>>, vector<16xi32>,
    %gather3A_182 = tpu.vector_load_idx %arg10[%get3A_179] : memref<10240xf32, #tpu.memory_space<vmem>>[vector<16xi32>], vector<16xf32>,
    %gather3A_183 = tpu.vector_load_idx %arg11[%get3A_181] : memref<10240xf32, #tpu.memory_space<vmem>>[vector<16xi32>], vector<16xf32>,
    %add3A_184 = arith.addf %gather3A_182, %gather3A_183 : vector<16xf32>
    %gt3A_185 = arith.constant 0.000000e+00 : f32
    %gt3A_186 = vector.broadcast %gt3A_185 : f32 to vector<16xf32>
    %gt3A_187 = arith.cmpf ogt, %add3A_184, %gt3A_186 : vector<16xf32>
    %select_n3A_188 = arith.select %gt3A_187, %broadcast_in_dim3A_12, %broadcast_in_dim3A_10 : vector<16xi1>, vector<16xi32>
    %add3A_189 = arith.addi %get3A_179, %broadcast_in_dim3A_8 : vector<16xi32>
    %add3A_190 = arith.addi %add3A_189, %select_n3A_188 : vector<16xi32>
    %swap3A_191 = arith.constant 96 : index
    %swap3A_192 = tpu.vector_load %arg13[%swap3A_191] {strides = array<i32>} : memref<128xi32, #tpu.memory_space<vmem>>, vector<16xi32>,
    tpu.vector_store %arg13[%swap3A_191], %add3A_190 {strides = array<i32>} : memref<128xi32, #tpu.memory_space<vmem>>, vector<16xi32>,
    %add3A_193 = arith.addi %get3A_181, %select_n3A_188 : vector<16xi32>
    %swap3A_194 = arith.constant 96 : index
    %swap3A_195 = tpu.vector_load %arg14[%swap3A_194] {strides = array<i32>} : memref<128xi32, #tpu.memory_space<vmem>>, vector<16xi32>,
    tpu.vector_store %arg14[%swap3A_194], %add3A_193 {strides = array<i32>} : memref<128xi32, #tpu.memory_space<vmem>>, vector<16xi32>,
    %ne3A_196 = arith.xori %gt3A_187, %broadcast_in_dim3A : vector<16xi1>
    %select_n3A_197 = arith.select %ne3A_196, %get3A_181, %broadcast_in_dim3A_5 : vector<16xi1>, vector<16xi32>
    %swap3A_198 = arith.constant 96 : index
    %swap3A_199 = tpu.vector_load %arg15[%swap3A_198] {strides = array<i32>} : memref<128xi32, #tpu.memory_space<vmem>>, vector<16xi32>,
    tpu.vector_store %arg15[%swap3A_198], %select_n3A_197 {strides = array<i32>} : memref<128xi32, #tpu.memory_space<vmem>>, vector<16xi32>,
    %mul3A_200 = vector.broadcast %select_n3A : f32 to vector<16xf32>
    %mul3A_201 = arith.mulf %mul3A_200, %gather3A_182 : vector<16xf32>
    %exp3A_202 = math.exp %mul3A_201 : vector<16xf32>
    %swap3A_203 = arith.constant 96 : index
    %swap3A_204 = tpu.vector_load %arg16[%swap3A_203] {strides = array<i32>} : memref<128xf32, #tpu.memory_space<vmem>>, vector<16xf32>,
    tpu.vector_store %arg16[%swap3A_203], %exp3A_202 {strides = array<i32>} : memref<128xf32, #tpu.memory_space<vmem>>, vector<16xf32>,
    %get3A_205 = arith.constant 112 : index
    %get3A_206 = tpu.vector_load %arg12[%get3A_205] {strides = array<i32>} : memref<512xi32, #tpu.memory_space<vmem>>, vector<16xi32>,
    %get3A_207 = arith.constant 240 : index
    %get3A_208 = tpu.vector_load %arg12[%get3A_207] {strides = array<i32>} : memref<512xi32, #tpu.memory_space<vmem>>, vector<16xi32>,
    %gather3A_209 = tpu.vector_load_idx %arg10[%get3A_206] : memref<10240xf32, #tpu.memory_space<vmem>>[vector<16xi32>], vector<16xf32>,
    %gather3A_210 = tpu.vector_load_idx %arg11[%get3A_208] : memref<10240xf32, #tpu.memory_space<vmem>>[vector<16xi32>], vector<16xf32>,
    %add3A_211 = arith.addf %gather3A_209, %gather3A_210 : vector<16xf32>
    %gt3A_212 = arith.constant 0.000000e+00 : f32
    %gt3A_213 = vector.broadcast %gt3A_212 : f32 to vector<16xf32>
    %gt3A_214 = arith.cmpf ogt, %add3A_211, %gt3A_213 : vector<16xf32>
    %select_n3A_215 = arith.select %gt3A_214, %broadcast_in_dim3A_12, %broadcast_in_dim3A_10 : vector<16xi1>, vector<16xi32>
    %add3A_216 = arith.addi %get3A_206, %broadcast_in_dim3A_8 : vector<16xi32>
    %add3A_217 = arith.addi %add3A_216, %select_n3A_215 : vector<16xi32>
    %swap3A_218 = arith.constant 112 : index
    %swap3A_219 = tpu.vector_load %arg13[%swap3A_218] {strides = array<i32>} : memref<128xi32, #tpu.memory_space<vmem>>, vector<16xi32>,
    tpu.vector_store %arg13[%swap3A_218], %add3A_217 {strides = array<i32>} : memref<128xi32, #tpu.memory_space<vmem>>, vector<16xi32>,
    %add3A_220 = arith.addi %get3A_208, %select_n3A_215 : vector<16xi32>
    %swap3A_221 = arith.constant 112 : index
    %swap3A_222 = tpu.vector_load %arg14[%swap3A_221] {strides = array<i32>} : memref<128xi32, #tpu.memory_space<vmem>>, vector<16xi32>,
    tpu.vector_store %arg14[%swap3A_221], %add3A_220 {strides = array<i32>} : memref<128xi32, #tpu.memory_space<vmem>>, vector<16xi32>,
    %ne3A_223 = arith.xori %gt3A_214, %broadcast_in_dim3A : vector<16xi1>
    %select_n3A_224 = arith.select %ne3A_223, %get3A_208, %broadcast_in_dim3A_5 : vector<16xi1>, vector<16xi32>
    %swap3A_225 = arith.constant 112 : index
    %swap3A_226 = tpu.vector_load %arg15[%swap3A_225] {strides = array<i32>} : memref<128xi32, #tpu.memory_space<vmem>>, vector<16xi32>,
    tpu.vector_store %arg15[%swap3A_225], %select_n3A_224 {strides = array<i32>} : memref<128xi32, #tpu.memory_space<vmem>>, vector<16xi32>,
    %mul3A_227 = vector.broadcast %select_n3A : f32 to vector<16xf32>
    %mul3A_228 = arith.mulf %mul3A_227, %gather3A_209 : vector<16xf32>
    %exp3A_229 = math.exp %mul3A_228 : vector<16xf32>
    %swap3A_230 = arith.constant 112 : index
    %swap3A_231 = tpu.vector_load %arg16[%swap3A_230] {strides = array<i32>} : memref<128xf32, #tpu.memory_space<vmem>>, vector<16xf32>,
    tpu.vector_store %arg16[%swap3A_230], %exp3A_229 {strides = array<i32>} : memref<128xf32, #tpu.memory_space<vmem>>, vector<16xf32>,
    %dma_start3A = arith.constant 0 : i32
    %dma_start3A_232 = arith.constant 0 : i32
    %dma_start3A_233 = tpu.memref_slice %arg2[%dma_start3A, %dma_start3A_232] : memref<40960x64xf32, #tpu.memory_space<hbm>> -> memref<40960x64xf32, #tpu.memory_space<hbm>>
    tpu.enqueue_indirect_dma source(%dma_start3A_233 : memref<40960x64xf32, #tpu.memory_space<hbm>>) target(%arg17 : memref<128x64xf32, #tpu.memory_space<vmem>>) offsets(%arg13 : memref<128xi32, #tpu.memory_space<vmem>>) semaphore(%arg25 : memref<!tpu.dma_semaphore, #tpu.memory_space<semaphore_mem>>)
    %scan3A = arith.constant 0 : i32
    %scan3A_234 = arith.constant 0 : i32
    %scan3A_235 = arith.constant 78 : i32
    %scan3A_236 = arith.addi %scan3A_234, %scan3A_235 : i32
    %scan3A_237 = arith.constant 1 : i32
    scf.for %scan3A_258 = %scan3A_234 to %scan3A_236 step %scan3A_237  : i32 {
      %mul3A_259 = arith.constant 2 : i32
      %mul3A_260 = arith.muli %mul3A_259, %scan3A_258 : i32
      %add3A_261 = arith.constant 1 : i32
      %add3A_262 = arith.addi %mul3A_260, %add3A_261 : i32
      %add3A_263 = arith.addi %mul3A_17, %add3A_262 : i32
      %mul3A_264 = arith.constant 2 : i32
      %mul3A_265 = arith.muli %add3A_263, %mul3A_264 : i32
      %mul3A_266 = arith.constant 128 : i32
      %mul3A_267 = arith.muli %mul3A_265, %mul3A_266 : i32
      "tpu.region"() ({
        %run_scoped3A = tpu.sem_alloc : memref<!tpu.dma_semaphore, #tpu.memory_space<semaphore_mem>>
        %dma_start3A_712 = tpu.memref_slice %arg3[%mul3A_267] : memref<643072xi32, #tpu.memory_space<hbm>> -> memref<512xi32, #tpu.memory_space<hbm>>
        %dma_start3A_713 = tpu.memref_slice %arg3[%mul3A_267] : memref<643072xi32, #tpu.memory_space<hbm>> -> memref<512xi32, #tpu.memory_space<hbm>>
        tpu.enqueue_dma source(%dma_start3A_713 : memref<512xi32, #tpu.memory_space<hbm>>) target(%arg12 : memref<512xi32, #tpu.memory_space<vmem>>) target_semaphore(%run_scoped3A : memref<!tpu.dma_semaphore, #tpu.memory_space<semaphore_mem>>)
        %dma_wait3A_714 = tpu.memref_slice %arg3[%mul3A_267] : memref<643072xi32, #tpu.memory_space<hbm>> -> memref<512xi32, #tpu.memory_space<hbm>>
        %dma_wait3A_715 = tpu.memref_slice %arg3[%mul3A_267] : memref<643072xi32, #tpu.memory_space<hbm>> -> memref<512xi32, #tpu.memory_space<hbm>>
        tpu.wait_dma2 semaphore(%run_scoped3A : memref<!tpu.dma_semaphore, #tpu.memory_space<semaphore_mem>>) src(%dma_wait3A_715 : memref<512xi32, #tpu.memory_space<hbm>>) dst(%arg12 : memref<512xi32, #tpu.memory_space<vmem>>)
        tpu.yield
      }) : () -> ()
      %get3A_268 = arith.constant 0 : index
      %get3A_269 = tpu.vector_load %arg12[%get3A_268] {strides = array<i32>} : memref<512xi32, #tpu.memory_space<vmem>>, vector<16xi32>,
      %get3A_270 = arith.constant 128 : index
      %get3A_271 = tpu.vector_load %arg12[%get3A_270] {strides = array<i32>} : memref<512xi32, #tpu.memory_space<vmem>>, vector<16xi32>,
      %gather3A_272 = tpu.vector_load_idx %arg10[%get3A_269] : memref<10240xf32, #tpu.memory_space<vmem>>[vector<16xi32>], vector<16xf32>,
      %gather3A_273 = tpu.vector_load_idx %arg11[%get3A_271] : memref<10240xf32, #tpu.memory_space<vmem>>[vector<16xi32>], vector<16xf32>,
      %add3A_274 = arith.addf %gather3A_272, %gather3A_273 : vector<16xf32>
      %gt3A_275 = arith.constant 0.000000e+00 : f32
      %gt3A_276 = vector.broadcast %gt3A_275 : f32 to vector<16xf32>
      %gt3A_277 = arith.cmpf ogt, %add3A_274, %gt3A_276 : vector<16xf32>
      %select_n3A_278 = arith.select %gt3A_277, %broadcast_in_dim3A_12, %broadcast_in_dim3A_10 : vector<16xi1>, vector<16xi32>
      %add3A_279 = arith.addi %get3A_269, %broadcast_in_dim3A_8 : vector<16xi32>
      %add3A_280 = arith.addi %add3A_279, %select_n3A_278 : vector<16xi32>
      %swap3A_281 = arith.constant 0 : index
      %swap3A_282 = tpu.vector_load %arg18[%swap3A_281] {strides = array<i32>} : memref<128xi32, #tpu.memory_space<vmem>>, vector<16xi32>,
      tpu.vector_store %arg18[%swap3A_281], %add3A_280 {strides = array<i32>} : memref<128xi32, #tpu.memory_space<vmem>>, vector<16xi32>,
      %add3A_283 = arith.addi %get3A_271, %select_n3A_278 : vector<16xi32>
      %swap3A_284 = arith.constant 0 : index
      %swap3A_285 = tpu.vector_load %arg19[%swap3A_284] {strides = array<i32>} : memref<128xi32, #tpu.memory_space<vmem>>, vector<16xi32>,
      tpu.vector_store %arg19[%swap3A_284], %add3A_283 {strides = array<i32>} : memref<128xi32, #tpu.memory_space<vmem>>, vector<16xi32>,
      %ne3A_286 = arith.xori %gt3A_277, %broadcast_in_dim3A : vector<16xi1>
      %select_n3A_287 = arith.select %ne3A_286, %get3A_271, %broadcast_in_dim3A_5 : vector<16xi1>, vector<16xi32>
      %swap3A_288 = arith.constant 0 : index
      %swap3A_289 = tpu.vector_load %arg20[%swap3A_288] {strides = array<i32>} : memref<128xi32, #tpu.memory_space<vmem>>, vector<16xi32>,
      tpu.vector_store %arg20[%swap3A_288], %select_n3A_287 {strides = array<i32>} : memref<128xi32, #tpu.memory_space<vmem>>, vector<16xi32>,
      %mul3A_290 = vector.broadcast %select_n3A : f32 to vector<16xf32>
      %mul3A_291 = arith.mulf %mul3A_290, %gather3A_272 : vector<16xf32>
      %exp3A_292 = math.exp %mul3A_291 : vector<16xf32>
      %swap3A_293 = arith.constant 0 : index
      %swap3A_294 = tpu.vector_load %arg21[%swap3A_293] {strides = array<i32>} : memref<128xf32, #tpu.memory_space<vmem>>, vector<16xf32>,
      tpu.vector_store %arg21[%swap3A_293], %exp3A_292 {strides = array<i32>} : memref<128xf32, #tpu.memory_space<vmem>>, vector<16xf32>,
      %get3A_295 = arith.constant 16 : index
      %get3A_296 = tpu.vector_load %arg12[%get3A_295] {strides = array<i32>} : memref<512xi32, #tpu.memory_space<vmem>>, vector<16xi32>,
      %get3A_297 = arith.constant 144 : index
      %get3A_298 = tpu.vector_load %arg12[%get3A_297] {strides = array<i32>} : memref<512xi32, #tpu.memory_space<vmem>>, vector<16xi32>,
      %gather3A_299 = tpu.vector_load_idx %arg10[%get3A_296] : memref<10240xf32, #tpu.memory_space<vmem>>[vector<16xi32>], vector<16xf32>,
      %gather3A_300 = tpu.vector_load_idx %arg11[%get3A_298] : memref<10240xf32, #tpu.memory_space<vmem>>[vector<16xi32>], vector<16xf32>,
      %add3A_301 = arith.addf %gather3A_299, %gather3A_300 : vector<16xf32>
      %gt3A_302 = arith.constant 0.000000e+00 : f32
      %gt3A_303 = vector.broadcast %gt3A_302 : f32 to vector<16xf32>
      %gt3A_304 = arith.cmpf ogt, %add3A_301, %gt3A_303 : vector<16xf32>
      %select_n3A_305 = arith.select %gt3A_304, %broadcast_in_dim3A_12, %broadcast_in_dim3A_10 : vector<16xi1>, vector<16xi32>
      %add3A_306 = arith.addi %get3A_296, %broadcast_in_dim3A_8 : vector<16xi32>
      %add3A_307 = arith.addi %add3A_306, %select_n3A_305 : vector<16xi32>
      %swap3A_308 = arith.constant 16 : index
      %swap3A_309 = tpu.vector_load %arg18[%swap3A_308] {strides = array<i32>} : memref<128xi32, #tpu.memory_space<vmem>>, vector<16xi32>,
      tpu.vector_store %arg18[%swap3A_308], %add3A_307 {strides = array<i32>} : memref<128xi32, #tpu.memory_space<vmem>>, vector<16xi32>,
      %add3A_310 = arith.addi %get3A_298, %select_n3A_305 : vector<16xi32>
      %swap3A_311 = arith.constant 16 : index
      %swap3A_312 = tpu.vector_load %arg19[%swap3A_311] {strides = array<i32>} : memref<128xi32, #tpu.memory_space<vmem>>, vector<16xi32>,
      tpu.vector_store %arg19[%swap3A_311], %add3A_310 {strides = array<i32>} : memref<128xi32, #tpu.memory_space<vmem>>, vector<16xi32>,
      %ne3A_313 = arith.xori %gt3A_304, %broadcast_in_dim3A : vector<16xi1>
      %select_n3A_314 = arith.select %ne3A_313, %get3A_298, %broadcast_in_dim3A_5 : vector<16xi1>, vector<16xi32>
      %swap3A_315 = arith.constant 16 : index
      %swap3A_316 = tpu.vector_load %arg20[%swap3A_315] {strides = array<i32>} : memref<128xi32, #tpu.memory_space<vmem>>, vector<16xi32>,
      tpu.vector_store %arg20[%swap3A_315], %select_n3A_314 {strides = array<i32>} : memref<128xi32, #tpu.memory_space<vmem>>, vector<16xi32>,
      %mul3A_317 = vector.broadcast %select_n3A : f32 to vector<16xf32>
      %mul3A_318 = arith.mulf %mul3A_317, %gather3A_299 : vector<16xf32>
      %exp3A_319 = math.exp %mul3A_318 : vector<16xf32>
      %swap3A_320 = arith.constant 16 : index
      %swap3A_321 = tpu.vector_load %arg21[%swap3A_320] {strides = array<i32>} : memref<128xf32, #tpu.memory_space<vmem>>, vector<16xf32>,
      tpu.vector_store %arg21[%swap3A_320], %exp3A_319 {strides = array<i32>} : memref<128xf32, #tpu.memory_space<vmem>>, vector<16xf32>,
      %get3A_322 = arith.constant 32 : index
      %get3A_323 = tpu.vector_load %arg12[%get3A_322] {strides = array<i32>} : memref<512xi32, #tpu.memory_space<vmem>>, vector<16xi32>,
      %get3A_324 = arith.constant 160 : index
      %get3A_325 = tpu.vector_load %arg12[%get3A_324] {strides = array<i32>} : memref<512xi32, #tpu.memory_space<vmem>>, vector<16xi32>,
      %gather3A_326 = tpu.vector_load_idx %arg10[%get3A_323] : memref<10240xf32, #tpu.memory_space<vmem>>[vector<16xi32>], vector<16xf32>,
      %gather3A_327 = tpu.vector_load_idx %arg11[%get3A_325] : memref<10240xf32, #tpu.memory_space<vmem>>[vector<16xi32>], vector<16xf32>,
      %add3A_328 = arith.addf %gather3A_326, %gather3A_327 : vector<16xf32>
      %gt3A_329 = arith.constant 0.000000e+00 : f32
      %gt3A_330 = vector.broadcast %gt3A_329 : f32 to vector<16xf32>
      %gt3A_331 = arith.cmpf ogt, %add3A_328, %gt3A_330 : vector<16xf32>
      %select_n3A_332 = arith.select %gt3A_331, %broadcast_in_dim3A_12, %broadcast_in_dim3A_10 : vector<16xi1>, vector<16xi32>
      %add3A_333 = arith.addi %get3A_323, %broadcast_in_dim3A_8 : vector<16xi32>
      %add3A_334 = arith.addi %add3A_333, %select_n3A_332 : vector<16xi32>
      %swap3A_335 = arith.constant 32 : index
      %swap3A_336 = tpu.vector_load %arg18[%swap3A_335] {strides = array<i32>} : memref<128xi32, #tpu.memory_space<vmem>>, vector<16xi32>,
      tpu.vector_store %arg18[%swap3A_335], %add3A_334 {strides = array<i32>} : memref<128xi32, #tpu.memory_space<vmem>>, vector<16xi32>,
      %add3A_337 = arith.addi %get3A_325, %select_n3A_332 : vector<16xi32>
      %swap3A_338 = arith.constant 32 : index
      %swap3A_339 = tpu.vector_load %arg19[%swap3A_338] {strides = array<i32>} : memref<128xi32, #tpu.memory_space<vmem>>, vector<16xi32>,
      tpu.vector_store %arg19[%swap3A_338], %add3A_337 {strides = array<i32>} : memref<128xi32, #tpu.memory_space<vmem>>, vector<16xi32>,
      %ne3A_340 = arith.xori %gt3A_331, %broadcast_in_dim3A : vector<16xi1>
      %select_n3A_341 = arith.select %ne3A_340, %get3A_325, %broadcast_in_dim3A_5 : vector<16xi1>, vector<16xi32>
      %swap3A_342 = arith.constant 32 : index
      %swap3A_343 = tpu.vector_load %arg20[%swap3A_342] {strides = array<i32>} : memref<128xi32, #tpu.memory_space<vmem>>, vector<16xi32>,
      tpu.vector_store %arg20[%swap3A_342], %select_n3A_341 {strides = array<i32>} : memref<128xi32, #tpu.memory_space<vmem>>, vector<16xi32>,
      %mul3A_344 = vector.broadcast %select_n3A : f32 to vector<16xf32>
      %mul3A_345 = arith.mulf %mul3A_344, %gather3A_326 : vector<16xf32>
      %exp3A_346 = math.exp %mul3A_345 : vector<16xf32>
      %swap3A_347 = arith.constant 32 : index
      %swap3A_348 = tpu.vector_load %arg21[%swap3A_347] {strides = array<i32>} : memref<128xf32, #tpu.memory_space<vmem>>, vector<16xf32>,
      tpu.vector_store %arg21[%swap3A_347], %exp3A_346 {strides = array<i32>} : memref<128xf32, #tpu.memory_space<vmem>>, vector<16xf32>,
      %get3A_349 = arith.constant 48 : index
      %get3A_350 = tpu.vector_load %arg12[%get3A_349] {strides = array<i32>} : memref<512xi32, #tpu.memory_space<vmem>>, vector<16xi32>,
      %get3A_351 = arith.constant 176 : index
      %get3A_352 = tpu.vector_load %arg12[%get3A_351] {strides = array<i32>} : memref<512xi32, #tpu.memory_space<vmem>>, vector<16xi32>,
      %gather3A_353 = tpu.vector_load_idx %arg10[%get3A_350] : memref<10240xf32, #tpu.memory_space<vmem>>[vector<16xi32>], vector<16xf32>,
      %gather3A_354 = tpu.vector_load_idx %arg11[%get3A_352] : memref<10240xf32, #tpu.memory_space<vmem>>[vector<16xi32>], vector<16xf32>,
      %add3A_355 = arith.addf %gather3A_353, %gather3A_354 : vector<16xf32>
      %gt3A_356 = arith.constant 0.000000e+00 : f32
      %gt3A_357 = vector.broadcast %gt3A_356 : f32 to vector<16xf32>
      %gt3A_358 = arith.cmpf ogt, %add3A_355, %gt3A_357 : vector<16xf32>
      %select_n3A_359 = arith.select %gt3A_358, %broadcast_in_dim3A_12, %broadcast_in_dim3A_10 : vector<16xi1>, vector<16xi32>
      %add3A_360 = arith.addi %get3A_350, %broadcast_in_dim3A_8 : vector<16xi32>
      %add3A_361 = arith.addi %add3A_360, %select_n3A_359 : vector<16xi32>
      %swap3A_362 = arith.constant 48 : index
      %swap3A_363 = tpu.vector_load %arg18[%swap3A_362] {strides = array<i32>} : memref<128xi32, #tpu.memory_space<vmem>>, vector<16xi32>,
      tpu.vector_store %arg18[%swap3A_362], %add3A_361 {strides = array<i32>} : memref<128xi32, #tpu.memory_space<vmem>>, vector<16xi32>,
      %add3A_364 = arith.addi %get3A_352, %select_n3A_359 : vector<16xi32>
      %swap3A_365 = arith.constant 48 : index
      %swap3A_366 = tpu.vector_load %arg19[%swap3A_365] {strides = array<i32>} : memref<128xi32, #tpu.memory_space<vmem>>, vector<16xi32>,
      tpu.vector_store %arg19[%swap3A_365], %add3A_364 {strides = array<i32>} : memref<128xi32, #tpu.memory_space<vmem>>, vector<16xi32>,
      %ne3A_367 = arith.xori %gt3A_358, %broadcast_in_dim3A : vector<16xi1>
      %select_n3A_368 = arith.select %ne3A_367, %get3A_352, %broadcast_in_dim3A_5 : vector<16xi1>, vector<16xi32>
      %swap3A_369 = arith.constant 48 : index
      %swap3A_370 = tpu.vector_load %arg20[%swap3A_369] {strides = array<i32>} : memref<128xi32, #tpu.memory_space<vmem>>, vector<16xi32>,
      tpu.vector_store %arg20[%swap3A_369], %select_n3A_368 {strides = array<i32>} : memref<128xi32, #tpu.memory_space<vmem>>, vector<16xi32>,
      %mul3A_371 = vector.broadcast %select_n3A : f32 to vector<16xf32>
      %mul3A_372 = arith.mulf %mul3A_371, %gather3A_353 : vector<16xf32>
      %exp3A_373 = math.exp %mul3A_372 : vector<16xf32>
      %swap3A_374 = arith.constant 48 : index
      %swap3A_375 = tpu.vector_load %arg21[%swap3A_374] {strides = array<i32>} : memref<128xf32, #tpu.memory_space<vmem>>, vector<16xf32>,
      tpu.vector_store %arg21[%swap3A_374], %exp3A_373 {strides = array<i32>} : memref<128xf32, #tpu.memory_space<vmem>>, vector<16xf32>,
      %get3A_376 = arith.constant 64 : index
      %get3A_377 = tpu.vector_load %arg12[%get3A_376] {strides = array<i32>} : memref<512xi32, #tpu.memory_space<vmem>>, vector<16xi32>,
      %get3A_378 = arith.constant 192 : index
      %get3A_379 = tpu.vector_load %arg12[%get3A_378] {strides = array<i32>} : memref<512xi32, #tpu.memory_space<vmem>>, vector<16xi32>,
      %gather3A_380 = tpu.vector_load_idx %arg10[%get3A_377] : memref<10240xf32, #tpu.memory_space<vmem>>[vector<16xi32>], vector<16xf32>,
      %gather3A_381 = tpu.vector_load_idx %arg11[%get3A_379] : memref<10240xf32, #tpu.memory_space<vmem>>[vector<16xi32>], vector<16xf32>,
      %add3A_382 = arith.addf %gather3A_380, %gather3A_381 : vector<16xf32>
      %gt3A_383 = arith.constant 0.000000e+00 : f32
      %gt3A_384 = vector.broadcast %gt3A_383 : f32 to vector<16xf32>
      %gt3A_385 = arith.cmpf ogt, %add3A_382, %gt3A_384 : vector<16xf32>
      %select_n3A_386 = arith.select %gt3A_385, %broadcast_in_dim3A_12, %broadcast_in_dim3A_10 : vector<16xi1>, vector<16xi32>
      %add3A_387 = arith.addi %get3A_377, %broadcast_in_dim3A_8 : vector<16xi32>
      %add3A_388 = arith.addi %add3A_387, %select_n3A_386 : vector<16xi32>
      %swap3A_389 = arith.constant 64 : index
      %swap3A_390 = tpu.vector_load %arg18[%swap3A_389] {strides = array<i32>} : memref<128xi32, #tpu.memory_space<vmem>>, vector<16xi32>,
      tpu.vector_store %arg18[%swap3A_389], %add3A_388 {strides = array<i32>} : memref<128xi32, #tpu.memory_space<vmem>>, vector<16xi32>,
      %add3A_391 = arith.addi %get3A_379, %select_n3A_386 : vector<16xi32>
      %swap3A_392 = arith.constant 64 : index
      %swap3A_393 = tpu.vector_load %arg19[%swap3A_392] {strides = array<i32>} : memref<128xi32, #tpu.memory_space<vmem>>, vector<16xi32>,
      tpu.vector_store %arg19[%swap3A_392], %add3A_391 {strides = array<i32>} : memref<128xi32, #tpu.memory_space<vmem>>, vector<16xi32>,
      %ne3A_394 = arith.xori %gt3A_385, %broadcast_in_dim3A : vector<16xi1>
      %select_n3A_395 = arith.select %ne3A_394, %get3A_379, %broadcast_in_dim3A_5 : vector<16xi1>, vector<16xi32>
      %swap3A_396 = arith.constant 64 : index
      %swap3A_397 = tpu.vector_load %arg20[%swap3A_396] {strides = array<i32>} : memref<128xi32, #tpu.memory_space<vmem>>, vector<16xi32>,
      tpu.vector_store %arg20[%swap3A_396], %select_n3A_395 {strides = array<i32>} : memref<128xi32, #tpu.memory_space<vmem>>, vector<16xi32>,
      %mul3A_398 = vector.broadcast %select_n3A : f32 to vector<16xf32>
      %mul3A_399 = arith.mulf %mul3A_398, %gather3A_380 : vector<16xf32>
      %exp3A_400 = math.exp %mul3A_399 : vector<16xf32>
      %swap3A_401 = arith.constant 64 : index
      %swap3A_402 = tpu.vector_load %arg21[%swap3A_401] {strides = array<i32>} : memref<128xf32, #tpu.memory_space<vmem>>, vector<16xf32>,
      tpu.vector_store %arg21[%swap3A_401], %exp3A_400 {strides = array<i32>} : memref<128xf32, #tpu.memory_space<vmem>>, vector<16xf32>,
      %get3A_403 = arith.constant 80 : index
      %get3A_404 = tpu.vector_load %arg12[%get3A_403] {strides = array<i32>} : memref<512xi32, #tpu.memory_space<vmem>>, vector<16xi32>,
      %get3A_405 = arith.constant 208 : index
      %get3A_406 = tpu.vector_load %arg12[%get3A_405] {strides = array<i32>} : memref<512xi32, #tpu.memory_space<vmem>>, vector<16xi32>,
      %gather3A_407 = tpu.vector_load_idx %arg10[%get3A_404] : memref<10240xf32, #tpu.memory_space<vmem>>[vector<16xi32>], vector<16xf32>,
      %gather3A_408 = tpu.vector_load_idx %arg11[%get3A_406] : memref<10240xf32, #tpu.memory_space<vmem>>[vector<16xi32>], vector<16xf32>,
      %add3A_409 = arith.addf %gather3A_407, %gather3A_408 : vector<16xf32>
      %gt3A_410 = arith.constant 0.000000e+00 : f32
      %gt3A_411 = vector.broadcast %gt3A_410 : f32 to vector<16xf32>
      %gt3A_412 = arith.cmpf ogt, %add3A_409, %gt3A_411 : vector<16xf32>
      %select_n3A_413 = arith.select %gt3A_412, %broadcast_in_dim3A_12, %broadcast_in_dim3A_10 : vector<16xi1>, vector<16xi32>
      %add3A_414 = arith.addi %get3A_404, %broadcast_in_dim3A_8 : vector<16xi32>
      %add3A_415 = arith.addi %add3A_414, %select_n3A_413 : vector<16xi32>
      %swap3A_416 = arith.constant 80 : index
      %swap3A_417 = tpu.vector_load %arg18[%swap3A_416] {strides = array<i32>} : memref<128xi32, #tpu.memory_space<vmem>>, vector<16xi32>,
      tpu.vector_store %arg18[%swap3A_416], %add3A_415 {strides = array<i32>} : memref<128xi32, #tpu.memory_space<vmem>>, vector<16xi32>,
      %add3A_418 = arith.addi %get3A_406, %select_n3A_413 : vector<16xi32>
      %swap3A_419 = arith.constant 80 : index
      %swap3A_420 = tpu.vector_load %arg19[%swap3A_419] {strides = array<i32>} : memref<128xi32, #tpu.memory_space<vmem>>, vector<16xi32>,
      tpu.vector_store %arg19[%swap3A_419], %add3A_418 {strides = array<i32>} : memref<128xi32, #tpu.memory_space<vmem>>, vector<16xi32>,
      %ne3A_421 = arith.xori %gt3A_412, %broadcast_in_dim3A : vector<16xi1>
      %select_n3A_422 = arith.select %ne3A_421, %get3A_406, %broadcast_in_dim3A_5 : vector<16xi1>, vector<16xi32>
      %swap3A_423 = arith.constant 80 : index
      %swap3A_424 = tpu.vector_load %arg20[%swap3A_423] {strides = array<i32>} : memref<128xi32, #tpu.memory_space<vmem>>, vector<16xi32>,
      tpu.vector_store %arg20[%swap3A_423], %select_n3A_422 {strides = array<i32>} : memref<128xi32, #tpu.memory_space<vmem>>, vector<16xi32>,
      %mul3A_425 = vector.broadcast %select_n3A : f32 to vector<16xf32>
      %mul3A_426 = arith.mulf %mul3A_425, %gather3A_407 : vector<16xf32>
      %exp3A_427 = math.exp %mul3A_426 : vector<16xf32>
      %swap3A_428 = arith.constant 80 : index
      %swap3A_429 = tpu.vector_load %arg21[%swap3A_428] {strides = array<i32>} : memref<128xf32, #tpu.memory_space<vmem>>, vector<16xf32>,
      tpu.vector_store %arg21[%swap3A_428], %exp3A_427 {strides = array<i32>} : memref<128xf32, #tpu.memory_space<vmem>>, vector<16xf32>,
      %get3A_430 = arith.constant 96 : index
      %get3A_431 = tpu.vector_load %arg12[%get3A_430] {strides = array<i32>} : memref<512xi32, #tpu.memory_space<vmem>>, vector<16xi32>,
      %get3A_432 = arith.constant 224 : index
      %get3A_433 = tpu.vector_load %arg12[%get3A_432] {strides = array<i32>} : memref<512xi32, #tpu.memory_space<vmem>>, vector<16xi32>,
      %gather3A_434 = tpu.vector_load_idx %arg10[%get3A_431] : memref<10240xf32, #tpu.memory_space<vmem>>[vector<16xi32>], vector<16xf32>,
      %gather3A_435 = tpu.vector_load_idx %arg11[%get3A_433] : memref<10240xf32, #tpu.memory_space<vmem>>[vector<16xi32>], vector<16xf32>,
      %add3A_436 = arith.addf %gather3A_434, %gather3A_435 : vector<16xf32>
      %gt3A_437 = arith.constant 0.000000e+00 : f32
      %gt3A_438 = vector.broadcast %gt3A_437 : f32 to vector<16xf32>
      %gt3A_439 = arith.cmpf ogt, %add3A_436, %gt3A_438 : vector<16xf32>
      %select_n3A_440 = arith.select %gt3A_439, %broadcast_in_dim3A_12, %broadcast_in_dim3A_10 : vector<16xi1>, vector<16xi32>
      %add3A_441 = arith.addi %get3A_431, %broadcast_in_dim3A_8 : vector<16xi32>
      %add3A_442 = arith.addi %add3A_441, %select_n3A_440 : vector<16xi32>
      %swap3A_443 = arith.constant 96 : index
      %swap3A_444 = tpu.vector_load %arg18[%swap3A_443] {strides = array<i32>} : memref<128xi32, #tpu.memory_space<vmem>>, vector<16xi32>,
      tpu.vector_store %arg18[%swap3A_443], %add3A_442 {strides = array<i32>} : memref<128xi32, #tpu.memory_space<vmem>>, vector<16xi32>,
      %add3A_445 = arith.addi %get3A_433, %select_n3A_440 : vector<16xi32>
      %swap3A_446 = arith.constant 96 : index
      %swap3A_447 = tpu.vector_load %arg19[%swap3A_446] {strides = array<i32>} : memref<128xi32, #tpu.memory_space<vmem>>, vector<16xi32>,
      tpu.vector_store %arg19[%swap3A_446], %add3A_445 {strides = array<i32>} : memref<128xi32, #tpu.memory_space<vmem>>, vector<16xi32>,
      %ne3A_448 = arith.xori %gt3A_439, %broadcast_in_dim3A : vector<16xi1>
      %select_n3A_449 = arith.select %ne3A_448, %get3A_433, %broadcast_in_dim3A_5 : vector<16xi1>, vector<16xi32>
      %swap3A_450 = arith.constant 96 : index
      %swap3A_451 = tpu.vector_load %arg20[%swap3A_450] {strides = array<i32>} : memref<128xi32, #tpu.memory_space<vmem>>, vector<16xi32>,
      tpu.vector_store %arg20[%swap3A_450], %select_n3A_449 {strides = array<i32>} : memref<128xi32, #tpu.memory_space<vmem>>, vector<16xi32>,
      %mul3A_452 = vector.broadcast %select_n3A : f32 to vector<16xf32>
      %mul3A_453 = arith.mulf %mul3A_452, %gather3A_434 : vector<16xf32>
      %exp3A_454 = math.exp %mul3A_453 : vector<16xf32>
      %swap3A_455 = arith.constant 96 : index
      %swap3A_456 = tpu.vector_load %arg21[%swap3A_455] {strides = array<i32>} : memref<128xf32, #tpu.memory_space<vmem>>, vector<16xf32>,
      tpu.vector_store %arg21[%swap3A_455], %exp3A_454 {strides = array<i32>} : memref<128xf32, #tpu.memory_space<vmem>>, vector<16xf32>,
      %get3A_457 = arith.constant 112 : index
      %get3A_458 = tpu.vector_load %arg12[%get3A_457] {strides = array<i32>} : memref<512xi32, #tpu.memory_space<vmem>>, vector<16xi32>,
      %get3A_459 = arith.constant 240 : index
      %get3A_460 = tpu.vector_load %arg12[%get3A_459] {strides = array<i32>} : memref<512xi32, #tpu.memory_space<vmem>>, vector<16xi32>,
      %gather3A_461 = tpu.vector_load_idx %arg10[%get3A_458] : memref<10240xf32, #tpu.memory_space<vmem>>[vector<16xi32>], vector<16xf32>,
      %gather3A_462 = tpu.vector_load_idx %arg11[%get3A_460] : memref<10240xf32, #tpu.memory_space<vmem>>[vector<16xi32>], vector<16xf32>,
      %add3A_463 = arith.addf %gather3A_461, %gather3A_462 : vector<16xf32>
      %gt3A_464 = arith.constant 0.000000e+00 : f32
      %gt3A_465 = vector.broadcast %gt3A_464 : f32 to vector<16xf32>
      %gt3A_466 = arith.cmpf ogt, %add3A_463, %gt3A_465 : vector<16xf32>
      %select_n3A_467 = arith.select %gt3A_466, %broadcast_in_dim3A_12, %broadcast_in_dim3A_10 : vector<16xi1>, vector<16xi32>
      %add3A_468 = arith.addi %get3A_458, %broadcast_in_dim3A_8 : vector<16xi32>
      %add3A_469 = arith.addi %add3A_468, %select_n3A_467 : vector<16xi32>
      %swap3A_470 = arith.constant 112 : index
      %swap3A_471 = tpu.vector_load %arg18[%swap3A_470] {strides = array<i32>} : memref<128xi32, #tpu.memory_space<vmem>>, vector<16xi32>,
      tpu.vector_store %arg18[%swap3A_470], %add3A_469 {strides = array<i32>} : memref<128xi32, #tpu.memory_space<vmem>>, vector<16xi32>,
      %add3A_472 = arith.addi %get3A_460, %select_n3A_467 : vector<16xi32>
      %swap3A_473 = arith.constant 112 : index
      %swap3A_474 = tpu.vector_load %arg19[%swap3A_473] {strides = array<i32>} : memref<128xi32, #tpu.memory_space<vmem>>, vector<16xi32>,
      tpu.vector_store %arg19[%swap3A_473], %add3A_472 {strides = array<i32>} : memref<128xi32, #tpu.memory_space<vmem>>, vector<16xi32>,
      %ne3A_475 = arith.xori %gt3A_466, %broadcast_in_dim3A : vector<16xi1>
      %select_n3A_476 = arith.select %ne3A_475, %get3A_460, %broadcast_in_dim3A_5 : vector<16xi1>, vector<16xi32>
      %swap3A_477 = arith.constant 112 : index
      %swap3A_478 = tpu.vector_load %arg20[%swap3A_477] {strides = array<i32>} : memref<128xi32, #tpu.memory_space<vmem>>, vector<16xi32>,
      tpu.vector_store %arg20[%swap3A_477], %select_n3A_476 {strides = array<i32>} : memref<128xi32, #tpu.memory_space<vmem>>, vector<16xi32>,
      %mul3A_479 = vector.broadcast %select_n3A : f32 to vector<16xf32>
      %mul3A_480 = arith.mulf %mul3A_479, %gather3A_461 : vector<16xf32>
      %exp3A_481 = math.exp %mul3A_480 : vector<16xf32>
      %swap3A_482 = arith.constant 112 : index
      %swap3A_483 = tpu.vector_load %arg21[%swap3A_482] {strides = array<i32>} : memref<128xf32, #tpu.memory_space<vmem>>, vector<16xf32>,
      tpu.vector_store %arg21[%swap3A_482], %exp3A_481 {strides = array<i32>} : memref<128xf32, #tpu.memory_space<vmem>>, vector<16xf32>,
      %dma_start3A_484 = arith.constant 0 : i32
      %dma_start3A_485 = arith.constant 0 : i32
      %dma_start3A_486 = tpu.memref_slice %arg2[%dma_start3A_484, %dma_start3A_485] : memref<40960x64xf32, #tpu.memory_space<hbm>> -> memref<40960x64xf32, #tpu.memory_space<hbm>>
      tpu.enqueue_indirect_dma source(%dma_start3A_486 : memref<40960x64xf32, #tpu.memory_space<hbm>>) target(%arg22 : memref<128x64xf32, #tpu.memory_space<vmem>>) offsets(%arg18 : memref<128xi32, #tpu.memory_space<vmem>>) semaphore(%arg26 : memref<!tpu.dma_semaphore, #tpu.memory_space<semaphore_mem>>)
      %dma_wait3A_487 = arith.constant 0 : i32
      %dma_wait3A_488 = arith.constant 0 : i32
      %dma_wait3A_489 = tpu.memref_slice %arg2[%dma_wait3A_487, %dma_wait3A_488] : memref<40960x64xf32, #tpu.memory_space<hbm>> -> memref<40960x64xf32, #tpu.memory_space<hbm>>
      tpu.wait_indirect_dma semaphore(%arg25 : memref<!tpu.dma_semaphore, #tpu.memory_space<semaphore_mem>>) src(%dma_wait3A_489 : memref<40960x64xf32, #tpu.memory_space<hbm>>) dst(%arg17 : memref<128x64xf32, #tpu.memory_space<vmem>>)
      "tpu.region"() ({
        %run_scoped3A = tpu.sem_alloc : memref<!tpu.dma_semaphore, #tpu.memory_space<semaphore_mem>>
        %dma_start3A_712 = arith.constant 0 : i32
        %dma_start3A_713 = arith.constant 0 : i32
        %dma_start3A_714 = tpu.memref_slice %arg23[%dma_start3A_712, %dma_start3A_713] : memref<20480x64xf32, #tpu.memory_space<vmem_shared>> -> memref<20480x64xf32, #tpu.memory_space<vmem_shared>>
        tpu.enqueue_indirect_dma source(%arg17 : memref<128x64xf32, #tpu.memory_space<vmem>>) target(%dma_start3A_714 : memref<20480x64xf32, #tpu.memory_space<vmem_shared>>) offsets(%arg14 : memref<128xi32, #tpu.memory_space<vmem>>) semaphore(%run_scoped3A : memref<!tpu.dma_semaphore, #tpu.memory_space<semaphore_mem>>) {add = true}
        %dma_wait3A_715 = arith.constant 0 : i32
        %dma_wait3A_716 = arith.constant 0 : i32
        %dma_wait3A_717 = tpu.memref_slice %arg23[%dma_wait3A_715, %dma_wait3A_716] : memref<20480x64xf32, #tpu.memory_space<vmem_shared>> -> memref<20480x64xf32, #tpu.memory_space<vmem_shared>>
        tpu.wait_indirect_dma semaphore(%run_scoped3A : memref<!tpu.dma_semaphore, #tpu.memory_space<semaphore_mem>>) src(%arg17 : memref<128x64xf32, #tpu.memory_space<vmem>>) dst(%dma_wait3A_717 : memref<20480x64xf32, #tpu.memory_space<vmem_shared>>)
        tpu.yield
      }) : () -> ()
      "tpu.region"() ({
        %run_scoped3A = tpu.sem_alloc : memref<!tpu.dma_semaphore, #tpu.memory_space<semaphore_mem>>
        %dma_start3A_712 = arith.constant 0 : i32
        %dma_start3A_713 = tpu.memref_slice %arg24[%dma_start3A_712] : memref<10240xf32, #tpu.memory_space<vmem_shared>> -> memref<10240xf32, #tpu.memory_space<vmem_shared>>
        tpu.enqueue_indirect_dma source(%arg16 : memref<128xf32, #tpu.memory_space<vmem>>) target(%dma_start3A_713 : memref<10240xf32, #tpu.memory_space<vmem_shared>>) offsets(%arg15 : memref<128xi32, #tpu.memory_space<vmem>>) semaphore(%run_scoped3A : memref<!tpu.dma_semaphore, #tpu.memory_space<semaphore_mem>>) {add = true}
        %dma_wait3A_714 = arith.constant 0 : i32
        %dma_wait3A_715 = tpu.memref_slice %arg24[%dma_wait3A_714] : memref<10240xf32, #tpu.memory_space<vmem_shared>> -> memref<10240xf32, #tpu.memory_space<vmem_shared>>
        tpu.wait_indirect_dma semaphore(%run_scoped3A : memref<!tpu.dma_semaphore, #tpu.memory_space<semaphore_mem>>) src(%arg16 : memref<128xf32, #tpu.memory_space<vmem>>) dst(%dma_wait3A_715 : memref<10240xf32, #tpu.memory_space<vmem_shared>>)
        tpu.yield
      }) : () -> ()
      %get3A_490 = arith.constant 256 : index
      %get3A_491 = tpu.vector_load %arg12[%get3A_490] {strides = array<i32>} : memref<512xi32, #tpu.memory_space<vmem>>, vector<16xi32>,
      %get3A_492 = arith.constant 384 : index
      %get3A_493 = tpu.vector_load %arg12[%get3A_492] {strides = array<i32>} : memref<512xi32, #tpu.memory_space<vmem>>, vector<16xi32>,
      %gather3A_494 = tpu.vector_load_idx %arg10[%get3A_491] : memref<10240xf32, #tpu.memory_space<vmem>>[vector<16xi32>], vector<16xf32>,
      %gather3A_495 = tpu.vector_load_idx %arg11[%get3A_493] : memref<10240xf32, #tpu.memory_space<vmem>>[vector<16xi32>], vector<16xf32>,
      %add3A_496 = arith.addf %gather3A_494, %gather3A_495 : vector<16xf32>
      %gt3A_497 = arith.constant 0.000000e+00 : f32
      %gt3A_498 = vector.broadcast %gt3A_497 : f32 to vector<16xf32>
      %gt3A_499 = arith.cmpf ogt, %add3A_496, %gt3A_498 : vector<16xf32>
      %select_n3A_500 = arith.select %gt3A_499, %broadcast_in_dim3A_12, %broadcast_in_dim3A_10 : vector<16xi1>, vector<16xi32>
      %add3A_501 = arith.addi %get3A_491, %broadcast_in_dim3A_8 : vector<16xi32>
      %add3A_502 = arith.addi %add3A_501, %select_n3A_500 : vector<16xi32>
      %swap3A_503 = arith.constant 0 : index
      %swap3A_504 = tpu.vector_load %arg13[%swap3A_503] {strides = array<i32>} : memref<128xi32, #tpu.memory_space<vmem>>, vector<16xi32>,
      tpu.vector_store %arg13[%swap3A_503], %add3A_502 {strides = array<i32>} : memref<128xi32, #tpu.memory_space<vmem>>, vector<16xi32>,
      %add3A_505 = arith.addi %get3A_493, %select_n3A_500 : vector<16xi32>
      %swap3A_506 = arith.constant 0 : index
      %swap3A_507 = tpu.vector_load %arg14[%swap3A_506] {strides = array<i32>} : memref<128xi32, #tpu.memory_space<vmem>>, vector<16xi32>,
      tpu.vector_store %arg14[%swap3A_506], %add3A_505 {strides = array<i32>} : memref<128xi32, #tpu.memory_space<vmem>>, vector<16xi32>,
      %ne3A_508 = arith.xori %gt3A_499, %broadcast_in_dim3A : vector<16xi1>
      %select_n3A_509 = arith.select %ne3A_508, %get3A_493, %broadcast_in_dim3A_5 : vector<16xi1>, vector<16xi32>
      %swap3A_510 = arith.constant 0 : index
      %swap3A_511 = tpu.vector_load %arg15[%swap3A_510] {strides = array<i32>} : memref<128xi32, #tpu.memory_space<vmem>>, vector<16xi32>,
      tpu.vector_store %arg15[%swap3A_510], %select_n3A_509 {strides = array<i32>} : memref<128xi32, #tpu.memory_space<vmem>>, vector<16xi32>,
      %mul3A_512 = vector.broadcast %select_n3A : f32 to vector<16xf32>
      %mul3A_513 = arith.mulf %mul3A_512, %gather3A_494 : vector<16xf32>
      %exp3A_514 = math.exp %mul3A_513 : vector<16xf32>
      %swap3A_515 = arith.constant 0 : index
      %swap3A_516 = tpu.vector_load %arg16[%swap3A_515] {strides = array<i32>} : memref<128xf32, #tpu.memory_space<vmem>>, vector<16xf32>,
      tpu.vector_store %arg16[%swap3A_515], %exp3A_514 {strides = array<i32>} : memref<128xf32, #tpu.memory_space<vmem>>, vector<16xf32>,
      %get3A_517 = arith.constant 272 : index
      %get3A_518 = tpu.vector_load %arg12[%get3A_517] {strides = array<i32>} : memref<512xi32, #tpu.memory_space<vmem>>, vector<16xi32>,
      %get3A_519 = arith.constant 400 : index
      %get3A_520 = tpu.vector_load %arg12[%get3A_519] {strides = array<i32>} : memref<512xi32, #tpu.memory_space<vmem>>, vector<16xi32>,
      %gather3A_521 = tpu.vector_load_idx %arg10[%get3A_518] : memref<10240xf32, #tpu.memory_space<vmem>>[vector<16xi32>], vector<16xf32>,
      %gather3A_522 = tpu.vector_load_idx %arg11[%get3A_520] : memref<10240xf32, #tpu.memory_space<vmem>>[vector<16xi32>], vector<16xf32>,
      %add3A_523 = arith.addf %gather3A_521, %gather3A_522 : vector<16xf32>
      %gt3A_524 = arith.constant 0.000000e+00 : f32
      %gt3A_525 = vector.broadcast %gt3A_524 : f32 to vector<16xf32>
      %gt3A_526 = arith.cmpf ogt, %add3A_523, %gt3A_525 : vector<16xf32>
      %select_n3A_527 = arith.select %gt3A_526, %broadcast_in_dim3A_12, %broadcast_in_dim3A_10 : vector<16xi1>, vector<16xi32>
      %add3A_528 = arith.addi %get3A_518, %broadcast_in_dim3A_8 : vector<16xi32>
      %add3A_529 = arith.addi %add3A_528, %select_n3A_527 : vector<16xi32>
      %swap3A_530 = arith.constant 16 : index
      %swap3A_531 = tpu.vector_load %arg13[%swap3A_530] {strides = array<i32>} : memref<128xi32, #tpu.memory_space<vmem>>, vector<16xi32>,
      tpu.vector_store %arg13[%swap3A_530], %add3A_529 {strides = array<i32>} : memref<128xi32, #tpu.memory_space<vmem>>, vector<16xi32>,
      %add3A_532 = arith.addi %get3A_520, %select_n3A_527 : vector<16xi32>
      %swap3A_533 = arith.constant 16 : index
      %swap3A_534 = tpu.vector_load %arg14[%swap3A_533] {strides = array<i32>} : memref<128xi32, #tpu.memory_space<vmem>>, vector<16xi32>,
      tpu.vector_store %arg14[%swap3A_533], %add3A_532 {strides = array<i32>} : memref<128xi32, #tpu.memory_space<vmem>>, vector<16xi32>,
      %ne3A_535 = arith.xori %gt3A_526, %broadcast_in_dim3A : vector<16xi1>
      %select_n3A_536 = arith.select %ne3A_535, %get3A_520, %broadcast_in_dim3A_5 : vector<16xi1>, vector<16xi32>
      %swap3A_537 = arith.constant 16 : index
      %swap3A_538 = tpu.vector_load %arg15[%swap3A_537] {strides = array<i32>} : memref<128xi32, #tpu.memory_space<vmem>>, vector<16xi32>,
      tpu.vector_store %arg15[%swap3A_537], %select_n3A_536 {strides = array<i32>} : memref<128xi32, #tpu.memory_space<vmem>>, vector<16xi32>,
      %mul3A_539 = vector.broadcast %select_n3A : f32 to vector<16xf32>
      %mul3A_540 = arith.mulf %mul3A_539, %gather3A_521 : vector<16xf32>
      %exp3A_541 = math.exp %mul3A_540 : vector<16xf32>
      %swap3A_542 = arith.constant 16 : index
      %swap3A_543 = tpu.vector_load %arg16[%swap3A_542] {strides = array<i32>} : memref<128xf32, #tpu.memory_space<vmem>>, vector<16xf32>,
      tpu.vector_store %arg16[%swap3A_542], %exp3A_541 {strides = array<i32>} : memref<128xf32, #tpu.memory_space<vmem>>, vector<16xf32>,
      %get3A_544 = arith.constant 288 : index
      %get3A_545 = tpu.vector_load %arg12[%get3A_544] {strides = array<i32>} : memref<512xi32, #tpu.memory_space<vmem>>, vector<16xi32>,
      %get3A_546 = arith.constant 416 : index
      %get3A_547 = tpu.vector_load %arg12[%get3A_546] {strides = array<i32>} : memref<512xi32, #tpu.memory_space<vmem>>, vector<16xi32>,
      %gather3A_548 = tpu.vector_load_idx %arg10[%get3A_545] : memref<10240xf32, #tpu.memory_space<vmem>>[vector<16xi32>], vector<16xf32>,
      %gather3A_549 = tpu.vector_load_idx %arg11[%get3A_547] : memref<10240xf32, #tpu.memory_space<vmem>>[vector<16xi32>], vector<16xf32>,
      %add3A_550 = arith.addf %gather3A_548, %gather3A_549 : vector<16xf32>
      %gt3A_551 = arith.constant 0.000000e+00 : f32
      %gt3A_552 = vector.broadcast %gt3A_551 : f32 to vector<16xf32>
      %gt3A_553 = arith.cmpf ogt, %add3A_550, %gt3A_552 : vector<16xf32>
      %select_n3A_554 = arith.select %gt3A_553, %broadcast_in_dim3A_12, %broadcast_in_dim3A_10 : vector<16xi1>, vector<16xi32>
      %add3A_555 = arith.addi %get3A_545, %broadcast_in_dim3A_8 : vector<16xi32>
      %add3A_556 = arith.addi %add3A_555, %select_n3A_554 : vector<16xi32>
      %swap3A_557 = arith.constant 32 : index
      %swap3A_558 = tpu.vector_load %arg13[%swap3A_557] {strides = array<i32>} : memref<128xi32, #tpu.memory_space<vmem>>, vector<16xi32>,
      tpu.vector_store %arg13[%swap3A_557], %add3A_556 {strides = array<i32>} : memref<128xi32, #tpu.memory_space<vmem>>, vector<16xi32>,
      %add3A_559 = arith.addi %get3A_547, %select_n3A_554 : vector<16xi32>
      %swap3A_560 = arith.constant 32 : index
      %swap3A_561 = tpu.vector_load %arg14[%swap3A_560] {strides = array<i32>} : memref<128xi32, #tpu.memory_space<vmem>>, vector<16xi32>,
      tpu.vector_store %arg14[%swap3A_560], %add3A_559 {strides = array<i32>} : memref<128xi32, #tpu.memory_space<vmem>>, vector<16xi32>,
      %ne3A_562 = arith.xori %gt3A_553, %broadcast_in_dim3A : vector<16xi1>
      %select_n3A_563 = arith.select %ne3A_562, %get3A_547, %broadcast_in_dim3A_5 : vector<16xi1>, vector<16xi32>
      %swap3A_564 = arith.constant 32 : index
      %swap3A_565 = tpu.vector_load %arg15[%swap3A_564] {strides = array<i32>} : memref<128xi32, #tpu.memory_space<vmem>>, vector<16xi32>,
      tpu.vector_store %arg15[%swap3A_564], %select_n3A_563 {strides = array<i32>} : memref<128xi32, #tpu.memory_space<vmem>>, vector<16xi32>,
      %mul3A_566 = vector.broadcast %select_n3A : f32 to vector<16xf32>
      %mul3A_567 = arith.mulf %mul3A_566, %gather3A_548 : vector<16xf32>
      %exp3A_568 = math.exp %mul3A_567 : vector<16xf32>
      %swap3A_569 = arith.constant 32 : index
      %swap3A_570 = tpu.vector_load %arg16[%swap3A_569] {strides = array<i32>} : memref<128xf32, #tpu.memory_space<vmem>>, vector<16xf32>,
      tpu.vector_store %arg16[%swap3A_569], %exp3A_568 {strides = array<i32>} : memref<128xf32, #tpu.memory_space<vmem>>, vector<16xf32>,
      %get3A_571 = arith.constant 304 : index
      %get3A_572 = tpu.vector_load %arg12[%get3A_571] {strides = array<i32>} : memref<512xi32, #tpu.memory_space<vmem>>, vector<16xi32>,
      %get3A_573 = arith.constant 432 : index
      %get3A_574 = tpu.vector_load %arg12[%get3A_573] {strides = array<i32>} : memref<512xi32, #tpu.memory_space<vmem>>, vector<16xi32>,
      %gather3A_575 = tpu.vector_load_idx %arg10[%get3A_572] : memref<10240xf32, #tpu.memory_space<vmem>>[vector<16xi32>], vector<16xf32>,
      %gather3A_576 = tpu.vector_load_idx %arg11[%get3A_574] : memref<10240xf32, #tpu.memory_space<vmem>>[vector<16xi32>], vector<16xf32>,
      %add3A_577 = arith.addf %gather3A_575, %gather3A_576 : vector<16xf32>
      %gt3A_578 = arith.constant 0.000000e+00 : f32
      %gt3A_579 = vector.broadcast %gt3A_578 : f32 to vector<16xf32>
      %gt3A_580 = arith.cmpf ogt, %add3A_577, %gt3A_579 : vector<16xf32>
      %select_n3A_581 = arith.select %gt3A_580, %broadcast_in_dim3A_12, %broadcast_in_dim3A_10 : vector<16xi1>, vector<16xi32>
      %add3A_582 = arith.addi %get3A_572, %broadcast_in_dim3A_8 : vector<16xi32>
      %add3A_583 = arith.addi %add3A_582, %select_n3A_581 : vector<16xi32>
      %swap3A_584 = arith.constant 48 : index
      %swap3A_585 = tpu.vector_load %arg13[%swap3A_584] {strides = array<i32>} : memref<128xi32, #tpu.memory_space<vmem>>, vector<16xi32>,
      tpu.vector_store %arg13[%swap3A_584], %add3A_583 {strides = array<i32>} : memref<128xi32, #tpu.memory_space<vmem>>, vector<16xi32>,
      %add3A_586 = arith.addi %get3A_574, %select_n3A_581 : vector<16xi32>
      %swap3A_587 = arith.constant 48 : index
      %swap3A_588 = tpu.vector_load %arg14[%swap3A_587] {strides = array<i32>} : memref<128xi32, #tpu.memory_space<vmem>>, vector<16xi32>,
      tpu.vector_store %arg14[%swap3A_587], %add3A_586 {strides = array<i32>} : memref<128xi32, #tpu.memory_space<vmem>>, vector<16xi32>,
      %ne3A_589 = arith.xori %gt3A_580, %broadcast_in_dim3A : vector<16xi1>
      %select_n3A_590 = arith.select %ne3A_589, %get3A_574, %broadcast_in_dim3A_5 : vector<16xi1>, vector<16xi32>
      %swap3A_591 = arith.constant 48 : index
      %swap3A_592 = tpu.vector_load %arg15[%swap3A_591] {strides = array<i32>} : memref<128xi32, #tpu.memory_space<vmem>>, vector<16xi32>,
      tpu.vector_store %arg15[%swap3A_591], %select_n3A_590 {strides = array<i32>} : memref<128xi32, #tpu.memory_space<vmem>>, vector<16xi32>,
      %mul3A_593 = vector.broadcast %select_n3A : f32 to vector<16xf32>
      %mul3A_594 = arith.mulf %mul3A_593, %gather3A_575 : vector<16xf32>
      %exp3A_595 = math.exp %mul3A_594 : vector<16xf32>
      %swap3A_596 = arith.constant 48 : index
      %swap3A_597 = tpu.vector_load %arg16[%swap3A_596] {strides = array<i32>} : memref<128xf32, #tpu.memory_space<vmem>>, vector<16xf32>,
      tpu.vector_store %arg16[%swap3A_596], %exp3A_595 {strides = array<i32>} : memref<128xf32, #tpu.memory_space<vmem>>, vector<16xf32>,
      %get3A_598 = arith.constant 320 : index
      %get3A_599 = tpu.vector_load %arg12[%get3A_598] {strides = array<i32>} : memref<512xi32, #tpu.memory_space<vmem>>, vector<16xi32>,
      %get3A_600 = arith.constant 448 : index
      %get3A_601 = tpu.vector_load %arg12[%get3A_600] {strides = array<i32>} : memref<512xi32, #tpu.memory_space<vmem>>, vector<16xi32>,
      %gather3A_602 = tpu.vector_load_idx %arg10[%get3A_599] : memref<10240xf32, #tpu.memory_space<vmem>>[vector<16xi32>], vector<16xf32>,
      %gather3A_603 = tpu.vector_load_idx %arg11[%get3A_601] : memref<10240xf32, #tpu.memory_space<vmem>>[vector<16xi32>], vector<16xf32>,
      %add3A_604 = arith.addf %gather3A_602, %gather3A_603 : vector<16xf32>
      %gt3A_605 = arith.constant 0.000000e+00 : f32
      %gt3A_606 = vector.broadcast %gt3A_605 : f32 to vector<16xf32>
      %gt3A_607 = arith.cmpf ogt, %add3A_604, %gt3A_606 : vector<16xf32>
      %select_n3A_608 = arith.select %gt3A_607, %broadcast_in_dim3A_12, %broadcast_in_dim3A_10 : vector<16xi1>, vector<16xi32>
      %add3A_609 = arith.addi %get3A_599, %broadcast_in_dim3A_8 : vector<16xi32>
      %add3A_610 = arith.addi %add3A_609, %select_n3A_608 : vector<16xi32>
      %swap3A_611 = arith.constant 64 : index
      %swap3A_612 = tpu.vector_load %arg13[%swap3A_611] {strides = array<i32>} : memref<128xi32, #tpu.memory_space<vmem>>, vector<16xi32>,
      tpu.vector_store %arg13[%swap3A_611], %add3A_610 {strides = array<i32>} : memref<128xi32, #tpu.memory_space<vmem>>, vector<16xi32>,
      %add3A_613 = arith.addi %get3A_601, %select_n3A_608 : vector<16xi32>
      %swap3A_614 = arith.constant 64 : index
      %swap3A_615 = tpu.vector_load %arg14[%swap3A_614] {strides = array<i32>} : memref<128xi32, #tpu.memory_space<vmem>>, vector<16xi32>,
      tpu.vector_store %arg14[%swap3A_614], %add3A_613 {strides = array<i32>} : memref<128xi32, #tpu.memory_space<vmem>>, vector<16xi32>,
      %ne3A_616 = arith.xori %gt3A_607, %broadcast_in_dim3A : vector<16xi1>
      %select_n3A_617 = arith.select %ne3A_616, %get3A_601, %broadcast_in_dim3A_5 : vector<16xi1>, vector<16xi32>
      %swap3A_618 = arith.constant 64 : index
      %swap3A_619 = tpu.vector_load %arg15[%swap3A_618] {strides = array<i32>} : memref<128xi32, #tpu.memory_space<vmem>>, vector<16xi32>,
      tpu.vector_store %arg15[%swap3A_618], %select_n3A_617 {strides = array<i32>} : memref<128xi32, #tpu.memory_space<vmem>>, vector<16xi32>,
      %mul3A_620 = vector.broadcast %select_n3A : f32 to vector<16xf32>
      %mul3A_621 = arith.mulf %mul3A_620, %gather3A_602 : vector<16xf32>
      %exp3A_622 = math.exp %mul3A_621 : vector<16xf32>
      %swap3A_623 = arith.constant 64 : index
      %swap3A_624 = tpu.vector_load %arg16[%swap3A_623] {strides = array<i32>} : memref<128xf32, #tpu.memory_space<vmem>>, vector<16xf32>,
      tpu.vector_store %arg16[%swap3A_623], %exp3A_622 {strides = array<i32>} : memref<128xf32, #tpu.memory_space<vmem>>, vector<16xf32>,
      %get3A_625 = arith.constant 336 : index
      %get3A_626 = tpu.vector_load %arg12[%get3A_625] {strides = array<i32>} : memref<512xi32, #tpu.memory_space<vmem>>, vector<16xi32>,
      %get3A_627 = arith.constant 464 : index
      %get3A_628 = tpu.vector_load %arg12[%get3A_627] {strides = array<i32>} : memref<512xi32, #tpu.memory_space<vmem>>, vector<16xi32>,
      %gather3A_629 = tpu.vector_load_idx %arg10[%get3A_626] : memref<10240xf32, #tpu.memory_space<vmem>>[vector<16xi32>], vector<16xf32>,
      %gather3A_630 = tpu.vector_load_idx %arg11[%get3A_628] : memref<10240xf32, #tpu.memory_space<vmem>>[vector<16xi32>], vector<16xf32>,
      %add3A_631 = arith.addf %gather3A_629, %gather3A_630 : vector<16xf32>
      %gt3A_632 = arith.constant 0.000000e+00 : f32
      %gt3A_633 = vector.broadcast %gt3A_632 : f32 to vector<16xf32>
      %gt3A_634 = arith.cmpf ogt, %add3A_631, %gt3A_633 : vector<16xf32>
      %select_n3A_635 = arith.select %gt3A_634, %broadcast_in_dim3A_12, %broadcast_in_dim3A_10 : vector<16xi1>, vector<16xi32>
      %add3A_636 = arith.addi %get3A_626, %broadcast_in_dim3A_8 : vector<16xi32>
      %add3A_637 = arith.addi %add3A_636, %select_n3A_635 : vector<16xi32>
      %swap3A_638 = arith.constant 80 : index
      %swap3A_639 = tpu.vector_load %arg13[%swap3A_638] {strides = array<i32>} : memref<128xi32, #tpu.memory_space<vmem>>, vector<16xi32>,
      tpu.vector_store %arg13[%swap3A_638], %add3A_637 {strides = array<i32>} : memref<128xi32, #tpu.memory_space<vmem>>, vector<16xi32>,
      %add3A_640 = arith.addi %get3A_628, %select_n3A_635 : vector<16xi32>
      %swap3A_641 = arith.constant 80 : index
      %swap3A_642 = tpu.vector_load %arg14[%swap3A_641] {strides = array<i32>} : memref<128xi32, #tpu.memory_space<vmem>>, vector<16xi32>,
      tpu.vector_store %arg14[%swap3A_641], %add3A_640 {strides = array<i32>} : memref<128xi32, #tpu.memory_space<vmem>>, vector<16xi32>,
      %ne3A_643 = arith.xori %gt3A_634, %broadcast_in_dim3A : vector<16xi1>
      %select_n3A_644 = arith.select %ne3A_643, %get3A_628, %broadcast_in_dim3A_5 : vector<16xi1>, vector<16xi32>
      %swap3A_645 = arith.constant 80 : index
      %swap3A_646 = tpu.vector_load %arg15[%swap3A_645] {strides = array<i32>} : memref<128xi32, #tpu.memory_space<vmem>>, vector<16xi32>,
      tpu.vector_store %arg15[%swap3A_645], %select_n3A_644 {strides = array<i32>} : memref<128xi32, #tpu.memory_space<vmem>>, vector<16xi32>,
      %mul3A_647 = vector.broadcast %select_n3A : f32 to vector<16xf32>
      %mul3A_648 = arith.mulf %mul3A_647, %gather3A_629 : vector<16xf32>
      %exp3A_649 = math.exp %mul3A_648 : vector<16xf32>
      %swap3A_650 = arith.constant 80 : index
      %swap3A_651 = tpu.vector_load %arg16[%swap3A_650] {strides = array<i32>} : memref<128xf32, #tpu.memory_space<vmem>>, vector<16xf32>,
      tpu.vector_store %arg16[%swap3A_650], %exp3A_649 {strides = array<i32>} : memref<128xf32, #tpu.memory_space<vmem>>, vector<16xf32>,
      %get3A_652 = arith.constant 352 : index
      %get3A_653 = tpu.vector_load %arg12[%get3A_652] {strides = array<i32>} : memref<512xi32, #tpu.memory_space<vmem>>, vector<16xi32>,
      %get3A_654 = arith.constant 480 : index
      %get3A_655 = tpu.vector_load %arg12[%get3A_654] {strides = array<i32>} : memref<512xi32, #tpu.memory_space<vmem>>, vector<16xi32>,
      %gather3A_656 = tpu.vector_load_idx %arg10[%get3A_653] : memref<10240xf32, #tpu.memory_space<vmem>>[vector<16xi32>], vector<16xf32>,
      %gather3A_657 = tpu.vector_load_idx %arg11[%get3A_655] : memref<10240xf32, #tpu.memory_space<vmem>>[vector<16xi32>], vector<16xf32>,
      %add3A_658 = arith.addf %gather3A_656, %gather3A_657 : vector<16xf32>
      %gt3A_659 = arith.constant 0.000000e+00 : f32
      %gt3A_660 = vector.broadcast %gt3A_659 : f32 to vector<16xf32>
      %gt3A_661 = arith.cmpf ogt, %add3A_658, %gt3A_660 : vector<16xf32>
      %select_n3A_662 = arith.select %gt3A_661, %broadcast_in_dim3A_12, %broadcast_in_dim3A_10 : vector<16xi1>, vector<16xi32>
      %add3A_663 = arith.addi %get3A_653, %broadcast_in_dim3A_8 : vector<16xi32>
      %add3A_664 = arith.addi %add3A_663, %select_n3A_662 : vector<16xi32>
      %swap3A_665 = arith.constant 96 : index
      %swap3A_666 = tpu.vector_load %arg13[%swap3A_665] {strides = array<i32>} : memref<128xi32, #tpu.memory_space<vmem>>, vector<16xi32>,
      tpu.vector_store %arg13[%swap3A_665], %add3A_664 {strides = array<i32>} : memref<128xi32, #tpu.memory_space<vmem>>, vector<16xi32>,
      %add3A_667 = arith.addi %get3A_655, %select_n3A_662 : vector<16xi32>
      %swap3A_668 = arith.constant 96 : index
      %swap3A_669 = tpu.vector_load %arg14[%swap3A_668] {strides = array<i32>} : memref<128xi32, #tpu.memory_space<vmem>>, vector<16xi32>,
      tpu.vector_store %arg14[%swap3A_668], %add3A_667 {strides = array<i32>} : memref<128xi32, #tpu.memory_space<vmem>>, vector<16xi32>,
      %ne3A_670 = arith.xori %gt3A_661, %broadcast_in_dim3A : vector<16xi1>
      %select_n3A_671 = arith.select %ne3A_670, %get3A_655, %broadcast_in_dim3A_5 : vector<16xi1>, vector<16xi32>
      %swap3A_672 = arith.constant 96 : index
      %swap3A_673 = tpu.vector_load %arg15[%swap3A_672] {strides = array<i32>} : memref<128xi32, #tpu.memory_space<vmem>>, vector<16xi32>,
      tpu.vector_store %arg15[%swap3A_672], %select_n3A_671 {strides = array<i32>} : memref<128xi32, #tpu.memory_space<vmem>>, vector<16xi32>,
      %mul3A_674 = vector.broadcast %select_n3A : f32 to vector<16xf32>
      %mul3A_675 = arith.mulf %mul3A_674, %gather3A_656 : vector<16xf32>
      %exp3A_676 = math.exp %mul3A_675 : vector<16xf32>
      %swap3A_677 = arith.constant 96 : index
      %swap3A_678 = tpu.vector_load %arg16[%swap3A_677] {strides = array<i32>} : memref<128xf32, #tpu.memory_space<vmem>>, vector<16xf32>,
      tpu.vector_store %arg16[%swap3A_677], %exp3A_676 {strides = array<i32>} : memref<128xf32, #tpu.memory_space<vmem>>, vector<16xf32>,
      %get3A_679 = arith.constant 368 : index
      %get3A_680 = tpu.vector_load %arg12[%get3A_679] {strides = array<i32>} : memref<512xi32, #tpu.memory_space<vmem>>, vector<16xi32>,
      %get3A_681 = arith.constant 496 : index
      %get3A_682 = tpu.vector_load %arg12[%get3A_681] {strides = array<i32>} : memref<512xi32, #tpu.memory_space<vmem>>, vector<16xi32>,
      %gather3A_683 = tpu.vector_load_idx %arg10[%get3A_680] : memref<10240xf32, #tpu.memory_space<vmem>>[vector<16xi32>], vector<16xf32>,
      %gather3A_684 = tpu.vector_load_idx %arg11[%get3A_682] : memref<10240xf32, #tpu.memory_space<vmem>>[vector<16xi32>], vector<16xf32>,
      %add3A_685 = arith.addf %gather3A_683, %gather3A_684 : vector<16xf32>
      %gt3A_686 = arith.constant 0.000000e+00 : f32
      %gt3A_687 = vector.broadcast %gt3A_686 : f32 to vector<16xf32>
      %gt3A_688 = arith.cmpf ogt, %add3A_685, %gt3A_687 : vector<16xf32>
      %select_n3A_689 = arith.select %gt3A_688, %broadcast_in_dim3A_12, %broadcast_in_dim3A_10 : vector<16xi1>, vector<16xi32>
      %add3A_690 = arith.addi %get3A_680, %broadcast_in_dim3A_8 : vector<16xi32>
      %add3A_691 = arith.addi %add3A_690, %select_n3A_689 : vector<16xi32>
      %swap3A_692 = arith.constant 112 : index
      %swap3A_693 = tpu.vector_load %arg13[%swap3A_692] {strides = array<i32>} : memref<128xi32, #tpu.memory_space<vmem>>, vector<16xi32>,
      tpu.vector_store %arg13[%swap3A_692], %add3A_691 {strides = array<i32>} : memref<128xi32, #tpu.memory_space<vmem>>, vector<16xi32>,
      %add3A_694 = arith.addi %get3A_682, %select_n3A_689 : vector<16xi32>
      %swap3A_695 = arith.constant 112 : index
      %swap3A_696 = tpu.vector_load %arg14[%swap3A_695] {strides = array<i32>} : memref<128xi32, #tpu.memory_space<vmem>>, vector<16xi32>,
      tpu.vector_store %arg14[%swap3A_695], %add3A_694 {strides = array<i32>} : memref<128xi32, #tpu.memory_space<vmem>>, vector<16xi32>,
      %ne3A_697 = arith.xori %gt3A_688, %broadcast_in_dim3A : vector<16xi1>
      %select_n3A_698 = arith.select %ne3A_697, %get3A_682, %broadcast_in_dim3A_5 : vector<16xi1>, vector<16xi32>
      %swap3A_699 = arith.constant 112 : index
      %swap3A_700 = tpu.vector_load %arg15[%swap3A_699] {strides = array<i32>} : memref<128xi32, #tpu.memory_space<vmem>>, vector<16xi32>,
      tpu.vector_store %arg15[%swap3A_699], %select_n3A_698 {strides = array<i32>} : memref<128xi32, #tpu.memory_space<vmem>>, vector<16xi32>,
      %mul3A_701 = vector.broadcast %select_n3A : f32 to vector<16xf32>
      %mul3A_702 = arith.mulf %mul3A_701, %gather3A_683 : vector<16xf32>
      %exp3A_703 = math.exp %mul3A_702 : vector<16xf32>
      %swap3A_704 = arith.constant 112 : index
      %swap3A_705 = tpu.vector_load %arg16[%swap3A_704] {strides = array<i32>} : memref<128xf32, #tpu.memory_space<vmem>>, vector<16xf32>,
      tpu.vector_store %arg16[%swap3A_704], %exp3A_703 {strides = array<i32>} : memref<128xf32, #tpu.memory_space<vmem>>, vector<16xf32>,
      %dma_start3A_706 = arith.constant 0 : i32
      %dma_start3A_707 = arith.constant 0 : i32
      %dma_start3A_708 = tpu.memref_slice %arg2[%dma_start3A_706, %dma_start3A_707] : memref<40960x64xf32, #tpu.memory_space<hbm>> -> memref<40960x64xf32, #tpu.memory_space<hbm>>
      tpu.enqueue_indirect_dma source(%dma_start3A_708 : memref<40960x64xf32, #tpu.memory_space<hbm>>) target(%arg17 : memref<128x64xf32, #tpu.memory_space<vmem>>) offsets(%arg13 : memref<128xi32, #tpu.memory_space<vmem>>) semaphore(%arg25 : memref<!tpu.dma_semaphore, #tpu.memory_space<semaphore_mem>>)
      %dma_wait3A_709 = arith.constant 0 : i32
      %dma_wait3A_710 = arith.constant 0 : i32
      %dma_wait3A_711 = tpu.memref_slice %arg2[%dma_wait3A_709, %dma_wait3A_710] : memref<40960x64xf32, #tpu.memory_space<hbm>> -> memref<40960x64xf32, #tpu.memory_space<hbm>>
      tpu.wait_indirect_dma semaphore(%arg26 : memref<!tpu.dma_semaphore, #tpu.memory_space<semaphore_mem>>) src(%dma_wait3A_711 : memref<40960x64xf32, #tpu.memory_space<hbm>>) dst(%arg22 : memref<128x64xf32, #tpu.memory_space<vmem>>)
      "tpu.region"() ({
        %run_scoped3A = tpu.sem_alloc : memref<!tpu.dma_semaphore, #tpu.memory_space<semaphore_mem>>
        %dma_start3A_712 = arith.constant 0 : i32
        %dma_start3A_713 = arith.constant 0 : i32
        %dma_start3A_714 = tpu.memref_slice %arg23[%dma_start3A_712, %dma_start3A_713] : memref<20480x64xf32, #tpu.memory_space<vmem_shared>> -> memref<20480x64xf32, #tpu.memory_space<vmem_shared>>
        tpu.enqueue_indirect_dma source(%arg22 : memref<128x64xf32, #tpu.memory_space<vmem>>) target(%dma_start3A_714 : memref<20480x64xf32, #tpu.memory_space<vmem_shared>>) offsets(%arg19 : memref<128xi32, #tpu.memory_space<vmem>>) semaphore(%run_scoped3A : memref<!tpu.dma_semaphore, #tpu.memory_space<semaphore_mem>>) {add = true}
        %dma_wait3A_715 = arith.constant 0 : i32
        %dma_wait3A_716 = arith.constant 0 : i32
        %dma_wait3A_717 = tpu.memref_slice %arg23[%dma_wait3A_715, %dma_wait3A_716] : memref<20480x64xf32, #tpu.memory_space<vmem_shared>> -> memref<20480x64xf32, #tpu.memory_space<vmem_shared>>
        tpu.wait_indirect_dma semaphore(%run_scoped3A : memref<!tpu.dma_semaphore, #tpu.memory_space<semaphore_mem>>) src(%arg22 : memref<128x64xf32, #tpu.memory_space<vmem>>) dst(%dma_wait3A_717 : memref<20480x64xf32, #tpu.memory_space<vmem_shared>>)
        tpu.yield
      }) : () -> ()
      "tpu.region"() ({
        %run_scoped3A = tpu.sem_alloc : memref<!tpu.dma_semaphore, #tpu.memory_space<semaphore_mem>>
        %dma_start3A_712 = arith.constant 0 : i32
        %dma_start3A_713 = tpu.memref_slice %arg24[%dma_start3A_712] : memref<10240xf32, #tpu.memory_space<vmem_shared>> -> memref<10240xf32, #tpu.memory_space<vmem_shared>>
        tpu.enqueue_indirect_dma source(%arg21 : memref<128xf32, #tpu.memory_space<vmem>>) target(%dma_start3A_713 : memref<10240xf32, #tpu.memory_space<vmem_shared>>) offsets(%arg20 : memref<128xi32, #tpu.memory_space<vmem>>) semaphore(%run_scoped3A : memref<!tpu.dma_semaphore, #tpu.memory_space<semaphore_mem>>) {add = true}
        %dma_wait3A_714 = arith.constant 0 : i32
        %dma_wait3A_715 = tpu.memref_slice %arg24[%dma_wait3A_714] : memref<10240xf32, #tpu.memory_space<vmem_shared>> -> memref<10240xf32, #tpu.memory_space<vmem_shared>>
        tpu.wait_indirect_dma semaphore(%run_scoped3A : memref<!tpu.dma_semaphore, #tpu.memory_space<semaphore_mem>>) src(%arg21 : memref<128xf32, #tpu.memory_space<vmem>>) dst(%dma_wait3A_715 : memref<10240xf32, #tpu.memory_space<vmem_shared>>)
        tpu.yield
      }) : () -> ()
    }
    %scan3A_238 = arith.constant 78 : i32
    %dma_wait3A = arith.constant 0 : i32
    %dma_wait3A_239 = arith.constant 0 : i32
    %dma_wait3A_240 = tpu.memref_slice %arg2[%dma_wait3A, %dma_wait3A_239] : memref<40960x64xf32, #tpu.memory_space<hbm>> -> memref<40960x64xf32, #tpu.memory_space<hbm>>
    tpu.wait_indirect_dma semaphore(%arg25 : memref<!tpu.dma_semaphore, #tpu.memory_space<semaphore_mem>>) src(%dma_wait3A_240 : memref<40960x64xf32, #tpu.memory_space<hbm>>) dst(%arg17 : memref<128x64xf32, #tpu.memory_space<vmem>>)
    "tpu.region"() ({
      %run_scoped3A = tpu.sem_alloc : memref<!tpu.dma_semaphore, #tpu.memory_space<semaphore_mem>>
      %dma_start3A_258 = arith.constant 0 : i32
      %dma_start3A_259 = arith.constant 0 : i32
      %dma_start3A_260 = tpu.memref_slice %arg23[%dma_start3A_258, %dma_start3A_259] : memref<20480x64xf32, #tpu.memory_space<vmem_shared>> -> memref<20480x64xf32, #tpu.memory_space<vmem_shared>>
      tpu.enqueue_indirect_dma source(%arg17 : memref<128x64xf32, #tpu.memory_space<vmem>>) target(%dma_start3A_260 : memref<20480x64xf32, #tpu.memory_space<vmem_shared>>) offsets(%arg14 : memref<128xi32, #tpu.memory_space<vmem>>) semaphore(%run_scoped3A : memref<!tpu.dma_semaphore, #tpu.memory_space<semaphore_mem>>) {add = true}
      %dma_wait3A_261 = arith.constant 0 : i32
      %dma_wait3A_262 = arith.constant 0 : i32
      %dma_wait3A_263 = tpu.memref_slice %arg23[%dma_wait3A_261, %dma_wait3A_262] : memref<20480x64xf32, #tpu.memory_space<vmem_shared>> -> memref<20480x64xf32, #tpu.memory_space<vmem_shared>>
      tpu.wait_indirect_dma semaphore(%run_scoped3A : memref<!tpu.dma_semaphore, #tpu.memory_space<semaphore_mem>>) src(%arg17 : memref<128x64xf32, #tpu.memory_space<vmem>>) dst(%dma_wait3A_263 : memref<20480x64xf32, #tpu.memory_space<vmem_shared>>)
      tpu.yield
    }) : () -> ()
    "tpu.region"() ({
      %run_scoped3A = tpu.sem_alloc : memref<!tpu.dma_semaphore, #tpu.memory_space<semaphore_mem>>
      %dma_start3A_258 = arith.constant 0 : i32
      %dma_start3A_259 = tpu.memref_slice %arg24[%dma_start3A_258] : memref<10240xf32, #tpu.memory_space<vmem_shared>> -> memref<10240xf32, #tpu.memory_space<vmem_shared>>
      tpu.enqueue_indirect_dma source(%arg16 : memref<128xf32, #tpu.memory_space<vmem>>) target(%dma_start3A_259 : memref<10240xf32, #tpu.memory_space<vmem_shared>>) offsets(%arg15 : memref<128xi32, #tpu.memory_space<vmem>>) semaphore(%run_scoped3A : memref<!tpu.dma_semaphore, #tpu.memory_space<semaphore_mem>>) {add = true}
      %dma_wait3A_260 = arith.constant 0 : i32
      %dma_wait3A_261 = tpu.memref_slice %arg24[%dma_wait3A_260] : memref<10240xf32, #tpu.memory_space<vmem_shared>> -> memref<10240xf32, #tpu.memory_space<vmem_shared>>
      tpu.wait_indirect_dma semaphore(%run_scoped3A : memref<!tpu.dma_semaphore, #tpu.memory_space<semaphore_mem>>) src(%arg16 : memref<128xf32, #tpu.memory_space<vmem>>) dst(%dma_wait3A_261 : memref<10240xf32, #tpu.memory_space<vmem_shared>>)
      tpu.yield
    }) : () -> ()
    %barrier3A_241 = arith.constant 0 : index
    tpu.barrier barrier_id(%barrier3A_241)
    %mul3A_242 = arith.constant 1280 : i32
    %mul3A_243 = arith.muli %arg1, %mul3A_242 : i32
    %mul3A_244 = arith.constant 2 : i32
    %mul3A_245 = arith.muli %arg0, %mul3A_244 : i32
    %mul3A_246 = arith.constant 10240 : i32
    %mul3A_247 = arith.muli %mul3A_245, %mul3A_246 : i32
    %mul3A_248 = arith.constant 1280 : i32
    %mul3A_249 = arith.muli %arg1, %mul3A_248 : i32
    %add3A_250 = arith.addi %mul3A_247, %mul3A_249 : i32
    "tpu.region"() ({
      %run_scoped3A = tpu.sem_alloc : memref<!tpu.dma_semaphore, #tpu.memory_space<semaphore_mem>>
      %dma_start3A_258 = arith.constant 0 : i32
      %dma_start3A_259 = tpu.memref_slice %arg8[%add3A_250, %dma_start3A_258] : memref<40960x64xf32, #tpu.memory_space<hbm>> -> memref<1280x64xf32, #tpu.memory_space<hbm>>
      %dma_start3A_260 = arith.constant 0 : i32
      %dma_start3A_261 = tpu.memref_slice %arg23[%mul3A_243, %dma_start3A_260] : memref<20480x64xf32, #tpu.memory_space<vmem_shared>> -> memref<1280x64xf32, #tpu.memory_space<vmem_shared>>
      tpu.enqueue_dma source(%dma_start3A_261 : memref<1280x64xf32, #tpu.memory_space<vmem_shared>>) target(%dma_start3A_259 : memref<1280x64xf32, #tpu.memory_space<hbm>>) target_semaphore(%run_scoped3A : memref<!tpu.dma_semaphore, #tpu.memory_space<semaphore_mem>>)
      %dma_wait3A_262 = arith.constant 0 : i32
      %dma_wait3A_263 = tpu.memref_slice %arg8[%add3A_250, %dma_wait3A_262] : memref<40960x64xf32, #tpu.memory_space<hbm>> -> memref<1280x64xf32, #tpu.memory_space<hbm>>
      %dma_wait3A_264 = arith.constant 0 : i32
      %dma_wait3A_265 = tpu.memref_slice %arg23[%mul3A_243, %dma_wait3A_264] : memref<20480x64xf32, #tpu.memory_space<vmem_shared>> -> memref<1280x64xf32, #tpu.memory_space<vmem_shared>>
      tpu.wait_dma2 semaphore(%run_scoped3A : memref<!tpu.dma_semaphore, #tpu.memory_space<semaphore_mem>>) src(%dma_wait3A_265 : memref<1280x64xf32, #tpu.memory_space<vmem_shared>>) dst(%dma_wait3A_263 : memref<1280x64xf32, #tpu.memory_space<hbm>>)
      tpu.yield
    }) : () -> ()
    %mul3A_251 = arith.constant 640 : i32
    %mul3A_252 = arith.muli %arg1, %mul3A_251 : i32
    %mul3A_253 = arith.constant 10240 : i32
    %mul3A_254 = arith.muli %arg0, %mul3A_253 : i32
    %mul3A_255 = arith.constant 640 : i32
    %mul3A_256 = arith.muli %arg1, %mul3A_255 : i32
    %add3A_257 = arith.addi %mul3A_254, %mul3A_256 : i32
    "tpu.region"() ({
      %run_scoped3A = tpu.sem_alloc : memref<!tpu.dma_semaphore, #tpu.memory_space<semaphore_mem>>
      %dma_start3A_258 = tpu.memref_slice %arg9[%add3A_257] : memref<20480xf32, #tpu.memory_space<hbm>> -> memref<640xf32, #tpu.memory_space<hbm>>
      %dma_start3A_259 = tpu.memref_slice %arg24[%mul3A_252] : memref<10240xf32, #tpu.memory_space<vmem_shared>> -> memref<640xf32, #tpu.memory_space<vmem_shared>>
      tpu.enqueue_dma source(%dma_start3A_259 : memref<640xf32, #tpu.memory_space<vmem_shared>>) target(%dma_start3A_258 : memref<640xf32, #tpu.memory_space<hbm>>) target_semaphore(%run_scoped3A : memref<!tpu.dma_semaphore, #tpu.memory_space<semaphore_mem>>)
      %dma_wait3A_260 = tpu.memref_slice %arg9[%add3A_257] : memref<20480xf32, #tpu.memory_space<hbm>> -> memref<640xf32, #tpu.memory_space<hbm>>
      %dma_wait3A_261 = tpu.memref_slice %arg24[%mul3A_252] : memref<10240xf32, #tpu.memory_space<vmem_shared>> -> memref<640xf32, #tpu.memory_space<vmem_shared>>
      tpu.wait_dma2 semaphore(%run_scoped3A : memref<!tpu.dma_semaphore, #tpu.memory_space<semaphore_mem>>) src(%dma_wait3A_261 : memref<640xf32, #tpu.memory_space<vmem_shared>>) dst(%dma_wait3A_260 : memref<640xf32, #tpu.memory_space<hbm>>)
      tpu.yield
    }) : () -> ()
    return
  }
}

module attributes {stable_mosaic.version = 14 : i64} {
  func.func @_prologue_body(%arg0: i32, %arg1: i32, %arg2: i32, %arg3: memref<1024x128xf32, #tpu.memory_space<vmem>>, %arg4: memref<128x128xf32, #tpu.memory_space<vmem>>, %arg5: memref<1x128xf32, #tpu.memory_space<vmem>>, %arg6: memref<1x128xf32, #tpu.memory_space<vmem>>, %arg7: memref<1024x64xf32, #tpu.memory_space<vmem>>, %arg8: memref<1024x128xf32, #tpu.memory_space<vmem>>, %arg9: memref<1024xf32, #tpu.memory_space<vmem>>, %arg10: memref<1024xf32, #tpu.memory_space<vmem>>) attributes {dimension_semantics = [#tpu.dimension_semantics<arbitrary>, #tpu.dimension_semantics<arbitrary>, #tpu.dimension_semantics<arbitrary>], iteration_bounds = array<i64: 10, 2, 2>, scalar_prefetch = 0 : i64, scratch_operands = 0 : i64, tpu.core_type = #tpu.core_type<tc>, window_params = [{transform_indices = @transform_0, window_bounds = array<i64: 1024, 128>}, {pipeline_mode = #tpu.pipeline_mode<synchronous>, transform_indices = @transform_1, window_bounds = array<i64: 128, 128>}, {pipeline_mode = #tpu.pipeline_mode<synchronous>, transform_indices = @transform_2, window_bounds = array<i64: 1, 128>}, {pipeline_mode = #tpu.pipeline_mode<synchronous>, transform_indices = @transform_3, window_bounds = array<i64: 1, 128>}, {transform_indices = @transform_4, window_bounds = array<i64: 1024, 64>}, {transform_indices = @transform_5, window_bounds = array<i64: 1024, 128>}, {transform_indices = @transform_6, window_bounds = array<i64: 1024>}, {transform_indices = @transform_7, window_bounds = array<i64: 1024>}]} {
    %get3A = arith.constant 0 : index
    %get3A_0 = arith.constant 0 : index
    %get3A_1 = vector.load %arg3[%get3A, %get3A_0] : memref<1024x128xf32, #tpu.memory_space<vmem>>, vector<1024x128xf32>
    %get3A_2 = arith.constant 0 : index
    %get3A_3 = arith.constant 0 : index
    %get3A_4 = vector.load %arg4[%get3A_2, %get3A_3] : memref<128x128xf32, #tpu.memory_space<vmem>>, vector<128x128xf32>
    %dot_general3A = arith.constant dense<0.000000e+00> : vector<1024x128xf32>
    %dot_general3A_5 = tpu.matmul %get3A_1, %get3A_4, %dot_general3A {dimension_numbers = #tpu.dot_dimension_numbers<[1], [0], [0], [1], [0, 0, 1, 1], [], []>, transpose_lhs_hint = false} : vector<1024x128xf32>, vector<128x128xf32>, vector<1024x128xf32> -> vector<1024x128xf32>
    %get3A_6 = arith.constant 0 : index
    %get3A_7 = arith.constant 0 : index
    %get3A_8 = vector.load %arg5[%get3A_6, %get3A_7] : memref<1x128xf32, #tpu.memory_space<vmem>>, vector<1x128xf32>
    %mul3A = vector.broadcast %get3A_8 : vector<1x128xf32> to vector<1024x128xf32>
    %mul3A_9 = arith.mulf %dot_general3A_5, %mul3A : vector<1024x128xf32>
    %reduce_sum3A = arith.constant dense<0.000000e+00> : vector<1024xf32>
    %reduce_sum3A_10 = vector.multi_reduction <add>, %mul3A_9, %reduce_sum3A [1] : vector<1024x128xf32> to vector<1024xf32>
    %get3A_11 = arith.constant 0 : index
    %get3A_12 = arith.constant 0 : index
    %get3A_13 = vector.load %arg6[%get3A_11, %get3A_12] : memref<1x128xf32, #tpu.memory_space<vmem>>, vector<1x128xf32>
    %mul3A_14 = vector.broadcast %get3A_13 : vector<1x128xf32> to vector<1024x128xf32>
    %mul3A_15 = arith.mulf %dot_general3A_5, %mul3A_14 : vector<1024x128xf32>
    %reduce_sum3A_16 = arith.constant dense<0.000000e+00> : vector<1024xf32>
    %reduce_sum3A_17 = vector.multi_reduction <add>, %mul3A_15, %reduce_sum3A_16 [1] : vector<1024x128xf32> to vector<1024xf32>
    %eq3A = arith.constant 0 : i32
    %eq3A_18 = arith.cmpi eq, %arg2, %eq3A : i32
    %jit3A = arith.constant 1.000000e+00 : f32
    %jit3A_19 = arith.constant 2.000000e-01 : f32
    %select_n3A = arith.select %eq3A_18, %jit3A, %jit3A_19 : f32
    %mul3A_20 = vector.broadcast %select_n3A : f32 to vector<1024xf32>
    %mul3A_21 = arith.mulf %mul3A_20, %reduce_sum3A_10 : vector<1024xf32>
    %exp3A = math.exp %mul3A_21 : vector<1024xf32>
    %broadcast_in_dim3A = vector.shape_cast %exp3A : vector<1024xf32> to vector<1024x1xf32>
    %mul3A_22 = vector.broadcast %broadcast_in_dim3A : vector<1024x1xf32> to vector<1024x128xf32>
    %mul3A_23 = arith.mulf %mul3A_22, %dot_general3A_5 : vector<1024x128xf32>
    %eq3A_24 = arith.constant 0 : i32
    %eq3A_25 = arith.cmpi eq, %arg1, %eq3A_24 : i32
    %slice3A = vector.extract_strided_slice %mul3A_23 {offsets = [0, 0], sizes = [1024, 64], strides = [1, 1]} : vector<1024x128xf32> to vector<1024x64xf32>
    %slice3A_26 = vector.extract_strided_slice %mul3A_23 {offsets = [0, 64], sizes = [1024, 64], strides = [1, 1]} : vector<1024x128xf32> to vector<1024x64xf32>
    %select_n3A_27 = arith.select %eq3A_25, %slice3A, %slice3A_26 : vector<1024x64xf32>
    %swap3A = arith.constant 0 : index
    %swap3A_28 = arith.constant 0 : index
    %swap3A_29 = vector.load %arg7[%swap3A, %swap3A_28] : memref<1024x64xf32, #tpu.memory_space<vmem>>, vector<1024x64xf32>
    tpu.vector_store %arg7[%swap3A, %swap3A_28], %select_n3A_27 {strides = array<i32>} : memref<1024x64xf32, #tpu.memory_space<vmem>>, vector<1024x64xf32>,
    %swap3A_30 = arith.constant 0 : index
    %swap3A_31 = arith.constant 0 : index
    %swap3A_32 = vector.load %arg8[%swap3A_30, %swap3A_31] : memref<1024x128xf32, #tpu.memory_space<vmem>>, vector<1024x128xf32>
    tpu.vector_store %arg8[%swap3A_30, %swap3A_31], %dot_general3A_5 {strides = array<i32>} : memref<1024x128xf32, #tpu.memory_space<vmem>>, vector<1024x128xf32>,
    %swap3A_33 = arith.constant 0 : index
    %swap3A_34 = vector.load %arg9[%swap3A_33] : memref<1024xf32, #tpu.memory_space<vmem>>, vector<1024xf32>
    tpu.vector_store %arg9[%swap3A_33], %reduce_sum3A_10 {strides = array<i32>} : memref<1024xf32, #tpu.memory_space<vmem>>, vector<1024xf32>,
    %swap3A_35 = arith.constant 0 : index
    %swap3A_36 = vector.load %arg10[%swap3A_35] : memref<1024xf32, #tpu.memory_space<vmem>>, vector<1024xf32>
    tpu.vector_store %arg10[%swap3A_35], %reduce_sum3A_17 {strides = array<i32>} : memref<1024xf32, #tpu.memory_space<vmem>>, vector<1024xf32>,
    return
  }
  func.func @transform_0(%arg0: i32, %arg1: i32, %arg2: i32) -> (i32, i32) {
    %c0_i32 = arith.constant 0 : i32
    %c0_i32_0 = arith.constant 0 : i32
    return %arg0, %c0_i32 : i32, i32
  }
  func.func @transform_1(%arg0: i32, %arg1: i32, %arg2: i32) -> (i32, i32) {
    %c0_i32 = arith.constant 0 : i32
    %c0_i32_0 = arith.constant 0 : i32
    %c0_i32_1 = arith.constant 0 : i32
    return %c0_i32, %c0_i32_0 : i32, i32
  }
  func.func @transform_2(%arg0: i32, %arg1: i32, %arg2: i32) -> (i32, i32) {
    %c0_i32 = arith.constant 0 : i32
    %c0_i32_0 = arith.constant 0 : i32
    %c0_i32_1 = arith.constant 0 : i32
    return %c0_i32, %c0_i32_0 : i32, i32
  }
  func.func @transform_3(%arg0: i32, %arg1: i32, %arg2: i32) -> (i32, i32) {
    %c0_i32 = arith.constant 0 : i32
    %c0_i32_0 = arith.constant 0 : i32
    %c0_i32_1 = arith.constant 0 : i32
    return %c0_i32, %c0_i32_0 : i32, i32
  }
  func.func @transform_4(%arg0: i32, %arg1: i32, %arg2: i32) -> (i32, i32) {
    %mul3A = arith.constant 2 : i32
    %mul3A_0 = arith.muli %arg1, %mul3A : i32
    %add3A = arith.addi %mul3A_0, %arg2 : i32
    %mul3A_1 = arith.constant 10 : i32
    %mul3A_2 = arith.muli %add3A, %mul3A_1 : i32
    %add3A_3 = arith.addi %mul3A_2, %arg0 : i32
    %c0_i32 = arith.constant 0 : i32
    %c0_i32_4 = arith.constant 0 : i32
    return %add3A_3, %c0_i32 : i32, i32
  }
  func.func @transform_5(%arg0: i32, %arg1: i32, %arg2: i32) -> (i32, i32) {
    %c0_i32 = arith.constant 0 : i32
    %c0_i32_0 = arith.constant 0 : i32
    return %arg0, %c0_i32 : i32, i32
  }
  func.func @transform_6(%arg0: i32, %arg1: i32, %arg2: i32) -> i32 {
    %c0_i32 = arith.constant 0 : i32
    return %arg0 : i32
  }
  func.func @transform_7(%arg0: i32, %arg1: i32, %arg2: i32) -> i32 {
    %c0_i32 = arith.constant 0 : i32
    return %arg0 : i32
  }
}

module attributes {stable_mosaic.version = 14 : i64} {
  func.func @_combine_body(%arg0: i32, %arg1: memref<1024x128xf32, #tpu.memory_space<vmem>>, %arg2: memref<1024xf32, #tpu.memory_space<vmem>>, %arg3: memref<1024xf32, #tpu.memory_space<vmem>>, %arg4: memref<1024x64xf32, #tpu.memory_space<vmem>>, %arg5: memref<1024x64xf32, #tpu.memory_space<vmem>>, %arg6: memref<1024x64xf32, #tpu.memory_space<vmem>>, %arg7: memref<1024x64xf32, #tpu.memory_space<vmem>>, %arg8: memref<1024xf32, #tpu.memory_space<vmem>>, %arg9: memref<1024xf32, #tpu.memory_space<vmem>>, %arg10: memref<128xf32, #tpu.memory_space<vmem>>, %arg11: memref<1024x128xf32, #tpu.memory_space<vmem>>) attributes {dimension_semantics = [#tpu.dimension_semantics<arbitrary>], iteration_bounds = array<i64: 10>, scalar_prefetch = 0 : i64, scratch_operands = 0 : i64, tpu.core_type = #tpu.core_type<tc>, window_params = [{transform_indices = @transform_0, window_bounds = array<i64: 1024, 128>}, {transform_indices = @transform_1, window_bounds = array<i64: 1024>}, {transform_indices = @transform_2, window_bounds = array<i64: 1024>}, {transform_indices = @transform_3, window_bounds = array<i64: 1024, 64>}, {transform_indices = @transform_4, window_bounds = array<i64: 1024, 64>}, {transform_indices = @transform_5, window_bounds = array<i64: 1024, 64>}, {transform_indices = @transform_6, window_bounds = array<i64: 1024, 64>}, {transform_indices = @transform_7, window_bounds = array<i64: 1024>}, {transform_indices = @transform_8, window_bounds = array<i64: 1024>}, {pipeline_mode = #tpu.pipeline_mode<synchronous>, transform_indices = @transform_9, window_bounds = array<i64: 128>}, {transform_indices = @transform_10, window_bounds = array<i64: 1024, 128>}]} {
    %get3A = arith.constant 0 : index
    %get3A_0 = vector.load %arg2[%get3A] : memref<1024xf32, #tpu.memory_space<vmem>>, vector<1024xf32>
    %get3A_1 = arith.constant 0 : index
    %get3A_2 = vector.load %arg3[%get3A_1] : memref<1024xf32, #tpu.memory_space<vmem>>, vector<1024xf32>
    %exp3A = math.exp %get3A_2 : vector<1024xf32>
    %mul3A = arith.constant 2.000000e-01 : f32
    %mul3A_3 = vector.broadcast %mul3A : f32 to vector<1024xf32>
    %mul3A_4 = arith.mulf %mul3A_3, %get3A_2 : vector<1024xf32>
    %exp3A_5 = math.exp %mul3A_4 : vector<1024xf32>
    %add3A = arith.addf %get3A_0, %get3A_2 : vector<1024xf32>
    %gt3A = arith.constant 0.000000e+00 : f32
    %gt3A_6 = vector.broadcast %gt3A : f32 to vector<1024xf32>
    %gt3A_7 = arith.cmpf ogt, %add3A, %gt3A_6 : vector<1024xf32>
    %exp3A_8 = math.exp %add3A : vector<1024xf32>
    %mul3A_9 = arith.constant 2.000000e-01 : f32
    %mul3A_10 = vector.broadcast %mul3A_9 : f32 to vector<1024xf32>
    %mul3A_11 = arith.mulf %mul3A_10, %add3A : vector<1024xf32>
    %exp3A_12 = math.exp %mul3A_11 : vector<1024xf32>
    %select_n3A = arith.select %gt3A_7, %exp3A_8, %exp3A_12 : vector<1024xi1>, vector<1024xf32>
    %get3A_13 = arith.constant 0 : index
    %get3A_14 = arith.constant 0 : index
    %get3A_15 = vector.load %arg1[%get3A_13, %get3A_14] : memref<1024x128xf32, #tpu.memory_space<vmem>>, vector<1024x128xf32>
    %get3A_16 = arith.constant 0 : index
    %get3A_17 = vector.load %arg8[%get3A_16] : memref<1024xf32, #tpu.memory_space<vmem>>, vector<1024xf32>
    %mul3A_18 = arith.mulf %exp3A, %get3A_17 : vector<1024xf32>
    %get3A_19 = arith.constant 0 : index
    %get3A_20 = vector.load %arg9[%get3A_19] : memref<1024xf32, #tpu.memory_space<vmem>>, vector<1024xf32>
    %mul3A_21 = arith.mulf %exp3A_5, %get3A_20 : vector<1024xf32>
    %add3A_22 = arith.addf %mul3A_18, %mul3A_21 : vector<1024xf32>
    %add3A_23 = arith.addf %add3A_22, %select_n3A : vector<1024xf32>
    %add3A_24 = arith.constant 1.000000e-16 : f32
    %add3A_25 = vector.broadcast %add3A_24 : f32 to vector<1024xf32>
    %add3A_26 = arith.addf %add3A_23, %add3A_25 : vector<1024xf32>
    %div3A = arith.constant 1.000000e+00 : f32
    %div3A_27 = vector.broadcast %div3A : f32 to vector<1024xf32>
    %div3A_28 = arith.divf %div3A_27, %add3A_26 : vector<1024xf32>
    %broadcast_in_dim3A = vector.shape_cast %exp3A : vector<1024xf32> to vector<1024x1xf32>
    %get3A_29 = arith.constant 0 : index
    %get3A_30 = arith.constant 0 : index
    %get3A_31 = vector.load %arg4[%get3A_29, %get3A_30] : memref<1024x64xf32, #tpu.memory_space<vmem>>, vector<1024x64xf32>
    %mul3A_32 = vector.broadcast %broadcast_in_dim3A : vector<1024x1xf32> to vector<1024x64xf32>
    %mul3A_33 = arith.mulf %mul3A_32, %get3A_31 : vector<1024x64xf32>
    %broadcast_in_dim3A_34 = vector.shape_cast %exp3A_5 : vector<1024xf32> to vector<1024x1xf32>
    %get3A_35 = arith.constant 0 : index
    %get3A_36 = arith.constant 0 : index
    %get3A_37 = vector.load %arg5[%get3A_35, %get3A_36] : memref<1024x64xf32, #tpu.memory_space<vmem>>, vector<1024x64xf32>
    %mul3A_38 = vector.broadcast %broadcast_in_dim3A_34 : vector<1024x1xf32> to vector<1024x64xf32>
    %mul3A_39 = arith.mulf %mul3A_38, %get3A_37 : vector<1024x64xf32>
    %add3A_40 = arith.addf %mul3A_33, %mul3A_39 : vector<1024x64xf32>
    %broadcast_in_dim3A_41 = vector.shape_cast %select_n3A : vector<1024xf32> to vector<1024x1xf32>
    %slice3A = vector.extract_strided_slice %get3A_15 {offsets = [0, 0], sizes = [1024, 64], strides = [1, 1]} : vector<1024x128xf32> to vector<1024x64xf32>
    %mul3A_42 = vector.broadcast %broadcast_in_dim3A_41 : vector<1024x1xf32> to vector<1024x64xf32>
    %mul3A_43 = arith.mulf %mul3A_42, %slice3A : vector<1024x64xf32>
    %add3A_44 = arith.addf %add3A_40, %mul3A_43 : vector<1024x64xf32>
    %broadcast_in_dim3A_45 = vector.shape_cast %exp3A : vector<1024xf32> to vector<1024x1xf32>
    %get3A_46 = arith.constant 0 : index
    %get3A_47 = arith.constant 0 : index
    %get3A_48 = vector.load %arg6[%get3A_46, %get3A_47] : memref<1024x64xf32, #tpu.memory_space<vmem>>, vector<1024x64xf32>
    %mul3A_49 = vector.broadcast %broadcast_in_dim3A_45 : vector<1024x1xf32> to vector<1024x64xf32>
    %mul3A_50 = arith.mulf %mul3A_49, %get3A_48 : vector<1024x64xf32>
    %broadcast_in_dim3A_51 = vector.shape_cast %exp3A_5 : vector<1024xf32> to vector<1024x1xf32>
    %get3A_52 = arith.constant 0 : index
    %get3A_53 = arith.constant 0 : index
    %get3A_54 = vector.load %arg7[%get3A_52, %get3A_53] : memref<1024x64xf32, #tpu.memory_space<vmem>>, vector<1024x64xf32>
    %mul3A_55 = vector.broadcast %broadcast_in_dim3A_51 : vector<1024x1xf32> to vector<1024x64xf32>
    %mul3A_56 = arith.mulf %mul3A_55, %get3A_54 : vector<1024x64xf32>
    %add3A_57 = arith.addf %mul3A_50, %mul3A_56 : vector<1024x64xf32>
    %broadcast_in_dim3A_58 = vector.shape_cast %select_n3A : vector<1024xf32> to vector<1024x1xf32>
    %slice3A_59 = vector.extract_strided_slice %get3A_15 {offsets = [0, 64], sizes = [1024, 64], strides = [1, 1]} : vector<1024x128xf32> to vector<1024x64xf32>
    %mul3A_60 = vector.broadcast %broadcast_in_dim3A_58 : vector<1024x1xf32> to vector<1024x64xf32>
    %mul3A_61 = arith.mulf %mul3A_60, %slice3A_59 : vector<1024x64xf32>
    %add3A_62 = arith.addf %add3A_57, %mul3A_61 : vector<1024x64xf32>
    %get3A_63 = arith.constant 0 : index
    %get3A_64 = vector.load %arg10[%get3A_63] : memref<128xf32, #tpu.memory_space<vmem>>, vector<128xf32>
    %concatenate3A = tpu.concatenate %add3A_44, %add3A_62 in 1 : vector<1024x64xf32>, vector<1024x64xf32> -> vector<1024x128xf32>
    %broadcast_in_dim3A_65 = vector.shape_cast %div3A_28 : vector<1024xf32> to vector<1024x1xf32>
    %mul3A_66 = vector.broadcast %broadcast_in_dim3A_65 : vector<1024x1xf32> to vector<1024x128xf32>
    %mul3A_67 = arith.mulf %concatenate3A, %mul3A_66 : vector<1024x128xf32>
    %broadcast_in_dim3A_68 = vector.shape_cast %get3A_64 : vector<128xf32> to vector<1x128xf32>
    %add3A_69 = vector.broadcast %broadcast_in_dim3A_68 : vector<1x128xf32> to vector<1024x128xf32>
    %add3A_70 = arith.addf %mul3A_67, %add3A_69 : vector<1024x128xf32>
    %max3A = arith.constant 0.000000e+00 : f32
    %max3A_71 = vector.broadcast %max3A : f32 to vector<1024x128xf32>
    %max3A_72 = arith.maximumf %add3A_70, %max3A_71 : vector<1024x128xf32>
    %swap3A = arith.constant 0 : index
    %swap3A_73 = arith.constant 0 : index
    %swap3A_74 = vector.load %arg11[%swap3A, %swap3A_73] : memref<1024x128xf32, #tpu.memory_space<vmem>>, vector<1024x128xf32>
    tpu.vector_store %arg11[%swap3A, %swap3A_73], %max3A_72 {strides = array<i32>} : memref<1024x128xf32, #tpu.memory_space<vmem>>, vector<1024x128xf32>,
    return
  }
  func.func @transform_0(%arg0: i32) -> (i32, i32) {
    %c0_i32 = arith.constant 0 : i32
    %c0_i32_0 = arith.constant 0 : i32
    return %arg0, %c0_i32 : i32, i32
  }
  func.func @transform_1(%arg0: i32) -> i32 {
    %c0_i32 = arith.constant 0 : i32
    return %arg0 : i32
  }
  func.func @transform_2(%arg0: i32) -> i32 {
    %c0_i32 = arith.constant 0 : i32
    return %arg0 : i32
  }
  func.func @transform_3(%arg0: i32) -> (i32, i32) {
    %c0_i32 = arith.constant 0 : i32
    %c0_i32_0 = arith.constant 0 : i32
    return %arg0, %c0_i32 : i32, i32
  }
  func.func @transform_4(%arg0: i32) -> (i32, i32) {
    %add3A = arith.constant 10 : i32
    %add3A_0 = arith.addi %add3A, %arg0 : i32
    %c0_i32 = arith.constant 0 : i32
    %c0_i32_1 = arith.constant 0 : i32
    return %add3A_0, %c0_i32 : i32, i32
  }
  func.func @transform_5(%arg0: i32) -> (i32, i32) {
    %add3A = arith.constant 20 : i32
    %add3A_0 = arith.addi %add3A, %arg0 : i32
    %c0_i32 = arith.constant 0 : i32
    %c0_i32_1 = arith.constant 0 : i32
    return %add3A_0, %c0_i32 : i32, i32
  }
  func.func @transform_6(%arg0: i32) -> (i32, i32) {
    %add3A = arith.constant 30 : i32
    %add3A_0 = arith.addi %add3A, %arg0 : i32
    %c0_i32 = arith.constant 0 : i32
    %c0_i32_1 = arith.constant 0 : i32
    return %add3A_0, %c0_i32 : i32, i32
  }
  func.func @transform_7(%arg0: i32) -> i32 {
    %c0_i32 = arith.constant 0 : i32
    return %arg0 : i32
  }
  func.func @transform_8(%arg0: i32) -> i32 {
    %add3A = arith.constant 10 : i32
    %add3A_0 = arith.addi %add3A, %arg0 : i32
    %c0_i32 = arith.constant 0 : i32
    return %add3A_0 : i32
  }
  func.func @transform_9(%arg0: i32) -> i32 {
    %c0_i32 = arith.constant 0 : i32
    %c0_i32_0 = arith.constant 0 : i32
    return %c0_i32 : i32
  }
  func.func @transform_10(%arg0: i32) -> (i32, i32) {
    %c0_i32 = arith.constant 0 : i32
    %c0_i32_0 = arith.constant 0 : i32
    return %arg0, %c0_i32 : i32, i32
  }
}

module attributes {stable_mosaic.version = 14 : i64} {
  func.func @_pool_body(%arg0: memref<10240xi32, #tpu.memory_space<vmem>>, %arg1: memref<10240x128xf32, #tpu.memory_space<vmem>>, %arg2: memref<128x16xf32, #tpu.memory_space<vmem>>, %arg3: memref<16xf32, #tpu.memory_space<vmem>>, %arg4: memref<64x16xf32, #tpu.memory_space<vmem>>) attributes {dimension_semantics = [], scalar_prefetch = 0 : i64, scratch_operands = 0 : i64, tpu.core_type = #tpu.core_type<tc>} {
    %get3A = arith.constant 0 : index
    %get3A_0 = vector.load %arg0[%get3A] : memref<10240xi32, #tpu.memory_space<vmem>>, vector<10240xi32>
    %iota3A = tpu.iota {dimensions = array<i32: 0>} : vector<64x10240xi32>
    %broadcast_in_dim3A = vector.shape_cast %get3A_0 : vector<10240xi32> to vector<1x10240xi32>
    %eq3A = vector.broadcast %broadcast_in_dim3A : vector<1x10240xi32> to vector<64x10240xi32>
    %eq3A_1 = arith.cmpi eq, %eq3A, %iota3A : vector<64x10240xi32>
    %convert_element_type3A = arith.extui %eq3A_1 : vector<64x10240xi1> to vector<64x10240xi32>
    %convert_element_type3A_2 = arith.sitofp %convert_element_type3A : vector<64x10240xi32> to vector<64x10240xf32>
    %get3A_3 = arith.constant 0 : index
    %get3A_4 = arith.constant 0 : index
    %get3A_5 = vector.load %arg1[%get3A_3, %get3A_4] : memref<10240x128xf32, #tpu.memory_space<vmem>>, vector<10240x128xf32>
    %dot_general3A = arith.constant dense<0.000000e+00> : vector<64x128xf32>
    %dot_general3A_6 = tpu.matmul %convert_element_type3A_2, %get3A_5, %dot_general3A {dimension_numbers = #tpu.dot_dimension_numbers<[1], [0], [0], [1], [0, 0, 1, 1], [], []>, transpose_lhs_hint = false} : vector<64x10240xf32>, vector<10240x128xf32>, vector<64x128xf32> -> vector<64x128xf32>
    %reduce_sum3A = arith.constant dense<0.000000e+00> : vector<64xf32>
    %reduce_sum3A_7 = vector.multi_reduction <add>, %convert_element_type3A_2, %reduce_sum3A [1] : vector<64x10240xf32> to vector<64xf32>
    %max3A = arith.constant 1.000000e+00 : f32
    %max3A_8 = vector.broadcast %max3A : f32 to vector<64xf32>
    %max3A_9 = arith.maximumf %reduce_sum3A_7, %max3A_8 : vector<64xf32>
    %broadcast_in_dim3A_10 = vector.shape_cast %max3A_9 : vector<64xf32> to vector<64x1xf32>
    %div3A = vector.broadcast %broadcast_in_dim3A_10 : vector<64x1xf32> to vector<64x128xf32>
    %div3A_11 = arith.divf %dot_general3A_6, %div3A : vector<64x128xf32>
    %get3A_12 = arith.constant 0 : index
    %get3A_13 = arith.constant 0 : index
    %get3A_14 = vector.load %arg2[%get3A_12, %get3A_13] : memref<128x16xf32, #tpu.memory_space<vmem>>, vector<128x16xf32>
    %dot_general3A_15 = arith.constant dense<0.000000e+00> : vector<64x16xf32>
    %dot_general3A_16 = tpu.matmul %div3A_11, %get3A_14, %dot_general3A_15 {dimension_numbers = #tpu.dot_dimension_numbers<[1], [0], [0], [1], [0, 0, 1, 1], [], []>, transpose_lhs_hint = false} : vector<64x128xf32>, vector<128x16xf32>, vector<64x16xf32> -> vector<64x16xf32>
    %get3A_17 = arith.constant 0 : index
    %get3A_18 = vector.load %arg3[%get3A_17] : memref<16xf32, #tpu.memory_space<vmem>>, vector<16xf32>
    %broadcast_in_dim3A_19 = vector.shape_cast %get3A_18 : vector<16xf32> to vector<1x16xf32>
    %add3A = vector.broadcast %broadcast_in_dim3A_19 : vector<1x16xf32> to vector<64x16xf32>
    %add3A_20 = arith.addf %dot_general3A_16, %add3A : vector<64x16xf32>
    %swap3A = arith.constant 0 : index
    %swap3A_21 = arith.constant 0 : index
    %swap3A_22 = vector.load %arg4[%swap3A, %swap3A_21] : memref<64x16xf32, #tpu.memory_space<vmem>>, vector<64x16xf32>
    tpu.vector_store %arg4[%swap3A, %swap3A_21], %add3A_20 {strides = array<i32>} : memref<64x16xf32, #tpu.memory_space<vmem>>, vector<64x16xf32>,
    return
  }
}

</mosaic_0001>

<sc_bundles>
// kernel: kernel.12.cloned.1.call-start
scs
__scs_entry_jumppad:
0x0: {  	(pc) =	sbr.rel $0x88, $3  }
0x1: {  	(tag) =	ssettag $0x0;
	lr =	simm.s32 $0x1  }
0x2: {  	[smem:$0x3F94] =	sst lr;
	_ =	strace $0xD0000000  }
0x3: {  	_ = 	snop  }
0x4: {  	_ = 	snop  }
0x5: {  	_ = 	snop  }
0x6: {  	_ = 	snop  }
0x7: {  	_ = 	snop  }
__scs_overlays_trampoline_lowered:
0x8: {  	[smem:$0x3FA3] =	sst s0  }
0x9: {  	[smem:$0x3FA4] =	sst s1  }
0xa: {  	[smem:$0x3FA5] =	sst s2  }
0xb: {  	[smem:$0x3FA6] =	sst s3  }
0xc: {  	[smem:$0x3FA7] =	sst s4  }
0xd: {  	[smem:$0x3FA8] =	sst s5  }
0xe: {  	[smem:$0x3FA9] =	sst s6  }
0xf: {  	[smem:$0x3FAA] =	sst s7  }
0x10: {  	[smem:$0x3FAB] =	sst s8  }
0x11: {  	[smem:$0x3FAC] =	sst s9;
	s0 =	simm.s32 @!p0 $0x0  }
0x12: {  	s1 =	sld [smem:$0x3F92];
	s0 =	simm.s32 @p0 $0x1  }
0x13: {  	[smem:$0x3FAD] =	sst s0;
	s0 =	simm.s32 @!p1 $0x0  }
0x14: {  	s2 =	sld [smem:$0x3F91];
	s0 =	simm.s32 @p1 $0x1  }
0x15: {  	[smem:$0x3FAE] =	sst s0;
	s0 =	simm.s32 @!p2 $0x0  }
0x16: {  	s3 =	sld [smem:$0x3FDB];
	s0 =	simm.s32 @p2 $0x1  }
0x17: {  	s4 =	simm.s32 $0x1BF5;
	[smem:$0x3FB0] =	sst s0  }
0x18: {  	s0 =	sld [smem:$0x3F93];
	_ =	swait.ge [sflag:s4], $0x0  }
0x19: {  	s7 =	sld [smem:$0x3F94]  }
0x1a: {  	s8 =	sadd.s32 $0xFFFFE003, lr  }
0x1b: {  	s9 =	sadd.s32 $0xFFFFFEF7, lr;
	s5 =	simm.s32 $0xFFFFFFFF;
	p2 =	slt.u32 s8, $0xFFFFF086  }
0x1c: {  	p1 =	slt.u32 s9, $0xF7A;
	s5 =	simm.s32 @!p2 $0x0  }
0x1d: {  	s5 =	simm.s32 @p1 $0x1;
	p0 =	seq.s32 s7, s2  }
0x1e: {  	s7 =	smul.u32 @!p0 $0xF7A, s2;
	p2 =	seq.s32 @!p0 s5, $0x0  }
0x1f: {  	s9 =	smul.u32 $0xF7A, s1;
	s8 =	simm.s32 @!p0 $0x1BF5;
	p2 =	por !p2, p0  }
0x20: {  	[sflag:s8] =	ssyncset.s32 @!p0 $0xFFFFF086;
	s6 =	sadd.s32 @!p0 s3, s7;
	s7 =	simm.s32 @!p0 $0x108  }
0x21: {  	s3 =	sadd.s32 s3, s9;
	s6 =	sadd.s32 @!p0 $0x88, s6;
	s7 =	simm.s32 @p2 $0x1082  }
0x22: {  	[simem:s7], [sflag:s8] =	dma.local @!p0 [hbm:s6], $0xF7A  }
0x23: {  	s9 =	sor.u32 $0xD0000000, s2;
	s6 =	simm.s32 $0x108;
	_ =	swait.ge @!p0 [sflag:s8], $0x0  }
0x24: {  	s3 =	sadd.s32 $0x88, s3;
	s6 =	simm.s32 @!p1 $0x1082;
	[sflag:s4] =	ssyncset.s32 $0xFFFFF086  }
0x25: {  	[simem:s6], [sflag:s4] =	dma.local [hbm:s3], $0xF7A  }
0x26: {  	[smem:$0x3F94] =	sst s1;
	(tag) =	ssettag s2;
	_ =	strace s9  }
0x27: {  	s1 =	sld [smem:$0x3FA4]  }
0x28: {  	s2 =	sld [smem:$0x3FA5]  }
0x29: {  	s4 =	sld [smem:$0x3FA7]  }
0x2a: {  	p0 =	seq.s32 s5, $0x0;
	s5 =	sld [smem:$0x3FA8]  }
0x2b: {  	s6 =	sld [smem:$0x3FA9]  }
0x2c: {  	s7 =	sld [smem:$0x3FAA]  }
0x2d: {  	s3 =	simm.s32 $0x108;
	s8 =	sld [smem:$0x3FAB]  }
0x2e: {  	s3 =	simm.s32 @!p0 $0x1082;
	s9 =	sld [smem:$0x3FAC]  }
0x2f: {  	lr =	sadd.s32 s0, s3;
	s0 =	sld [smem:$0x3FA3]  }
0x30: {  	s3 =	sld [smem:$0x3FA6]  }
0x31: {  	[smem:$0x3FAF] =	sst s10  }
0x32: {  	s10 =	sld [smem:$0x3FAD];
	_ =	sdelay $0x3  }
0x33: {  	p0 =	seq.s32 s10, $0x1;
	s10 =	sld [smem:$0x3FAF];
	_ =	sdelay $0x3  }
0x34: {  	[smem:$0x3FAF] =	sst s10  }
0x35: {  	s10 =	sld [smem:$0x3FAE];
	_ =	sdelay $0x3  }
0x36: {  	p1 =	seq.s32 s10, $0x1;
	s10 =	sld [smem:$0x3FAF];
	_ =	sdelay $0x3  }
0x37: {  	[smem:$0x3FAF] =	sst s10  }
0x38: {  	s10 =	sld [smem:$0x3FB0]  }
0x39: {  	_ = 	snop;
	(pc) =	sbr.ind lr, $3  }
0x3a: {  	_ = 	snop  }
0x3b: {  	_ = 	snop  }
0x3c: {  	p2 =	seq.s32 s10, $0x1;
	s10 =	sld [smem:$0x3FAF]  }
0x3d: {  	_ =	shalt  }
0x3e: {  	_ =	shalt  }
0x3f: {  	_ =	shalt  }
0x40: {  	_ =	shalt  }
0x41: {  	_ =	shalt  }
0x42: {  	_ =	shalt  }
0x43: {  	_ =	shalt  }
0x44: {  	_ =	shalt  }
0x45: {  	_ =	shalt  }
0x46: {  	_ =	shalt  }
0x47: {  	_ =	shalt  }
0x48: {  	_ =	shalt  }
0x49: {  	_ =	shalt  }
0x4a: {  	_ =	shalt  }
0x4b: {  	_ =	shalt  }
0x4c: {  	_ =	shalt  }
0x4d: {  	_ =	shalt  }
0x4e: {  	_ =	shalt  }
0x4f: {  	_ =	shalt  }
0x50: {  	_ =	shalt  }
0x51: {  	_ =	shalt  }
0x52: {  	_ =	shalt  }
0x53: {  	_ =	shalt  }
0x54: {  	_ =	shalt  }
0x55: {  	_ =	shalt  }
0x56: {  	_ =	shalt  }
0x57: {  	_ =	shalt  }
0x58: {  	_ =	shalt  }
0x59: {  	_ =	shalt  }
0x5a: {  	_ =	shalt  }
0x5b: {  	_ =	shalt  }
0x5c: {  	_ =	shalt  }
0x5d: {  	_ =	shalt  }
0x5e: {  	_ =	shalt  }
0x5f: {  	_ =	shalt  }
0x60: {  	_ =	shalt  }
0x61: {  	_ =	shalt  }
0x62: {  	_ =	shalt  }
0x63: {  	_ =	shalt  }
0x64: {  	_ =	shalt  }
0x65: {  	_ =	shalt  }
0x66: {  	_ =	shalt  }
0x67: {  	_ =	shalt  }
0x68: {  	_ =	shalt  }
0x69: {  	_ =	shalt  }
0x6a: {  	_ =	shalt  }
0x6b: {  	_ =	shalt  }
0x6c: {  	_ =	shalt  }
0x6d: {  	_ =	shalt  }
0x6e: {  	_ =	shalt  }
0x6f: {  	_ =	shalt  }
0x70: {  	_ =	shalt  }
0x71: {  	_ =	shalt  }
0x72: {  	_ =	shalt  }
0x73: {  	_ =	shalt  }
0x74: {  	_ =	shalt  }
0x75: {  	_ =	shalt  }
0x76: {  	_ =	shalt  }
0x77: {  	_ =	shalt  }
0x78: {  	_ =	shalt  }
0x79: {  	_ =	shalt  }
0x7a: {  	_ =	shalt  }
0x7b: {  	_ =	shalt  }
0x7c: {  	_ =	shalt  }
0x7d: {  	_ =	shalt  }
0x7e: {  	_ =	shalt  }
0x7f: {  	_ =	shalt  }
0x80: {  	_ =	shalt  }
0x81: {  	_ =	shalt  }
0x82: {  	_ =	shalt  }
0x83: {  	_ =	shalt  }
0x84: {  	_ =	shalt  }
0x85: {  	_ =	shalt  }
0x86: {  	_ =	shalt  }
0x87: {  	_ =	shalt  }
.Lfunc_end0:
.L_simem_size_0:
called_computation.1_lowered:
.L_overlay_start_0:
0x88: {  	s2 =	sld [smem:$0x3FD9]  }
0x89: {  	s3 =	sld [smem:$0x3FFE];
	_ =	sdelay $0x1  }
0x8a: {  	s1 =	srdreg.scid  }
0x8b: {  	s0 =	sand.u32 $0x1, s1  }
0x8c: {  	s17 =	sshll.u32 s0, $0xA;
	s2 =	sadd.s32 s3, s2  }
0x8d: {  	s2 =	sadd.s32 s2, s17  }
0x8e: {  	[smem:$0x3FBB] =	sst s2  }
0x8f: {  	_ = 	snop  }
0x90: {  	s2 =	sld [smem:$0x3FD0];
	(tm) =	ssettm $0x1  }
0x91: {  	s18 =	sld [smem:$0x3FFB];
	_ =	sdelay $0x3  }
0x92: {  	_ =	strace s18  }
0x93: {  	s3 =	sld [smem:$0x3FFC];
	_ =	sdelay $0x3  }
0x94: {  	_ =	strace s3  }
0x95: {  	s3 =	sld [smem:$0x3FFD];
	_ =	sdelay $0x3  }
0x96: {  	_ =	strace s3  }
0x97: {  	_ =	strace $0x8FFFFFFF  }
0x98: {  	s19 =	sld [smem:$0x3FDB];
	_ =	sdelay $0x1  }
0x99: {  	s4 =	simm.s32 $_scs_section_size  }
0x9a: {  	s5 =	simm.s32 $_size__tile_overlayer_lowered;
	s6 =	simm.s32 $_tile_overlayer_lowered  }
0x9b: {  	s22 =	simm.s32 $0x1BFF;
	s21 =	sshll.u32 s6, $0x1;
	s3 =	sadd.s32 s4, s19  }
0x9c: {  	s7 =	simm.s32 $0x0;
	s20 =	sshll.u32 s5, $0x1;
	s5 =	sadd.s32 s21, s3  }
0x9d: {  	[timem:s7], [sflag:s22] =	dma.local [hbm:s5], s20  }
0x9e: {  	_ =	swait.ge [sflag:s22], s20  }
0x9f: {  	s4 =	ssub.s32 $0x0, s20;
	[sflag:s22] =	ssyncset.done $0x0  }
0xa0: {  	[sflag:s22] =	ssyncadd.s32 s4;
	_ =	sdelay $0x1  }
0xa1: {  	s23 =	simm.s32 $0x1B8B  }
0xa2: {  	_ =	swait.ge [sflag:s23], $0x1  }
0xa3: {  	[sflag:s23] =	ssyncset.done $0x0  }
0xa4: {  	s25 =	simm.s32 $0x1B8E;
	s24 =	sld [smem:$0x3FFE];
	[sflag:s23] =	ssyncadd.s32 $0xFFFFFFFF  }
0xa5: {  	s26 =	simm.s32 $execute0_lowered;
	[smem:$0x3FD2] =	sst s25  }
0xa6: {  	s5 =	sshll.u32 s26, $0x1;
	_ =	strace $0x80000049;
	[dreg:$0x1] =	wrdreg $0xFFFFFFFF  }
0xa7: {  	s28 =	simm.s32 $_size_execute0_lowered;
	s3 =	sadd.s32 s3, s5;
	[dreg:$0x0] =	wrdreg $0x0  }
0xa8: {  	s5 =	sshll.u32 s28, $0x1;
	[dreg:$0x2] =	wrdreg s3  }
0xa9: {  	[dreg:$0x3] =	wrdreg s5  }
0xaa: {  	[dreg:$0x4] =	wrdreg $0xC0  }
0xab: {  	_ =	task [dreg:s7], $0x5FFFF  }
0xac: {  	[dreg:$0x1] =	wrdreg $0xFFFFFFFF  }
0xad: {  	[dreg:$0x0] =	wrdreg $0x60  }
0xae: {  	[dreg:$0x2] =	wrdreg s24  }
0xaf: {  	[dreg:$0x3] =	wrdreg s2  }
0xb0: {  	[dreg:$0x4] =	wrdreg $0x96000  }
0xb1: {  	[dreg:$0x5] =	wrdreg $0x1D6000  }
0xb2: {  	[dreg:$0x6] =	wrdreg $0x9  }
0xb3: {  	_ =	task.clear_ibuf [dreg:s7], $0x7FFFF;
	_ =	strace $0x90000049  }
0xb4: {  	s29 =	simm.s32 $0x9;
	_ =	strace $0x8000004B  }
0xb5: {  	_ =	swait.ge [sflag:s29], $0x1  }
0xb6: {  	[sflag:s29] =	ssyncadd.s32 $0xFFFFFFFF  }
0xb7: {  	_ =	strace $0x9000004B  }
0xb8: {  	_ =	sfence  }
0xb9: {  	s30 =	sld [smem:$0x0];
	_ =	sdelay $0x2  }
0xba: {  	s31 =	sshll.u32 s1, $0xD;
	s1 =	sshrl.u32 s1, $0x2  }
0xbb: {  	s3 =	sand.u32 $0x4000, s31;
	s1 =	sadd.s32 s1, s30  }
0xbc: {  	s0 =	sor.u32 s3, s0;
	s1 =	sshll.u32 s1, $0x11  }
0xbd: {  	s0 =	sor.u32 s1, s0  }
0xbe: {  	s0 =	sadd.s32 $0x8F2B, s0  }
0xbf: {  	[sflag:s0] =	ssyncadd.remote.s32 $0x1  }
0xc0: {  	_ =	sfence.sel $0xFFFF  }
0xc1: {  	[dreg:$0x0] =	wrdreg $0xFFFFFFFF;
	(pc) =	sbr.abs _section_cstart, $3  }
0xc2: {  	[dreg:$0x1] =	wrdreg $0xFFFFFFFF  }
0xc3: {  	_ =	task.clear_ibuf [dreg:s7], $0x2FFFF;
	_ =	strace $0x9FFFFFFF  }
0xc4: {  	(tm) =	ssettm $0x7FFFFFFF  }
0xc5: {  	_ =	shalt  }
tec
execute0_lowered:
.L_overlay_start_1:
0x0: {  	(tag) =	ssettag $0x1  }
0x1: {  	s0 =	rddreg [dreg:$0x0]  }
0x2: {  	s3 =	rddreg [dreg:$0x2]  }
0x3: {  	s4 =	rddreg [dreg:$0x3]  }
0x4: {  	s8 =	stileid.u32;
	s2 =	srdreg.scid;
	s5 =	simm.s32 $0x0  }
0x5: {  	s18 =	simm.s32 $0x2800;
	s19 =	simm.s32 $0x5000;
	s20 =	simm.s32 $0x80  }
0x6: {  	s21 =	simm.s32 $0x5200;
	s22 =	simm.s32 $0x5400;
	s28 =	simm.s32 $0x5300  }
0x7: {  	s30 =	simm.s32 $0x2;
	s31 =	simm.s32 $0x7480;
	s1 =	smul.u32 $0x13A0, s8  }
0x8: {  	s2 =	sand.u32 $0x1, s2;
	s7 =	smul.u32 $0x500, s8;
	[smem:$0x7FF] =	sst s5  }
0x9: {  	s11 =	smul.u32 $0x280, s8;
	s6 =	sadd.s32 $0xBA600, s0;
	s23 =	sadd.s32 $0xB9A00, s0  }
0xa: {  	s24 =	sadd.s32 $0xBA000, s0;
	s9 =	sadd.s32 $0x17200, s0;
	s13 =	smul.u32 $0x50000, s8  }
0xb: {  	s29 =	smul.u32 $0x5000, s2;
	_ =	strace $0x8000004A;
	[dreg:$0x5] =	wrdreg s23  }
0xc: {  	s10 =	smul.u32 $0x2800, s2;
	[dreg:$0x6] =	wrdreg s24;
	s12 =	ssub.s32 $0x2, s2  }
0xd: {  	p0 =	seq.s32 s2, $0x1;
	s23 =	simm.s32 $0x7400;
	s24 =	simm.s32 $0x7600  }
0xe: {  	s2 =	simm.s32 $0x0;
	s16 =	sadd.s32 s1, s0;
	s25 =	sshrl.u32 s12, $0x1  }
0xf: {  	s26 =	sshrl.u32 s13, $0x2;
	s1 =	sshll.u32 s8, $0x6;
	s17 =	sadd.s32 s11, s4  }
0x10: {  	s8 =	sor.u32 $0x2710, s8;
	s7 =	sadd.s32 s7, s29;
	s10 =	sadd.s32 s11, s10  }
0x11: {  	s14 =	ssub.s32 s12, s25;
	s15 =	sadd.s32 s26, s3;
	s11 =	sadd.s32 $0x3800, s16  }
0x12: {  	s16 =	simm.s32 $0x3;
	s17 =	sshrl.u32 s17, $0x3;
	s25 =	simm.s32 $0x1  }
0x13: {  	s26 =	simm.s32 $0x5280;
	v1 =	vmov s29;
	s29 =	simm.s32 $0x5380;
	s7 =	sshll.u32 s7, $0x3  }
0x14: {  	s10 =	sshrl.u32 s10, $0x3;
	s14 =	smax.u32 s14, $0x1;
	s7 =	sadd.s32 s7, s0  }
0x15: {  	s0 =	sadd.s32 s10, s0;
	s10 =	sor.u32 $0x1C03, s1;
	s1 =	simm.f32 $2.000000030e-01  }
0x16: {  	vm0 =	vmxor vm0, vm0;
	v3 =	vimm.s32 $0x2800;
	s15 =	sshrl.u32 s15, $0x3;
	s1 =	simm.s32 @!p0 $0x3F800000;
	s12 =	sadd.s32 $0x19A00, s7  }
0x17: {  	vm0 =	vmneg @p0 vm0;
	v0 =	vmov s8;
	s13 =	sadd.s32 $0x69A00, s0;
	s0 =	simm.s32 $0x7500;
	v2 =	vmov s1;
	s1 =	simm.s32 $0x7580  }
.LBB2_1:
0x18: {  	[spmem:s15], [sflag:s10] =	dma.local [hbm:s9], $0x2800  }
0x19: {  	_ =	swait.ge [sflag:s16], $0x2800  }
0x1a: {  	[sflag:s16] =	ssyncset.done $0x0  }
0x1b: {  	[sflag:s16] =	ssyncadd.s32 $0xFFFFD800  }
0x1c: {  	s7 =	rddreg [dreg:$0x1]  }
0x1d: {  	[spmem:s17], [sflag:s10] =	dma.local [hbm:s7], $0x50  }
0x1e: {  	_ =	swait.ge [sflag:s16], $0x50  }
0x1f: {  	[sflag:s16] =	ssyncset.done $0x0  }
0x20: {  	s8 =	rddreg [dreg:$0x5];
	[sflag:s16] =	ssyncadd.s32 $0xFFFFFFB0  }
0x21: {  	[tilespmem:s5], [sflag:$0x3] =	stream.linear.gather [hbm4b:s8+s5], $0x2800, $0x38;
	[tilespmem:$0x1D880] =	vst v63  }
0x22: {  	_ =	swait.ge [sflag:s16], $0x2800  }
0x23: {  	[sflag:s16] =	ssyncset.done $0x0  }
0x24: {  	s8 =	rddreg [dreg:$0x6];
	[sflag:s16] =	ssyncadd.s32 $0xFFFFD800  }
0x25: {  	[tilespmem:s18], [sflag:$0x3] =	stream.linear.gather [hbm4b:s8+s5], $0x2800, $0x38;
	[tilespmem:$0x1D880] =	vst v63  }
0x26: {  	_ =	swait.ge [sflag:s16], $0x2800  }
0x27: {  	[sflag:s16] =	ssyncset.done $0x0  }
0x28: {  	[sflag:s16] =	ssyncadd.s32 $0xFFFFD800  }
0x29: {  	[bflag:$0x0] =	sbarrier.arrive $0xFFFF  }
0x2a: {  	[tilespmem:s19], [sflag:$0x3] =	stream.linear.gather [hbm4b:s11+s5], $0x100, $0x38;
	[tilespmem:$0x1D880] =	vst v63  }
0x2b: {  	_ =	swait.ge [sflag:s16], $0x100  }
0x2c: {  	[sflag:s16] =	ssyncset.done $0x0  }
0x2d: {  	[sflag:s16] =	ssyncadd.s32 $0xFFFFFF00  }
0x2e: {  	v4 =	vld [tilespmem:$0x5000];
	_ =	sdelay $0x3  }
0x2f: {  	v5 =	vld [tilespmem:$0x5080];
	_ =	sdelay $0x3  }
0x30: {  	v6 =	vld.idx.msk [tilespmem:v4+s5+$0x0], $0xffff;
	_ =	sdelay $0x3  }
0x31: {  	v8 =	vld.idx.msk [tilespmem:v5+s18+$0x0], $0xffff  }
0x32: {  	v7 =	vmul.f32 v6, v2;
	_ =	sdelay $0x1  }
0x33: {  	v7 =	vmul.f32 $1.442695020e+00, v7;
	_ =	sdelay $0x1  }
0x34: {  	v6 =	vadd.f32 v8, v6;
	(erf) = vpow2.f32 v7;
	_ =	sdelay $0x1  }
0x35: {  	vm1 =	vgt.f32 v6, $0.0e+00  }
0x36: {  	v42 =	vld [tilespmem:$0x5010];
	v4 =	vadd.s32 v1, v4;
	v6 =	vsel vm1, $0x0, v3  }
0x37: {  	v4 =	vadd.s32 v6, v4  }
0x38: {  	vm1 =	vmxor vm0, vm1;
	[tilespmem:$0x5200] =	vst v4;
	v4 =	vadd.s32 v5, v6  }
0x39: {  	[tilespmem:$0x5280] =	vst v4;
	v4 =	vsel vm1, v5, v0;
	_ =	sdelay $0x1  }
0x3a: {  	v5 =	vld [tilespmem:$0x5090]  }
0x3b: {  	[tilespmem:$0x5300] =	vst v4;
	v4 =	vpop (erf)  }
0x3c: {  	[tilespmem:$0x5380] =	vst v4  }
0x3d: {  	v4 =	vld.idx.msk [tilespmem:v42+s5+$0x0], $0xffff;
	_ =	sdelay $0x4  }
0x3e: {  	v44 =	vld.idx.msk [tilespmem:v5+s18+$0x0], $0xffff;
	v43 =	vmul.f32 v4, v2;
	_ =	sdelay $0x1  }
0x3f: {  	v6 =	vmul.f32 $1.442695020e+00, v43;
	_ =	sdelay $0x1  }
0x40: {  	(erf) = vpow2.f32 v6  }
0x41: {  	v4 =	vadd.f32 v44, v4;
	_ =	sdelay $0x1  }
0x42: {  	v45 =	vld [tilespmem:$0x5020];
	vm1 =	vgt.f32 v4, $0.0e+00  }
0x43: {  	v7 =	vadd.s32 v1, v42;
	v4 =	vsel vm1, $0x0, v3  }
0x44: {  	vm1 =	vmxor vm0, vm1;
	v7 =	vadd.s32 v4, v7;
	v4 =	vadd.s32 v5, v4  }
0x45: {  	[tilespmem:$0x5290] =	vst v4;
	v4 =	vsel vm1, v5, v0;
	_ =	sdelay $0x1  }
0x46: {  	[tilespmem:$0x5210] =	vst v7;
	v5 =	vld [tilespmem:$0x50A0]  }
0x47: {  	[tilespmem:$0x5310] =	vst v4;
	v4 =	vpop (erf)  }
0x48: {  	[tilespmem:$0x5390] =	vst v4  }
0x49: {  	v4 =	vld.idx.msk [tilespmem:v45+s5+$0x0], $0xffff;
	_ =	sdelay $0x4  }
0x4a: {  	v47 =	vld.idx.msk [tilespmem:v5+s18+$0x0], $0xffff;
	v46 =	vmul.f32 v4, v2;
	_ =	sdelay $0x1  }
0x4b: {  	v7 =	vmul.f32 $1.442695020e+00, v46;
	_ =	sdelay $0x1  }
0x4c: {  	(erf) = vpow2.f32 v7  }
0x4d: {  	v4 =	vadd.f32 v47, v4;
	_ =	sdelay $0x1  }
0x4e: {  	v48 =	vld [tilespmem:$0x5030];
	vm1 =	vgt.f32 v4, $0.0e+00  }
0x4f: {  	v6 =	vadd.s32 v1, v45;
	v4 =	vsel vm1, $0x0, v3  }
0x50: {  	vm1 =	vmxor vm0, vm1;
	v6 =	vadd.s32 v4, v6;
	v4 =	vadd.s32 v5, v4  }
0x51: {  	[tilespmem:$0x52A0] =	vst v4;
	v4 =	vsel vm1, v5, v0;
	_ =	sdelay $0x1  }
0x52: {  	[tilespmem:$0x5220] =	vst v6;
	v5 =	vld [tilespmem:$0x50B0]  }
0x53: {  	[tilespmem:$0x5320] =	vst v4;
	v4 =	vpop (erf)  }
0x54: {  	[tilespmem:$0x53A0] =	vst v4  }
0x55: {  	v4 =	vld.idx.msk [tilespmem:v48+s5+$0x0], $0xffff;
	_ =	sdelay $0x4  }
0x56: {  	v50 =	vld.idx.msk [tilespmem:v5+s18+$0x0], $0xffff;
	v49 =	vmul.f32 v4, v2;
	_ =	sdelay $0x1  }
0x57: {  	v6 =	vmul.f32 $1.442695020e+00, v49;
	_ =	sdelay $0x1  }
0x58: {  	(erf) = vpow2.f32 v6  }
0x59: {  	v4 =	vadd.f32 v50, v4;
	_ =	sdelay $0x1  }
0x5a: {  	v51 =	vld [tilespmem:$0x5040];
	vm1 =	vgt.f32 v4, $0.0e+00  }
0x5b: {  	v7 =	vadd.s32 v1, v48;
	v4 =	vsel vm1, $0x0, v3  }
0x5c: {  	vm1 =	vmxor vm0, vm1;
	v7 =	vadd.s32 v4, v7;
	v4 =	vadd.s32 v5, v4  }
0x5d: {  	[tilespmem:$0x52B0] =	vst v4;
	v4 =	vsel vm1, v5, v0;
	_ =	sdelay $0x1  }
0x5e: {  	[tilespmem:$0x5230] =	vst v7;
	v5 =	vld [tilespmem:$0x50C0]  }
0x5f: {  	[tilespmem:$0x5330] =	vst v4;
	v4 =	vpop (erf)  }
0x60: {  	[tilespmem:$0x53B0] =	vst v4  }
0x61: {  	v4 =	vld.idx.msk [tilespmem:v51+s5+$0x0], $0xffff;
	_ =	sdelay $0x4  }
0x62: {  	v53 =	vld.idx.msk [tilespmem:v5+s18+$0x0], $0xffff;
	v52 =	vmul.f32 v4, v2;
	_ =	sdelay $0x1  }
0x63: {  	v7 =	vmul.f32 $1.442695020e+00, v52;
	_ =	sdelay $0x1  }
0x64: {  	(erf) = vpow2.f32 v7  }
0x65: {  	v4 =	vadd.f32 v53, v4;
	_ =	sdelay $0x1  }
0x66: {  	v54 =	vld [tilespmem:$0x5050];
	vm1 =	vgt.f32 v4, $0.0e+00  }
0x67: {  	v6 =	vadd.s32 v1, v51;
	v4 =	vsel vm1, $0x0, v3  }
0x68: {  	vm1 =	vmxor vm0, vm1;
	v6 =	vadd.s32 v4, v6;
	v4 =	vadd.s32 v5, v4  }
0x69: {  	[tilespmem:$0x52C0] =	vst v4;
	v4 =	vsel vm1, v5, v0;
	_ =	sdelay $0x1  }
0x6a: {  	[tilespmem:$0x5240] =	vst v6;
	v5 =	vld [tilespmem:$0x50D0]  }
0x6b: {  	[tilespmem:$0x5340] =	vst v4;
	v4 =	vpop (erf)  }
0x6c: {  	[tilespmem:$0x53C0] =	vst v4  }
0x6d: {  	v4 =	vld.idx.msk [tilespmem:v54+s5+$0x0], $0xffff;
	_ =	sdelay $0x4  }
0x6e: {  	v56 =	vld.idx.msk [tilespmem:v5+s18+$0x0], $0xffff;
	v55 =	vmul.f32 v4, v2;
	_ =	sdelay $0x1  }
0x6f: {  	v6 =	vmul.f32 $1.442695020e+00, v55;
	_ =	sdelay $0x1  }
0x70: {  	(erf) = vpow2.f32 v6  }
0x71: {  	v4 =	vadd.f32 v56, v4;
	_ =	sdelay $0x1  }
0x72: {  	v57 =	vld [tilespmem:$0x5060];
	vm1 =	vgt.f32 v4, $0.0e+00  }
0x73: {  	v7 =	vadd.s32 v1, v54;
	v4 =	vsel vm1, $0x0, v3  }
0x74: {  	vm1 =	vmxor vm0, vm1;
	v7 =	vadd.s32 v4, v7;
	v4 =	vadd.s32 v5, v4  }
0x75: {  	[tilespmem:$0x52D0] =	vst v4;
	v4 =	vsel vm1, v5, v0;
	_ =	sdelay $0x1  }
0x76: {  	[tilespmem:$0x5250] =	vst v7;
	v5 =	vld [tilespmem:$0x50E0]  }
0x77: {  	[tilespmem:$0x5350] =	vst v4;
	v4 =	vpop (erf)  }
0x78: {  	[tilespmem:$0x53D0] =	vst v4  }
0x79: {  	v4 =	vld.idx.msk [tilespmem:v57+s5+$0x0], $0xffff;
	_ =	sdelay $0x4  }
0x7a: {  	v59 =	vld.idx.msk [tilespmem:v5+s18+$0x0], $0xffff;
	v58 =	vmul.f32 v4, v2;
	_ =	sdelay $0x1  }
0x7b: {  	v7 =	vmul.f32 $1.442695020e+00, v58;
	_ =	sdelay $0x1  }
0x7c: {  	(erf) = vpow2.f32 v7  }
0x7d: {  	v4 =	vadd.f32 v59, v4;
	_ =	sdelay $0x1  }
0x7e: {  	v60 =	vld [tilespmem:$0x5070];
	vm1 =	vgt.f32 v4, $0.0e+00  }
0x7f: {  	v6 =	vadd.s32 v1, v57;
	v4 =	vsel vm1, $0x0, v3  }
0x80: {  	vm1 =	vmxor vm0, vm1;
	v6 =	vadd.s32 v4, v6;
	v4 =	vadd.s32 v5, v4  }
0x81: {  	[tilespmem:$0x52E0] =	vst v4;
	v4 =	vsel vm1, v5, v0;
	_ =	sdelay $0x1  }
0x82: {  	[tilespmem:$0x5260] =	vst v6;
	v5 =	vld [tilespmem:$0x50F0]  }
0x83: {  	[tilespmem:$0x5360] =	vst v4;
	v4 =	vpop (erf)  }
0x84: {  	[tilespmem:$0x53E0] =	vst v4  }
0x85: {  	v4 =	vld.idx.msk [tilespmem:v60+s5+$0x0], $0xffff;
	_ =	sdelay $0x4  }
0x86: {  	v62 =	vld.idx.msk [tilespmem:v5+s18+$0x0], $0xffff;
	v61 =	vmul.f32 v4, v2;
	_ =	sdelay $0x1  }
0x87: {  	v6 =	vmul.f32 $1.442695020e+00, v61;
	_ =	sdelay $0x1  }
0x88: {  	(erf) = vpow2.f32 v6  }
0x89: {  	v4 =	vadd.f32 v62, v4;
	_ =	sdelay $0x1  }
0x8a: {  	vm1 =	vgt.f32 v4, $0.0e+00  }
0x8b: {  	v63 =	vadd.s32 v1, v60;
	v4 =	vsel vm1, $0x0, v3  }
0x8c: {  	vm1 =	vmxor vm0, vm1;
	v6 =	vadd.s32 v4, v63;
	v4 =	vadd.s32 v5, v4  }
0x8d: {  	[tilespmem:$0x52F0] =	vst v4;
	v4 =	vsel vm1, v5, v0;
	_ =	sdelay $0x1  }
0x8e: {  	[tilespmem:$0x5270] =	vst v6  }
0x8f: {  	[tilespmem:$0x5370] =	vst v4;
	v4 =	vpop (erf)  }
0x90: {  	s7 =	simm.s32 $0x20;
	[tilespmem:$0x53F0] =	vst v4  }
0x91: {  	[tilespmem:s22], [sflag:$0x1] =	stream.indirect.gather [hbm4b:s6+s20], $0x40, s21, s20, $0xb8;
	[tilespmem:$0x1D880] =	vst v63  }
.LBB2_2:
0x92: {  	s8 =	sadd.s32 s7, s11  }
0x93: {  	[tilespmem:s19], [sflag:$0x3] =	stream.linear.gather [hbm4b:s8+s5], $0x200, $0x38;
	[tilespmem:$0x1D880] =	vst v63  }
0x94: {  	_ =	swait.ge [sflag:s16], $0x200  }
0x95: {  	[sflag:s16] =	ssyncset.done $0x0  }
0x96: {  	[sflag:s16] =	ssyncadd.s32 $0xFFFFFE00  }
0x97: {  	v4 =	vld [tilespmem:$0x5000];
	_ =	sdelay $0x3  }
0x98: {  	v5 =	vld [tilespmem:$0x5080];
	_ =	sdelay $0x3  }
0x99: {  	v6 =	vld.idx.msk [tilespmem:v4+s5+$0x0], $0xffff;
	_ =	sdelay $0x3  }
0x9a: {  	v8 =	vld.idx.msk [tilespmem:v5+s18+$0x0], $0xffff  }
0x9b: {  	v7 =	vmul.f32 v6, v2;
	_ =	sdelay $0x1  }
0x9c: {  	v7 =	vmul.f32 $1.442695020e+00, v7;
	_ =	sdelay $0x1  }
0x9d: {  	v6 =	vadd.f32 v8, v6;
	(erf) = vpow2.f32 v7;
	_ =	sdelay $0x1  }
0x9e: {  	vm1 =	vgt.f32 v6, $0.0e+00  }
0x9f: {  	v17 =	vld [tilespmem:$0x5010];
	v4 =	vadd.s32 v1, v4;
	v6 =	vsel vm1, $0x0, v3  }
0xa0: {  	v4 =	vadd.s32 v6, v4  }
0xa1: {  	vm1 =	vmxor vm0, vm1;
	[tilespmem:$0x7400] =	vst v4;
	v4 =	vadd.s32 v5, v6  }
0xa2: {  	[tilespmem:$0x7480] =	vst v4;
	v4 =	vsel vm1, v5, v0;
	_ =	sdelay $0x1  }
0xa3: {  	v5 =	vld [tilespmem:$0x5090]  }
0xa4: {  	[tilespmem:$0x7500] =	vst v4;
	v4 =	vpop (erf)  }
0xa5: {  	[tilespmem:$0x7580] =	vst v4  }
0xa6: {  	v4 =	vld.idx.msk [tilespmem:v17+s5+$0x0], $0xffff;
	_ =	sdelay $0x4  }
0xa7: {  	v19 =	vld.idx.msk [tilespmem:v5+s18+$0x0], $0xffff;
	v18 =	vmul.f32 v4, v2;
	_ =	sdelay $0x1  }
0xa8: {  	v6 =	vmul.f32 $1.442695020e+00, v18;
	_ =	sdelay $0x1  }
0xa9: {  	(erf) = vpow2.f32 v6  }
0xaa: {  	v4 =	vadd.f32 v19, v4;
	_ =	sdelay $0x1  }
0xab: {  	v20 =	vld [tilespmem:$0x5020];
	vm1 =	vgt.f32 v4, $0.0e+00  }
0xac: {  	v7 =	vadd.s32 v1, v17;
	v4 =	vsel vm1, $0x0, v3  }
0xad: {  	vm1 =	vmxor vm0, vm1;
	v7 =	vadd.s32 v4, v7;
	v4 =	vadd.s32 v5, v4  }
0xae: {  	[tilespmem:$0x7490] =	vst v4;
	v4 =	vsel vm1, v5, v0;
	_ =	sdelay $0x1  }
0xaf: {  	[tilespmem:$0x7410] =	vst v7;
	v5 =	vld [tilespmem:$0x50A0]  }
0xb0: {  	[tilespmem:$0x7510] =	vst v4;
	v4 =	vpop (erf)  }
0xb1: {  	[tilespmem:$0x7590] =	vst v4  }
0xb2: {  	v4 =	vld.idx.msk [tilespmem:v20+s5+$0x0], $0xffff;
	_ =	sdelay $0x4  }
0xb3: {  	v22 =	vld.idx.msk [tilespmem:v5+s18+$0x0], $0xffff;
	v21 =	vmul.f32 v4, v2;
	_ =	sdelay $0x1  }
0xb4: {  	v7 =	vmul.f32 $1.442695020e+00, v21;
	_ =	sdelay $0x1  }
0xb5: {  	(erf) = vpow2.f32 v7  }
0xb6: {  	v4 =	vadd.f32 v22, v4;
	_ =	sdelay $0x1  }
0xb7: {  	v23 =	vld [tilespmem:$0x5030];
	vm1 =	vgt.f32 v4, $0.0e+00  }
0xb8: {  	v6 =	vadd.s32 v1, v20;
	v4 =	vsel vm1, $0x0, v3  }
0xb9: {  	vm1 =	vmxor vm0, vm1;
	v6 =	vadd.s32 v4, v6;
	v4 =	vadd.s32 v5, v4  }
0xba: {  	[tilespmem:$0x74A0] =	vst v4;
	v4 =	vsel vm1, v5, v0;
	_ =	sdelay $0x1  }
0xbb: {  	[tilespmem:$0x7420] =	vst v6;
	v5 =	vld [tilespmem:$0x50B0]  }
0xbc: {  	[tilespmem:$0x7520] =	vst v4;
	v4 =	vpop (erf)  }
0xbd: {  	[tilespmem:$0x75A0] =	vst v4  }
0xbe: {  	v4 =	vld.idx.msk [tilespmem:v23+s5+$0x0], $0xffff;
	_ =	sdelay $0x4  }
0xbf: {  	v25 =	vld.idx.msk [tilespmem:v5+s18+$0x0], $0xffff;
	v24 =	vmul.f32 v4, v2;
	_ =	sdelay $0x1  }
0xc0: {  	v6 =	vmul.f32 $1.442695020e+00, v24;
	_ =	sdelay $0x1  }
0xc1: {  	(erf) = vpow2.f32 v6  }
0xc2: {  	v4 =	vadd.f32 v25, v4;
	_ =	sdelay $0x1  }
0xc3: {  	v26 =	vld [tilespmem:$0x5040];
	vm1 =	vgt.f32 v4, $0.0e+00  }
0xc4: {  	v7 =	vadd.s32 v1, v23;
	v4 =	vsel vm1, $0x0, v3  }
0xc5: {  	vm1 =	vmxor vm0, vm1;
	v7 =	vadd.s32 v4, v7;
	v4 =	vadd.s32 v5, v4  }
0xc6: {  	[tilespmem:$0x74B0] =	vst v4;
	v4 =	vsel vm1, v5, v0;
	_ =	sdelay $0x1  }
0xc7: {  	[tilespmem:$0x7430] =	vst v7;
	v5 =	vld [tilespmem:$0x50C0]  }
0xc8: {  	[tilespmem:$0x7530] =	vst v4;
	v4 =	vpop (erf)  }
0xc9: {  	[tilespmem:$0x75B0] =	vst v4  }
0xca: {  	v4 =	vld.idx.msk [tilespmem:v26+s5+$0x0], $0xffff;
	_ =	sdelay $0x4  }
0xcb: {  	v28 =	vld.idx.msk [tilespmem:v5+s18+$0x0], $0xffff;
	v27 =	vmul.f32 v4, v2;
	_ =	sdelay $0x1  }
0xcc: {  	v7 =	vmul.f32 $1.442695020e+00, v27;
	_ =	sdelay $0x1  }
0xcd: {  	(erf) = vpow2.f32 v7  }
0xce: {  	v4 =	vadd.f32 v28, v4;
	_ =	sdelay $0x1  }
0xcf: {  	v29 =	vld [tilespmem:$0x5050];
	vm1 =	vgt.f32 v4, $0.0e+00  }
0xd0: {  	v6 =	vadd.s32 v1, v26;
	v4 =	vsel vm1, $0x0, v3  }
0xd1: {  	vm1 =	vmxor vm0, vm1;
	v6 =	vadd.s32 v4, v6;
	v4 =	vadd.s32 v5, v4  }
0xd2: {  	[tilespmem:$0x74C0] =	vst v4;
	v4 =	vsel vm1, v5, v0;
	_ =	sdelay $0x1  }
0xd3: {  	[tilespmem:$0x7440] =	vst v6;
	v5 =	vld [tilespmem:$0x50D0]  }
0xd4: {  	[tilespmem:$0x7540] =	vst v4;
	v4 =	vpop (erf)  }
0xd5: {  	[tilespmem:$0x75C0] =	vst v4  }
0xd6: {  	v4 =	vld.idx.msk [tilespmem:v29+s5+$0x0], $0xffff;
	_ =	sdelay $0x4  }
0xd7: {  	v31 =	vld.idx.msk [tilespmem:v5+s18+$0x0], $0xffff;
	v30 =	vmul.f32 v4, v2;
	_ =	sdelay $0x1  }
0xd8: {  	v6 =	vmul.f32 $1.442695020e+00, v30;
	_ =	sdelay $0x1  }
0xd9: {  	(erf) = vpow2.f32 v6  }
0xda: {  	v4 =	vadd.f32 v31, v4;
	_ =	sdelay $0x1  }
0xdb: {  	v32 =	vld [tilespmem:$0x5060];
	vm1 =	vgt.f32 v4, $0.0e+00  }
0xdc: {  	v7 =	vadd.s32 v1, v29;
	v4 =	vsel vm1, $0x0, v3  }
0xdd: {  	vm1 =	vmxor vm0, vm1;
	v7 =	vadd.s32 v4, v7;
	v4 =	vadd.s32 v5, v4  }
0xde: {  	[tilespmem:$0x74D0] =	vst v4;
	v4 =	vsel vm1, v5, v0;
	_ =	sdelay $0x1  }
0xdf: {  	[tilespmem:$0x7450] =	vst v7;
	v5 =	vld [tilespmem:$0x50E0]  }
0xe0: {  	[tilespmem:$0x7550] =	vst v4;
	v4 =	vpop (erf)  }
0xe1: {  	[tilespmem:$0x75D0] =	vst v4  }
0xe2: {  	v4 =	vld.idx.msk [tilespmem:v32+s5+$0x0], $0xffff;
	_ =	sdelay $0x4  }
0xe3: {  	v34 =	vld.idx.msk [tilespmem:v5+s18+$0x0], $0xffff;
	v33 =	vmul.f32 v4, v2;
	_ =	sdelay $0x1  }
0xe4: {  	v7 =	vmul.f32 $1.442695020e+00, v33;
	_ =	sdelay $0x1  }
0xe5: {  	(erf) = vpow2.f32 v7  }
0xe6: {  	v4 =	vadd.f32 v34, v4;
	_ =	sdelay $0x1  }
0xe7: {  	v35 =	vld [tilespmem:$0x5070];
	vm1 =	vgt.f32 v4, $0.0e+00  }
0xe8: {  	v6 =	vadd.s32 v1, v32;
	v4 =	vsel vm1, $0x0, v3  }
0xe9: {  	vm1 =	vmxor vm0, vm1;
	v6 =	vadd.s32 v4, v6;
	v4 =	vadd.s32 v5, v4  }
0xea: {  	[tilespmem:$0x74E0] =	vst v4;
	v4 =	vsel vm1, v5, v0;
	_ =	sdelay $0x1  }
0xeb: {  	[tilespmem:$0x7460] =	vst v6;
	v5 =	vld [tilespmem:$0x50F0]  }
0xec: {  	[tilespmem:$0x7560] =	vst v4;
	v4 =	vpop (erf)  }
0xed: {  	[tilespmem:$0x75E0] =	vst v4  }
0xee: {  	v4 =	vld.idx.msk [tilespmem:v35+s5+$0x0], $0xffff;
	_ =	sdelay $0x4  }
0xef: {  	v37 =	vld.idx.msk [tilespmem:v5+s18+$0x0], $0xffff;
	v36 =	vmul.f32 v4, v2;
	_ =	sdelay $0x1  }
0xf0: {  	v6 =	vmul.f32 $1.442695020e+00, v36;
	_ =	sdelay $0x1  }
0xf1: {  	(erf) = vpow2.f32 v6  }
0xf2: {  	v4 =	vadd.f32 v37, v4;
	_ =	sdelay $0x1  }
0xf3: {  	vm1 =	vgt.f32 v4, $0.0e+00  }
0xf4: {  	v38 =	vadd.s32 v1, v35;
	v4 =	vsel vm1, $0x0, v3  }
0xf5: {  	vm1 =	vmxor vm0, vm1;
	v6 =	vadd.s32 v4, v38;
	v4 =	vadd.s32 v5, v4  }
0xf6: {  	[tilespmem:$0x74F0] =	vst v4;
	v4 =	vsel vm1, v5, v0;
	_ =	sdelay $0x1  }
0xf7: {  	[tilespmem:$0x7470] =	vst v6  }
0xf8: {  	[tilespmem:$0x7570] =	vst v4;
	v4 =	vpop (erf)  }
0xf9: {  	[tilespmem:$0x75F0] =	vst v4  }
0xfa: {  	[tilespmem:s24], [sflag:$0x2] =	stream.indirect.gather [hbm4b:s6+s20], $0x40, s23, s20, $0xb8;
	[tilespmem:$0x1D880] =	vst v63  }
0xfb: {  	_ =	swait.ge [sflag:s25], $0x2000  }
0xfc: {  	[sflag:s25] =	ssyncset.done $0x0  }
0xfd: {  	[sflag:s25] =	ssyncadd.s32 $0xFFFFE000  }
0xfe: {  	[spmem:s3] =	stream.indirect.scatter.add.f32 [tilespmem:s22], [sflag:$0x3], $0x40, s26, s20, $0xb8;
	[tilespmem:$0x1D880] =	vst v63  }
0xff: {  	_ =	swait.ge [sflag:s16], $0x2000  }
0x100: {  	[sflag:s16] =	ssyncset.done $0x0  }
0x101: {  	[sflag:s16] =	ssyncadd.s32 $0xFFFFE000  }
0x102: {  	[spmem:s4] =	stream.indirect.scatter.add.f32 [tilespmem:s29], [sflag:$0x3], $0x1, s28, s20, $0xb8;
	[tilespmem:$0x1D880] =	vst v63  }
0x103: {  	_ =	swait.ge [sflag:s16], $0x80  }
0x104: {  	[sflag:s16] =	ssyncset.done $0x0  }
0x105: {  	[sflag:s16] =	ssyncadd.s32 $0xFFFFFF80  }
0x106: {  	v4 =	vld [tilespmem:$0x5100];
	_ =	sdelay $0x3  }
0x107: {  	v5 =	vld [tilespmem:$0x5180];
	_ =	sdelay $0x3  }
0x108: {  	v39 =	vld.idx.msk [tilespmem:v4+s5+$0x0], $0xffff;
	_ =	sdelay $0x3  }
0x109: {  	v41 =	vld.idx.msk [tilespmem:v5+s18+$0x0], $0xffff  }
0x10a: {  	v40 =	vmul.f32 v39, v2;
	_ =	sdelay $0x1  }
0x10b: {  	v7 =	vmul.f32 $1.442695020e+00, v40;
	_ =	sdelay $0x1  }
0x10c: {  	v6 =	vadd.f32 v41, v39;
	(erf) = vpow2.f32 v7;
	_ =	sdelay $0x1  }
0x10d: {  	vm1 =	vgt.f32 v6, $0.0e+00  }
0x10e: {  	v42 =	vld [tilespmem:$0x5110];
	v4 =	vadd.s32 v1, v4;
	v6 =	vsel vm1, $0x0, v3  }
0x10f: {  	v4 =	vadd.s32 v6, v4  }
0x110: {  	vm1 =	vmxor vm0, vm1;
	[tilespmem:$0x5200] =	vst v4;
	v4 =	vadd.s32 v5, v6  }
0x111: {  	[tilespmem:$0x5280] =	vst v4;
	v4 =	vsel vm1, v5, v0;
	_ =	sdelay $0x1  }
0x112: {  	v5 =	vld [tilespmem:$0x5190]  }
0x113: {  	[tilespmem:$0x5300] =	vst v4;
	v4 =	vpop (erf)  }
0x114: {  	[tilespmem:$0x5380] =	vst v4  }
0x115: {  	v4 =	vld.idx.msk [tilespmem:v42+s5+$0x0], $0xffff;
	_ =	sdelay $0x4  }
0x116: {  	v44 =	vld.idx.msk [tilespmem:v5+s18+$0x0], $0xffff;
	v43 =	vmul.f32 v4, v2;
	_ =	sdelay $0x1  }
0x117: {  	v6 =	vmul.f32 $1.442695020e+00, v43;
	_ =	sdelay $0x1  }
0x118: {  	(erf) = vpow2.f32 v6  }
0x119: {  	v4 =	vadd.f32 v44, v4;
	_ =	sdelay $0x1  }
0x11a: {  	v45 =	vld [tilespmem:$0x5120];
	vm1 =	vgt.f32 v4, $0.0e+00  }
0x11b: {  	v7 =	vadd.s32 v1, v42;
	v4 =	vsel vm1, $0x0, v3  }
0x11c: {  	vm1 =	vmxor vm0, vm1;
	v7 =	vadd.s32 v4, v7;
	v4 =	vadd.s32 v5, v4  }
0x11d: {  	[tilespmem:$0x5290] =	vst v4;
	v4 =	vsel vm1, v5, v0;
	_ =	sdelay $0x1  }
0x11e: {  	[tilespmem:$0x5210] =	vst v7;
	v5 =	vld [tilespmem:$0x51A0]  }
0x11f: {  	[tilespmem:$0x5310] =	vst v4;
	v4 =	vpop (erf)  }
0x120: {  	[tilespmem:$0x5390] =	vst v4  }
0x121: {  	v4 =	vld.idx.msk [tilespmem:v45+s5+$0x0], $0xffff;
	_ =	sdelay $0x4  }
0x122: {  	v47 =	vld.idx.msk [tilespmem:v5+s18+$0x0], $0xffff;
	v46 =	vmul.f32 v4, v2;
	_ =	sdelay $0x1  }
0x123: {  	v7 =	vmul.f32 $1.442695020e+00, v46;
	_ =	sdelay $0x1  }
0x124: {  	(erf) = vpow2.f32 v7  }
0x125: {  	v4 =	vadd.f32 v47, v4;
	_ =	sdelay $0x1  }
0x126: {  	v48 =	vld [tilespmem:$0x5130];
	vm1 =	vgt.f32 v4, $0.0e+00  }
0x127: {  	v6 =	vadd.s32 v1, v45;
	v4 =	vsel vm1, $0x0, v3  }
0x128: {  	vm1 =	vmxor vm0, vm1;
	v6 =	vadd.s32 v4, v6;
	v4 =	vadd.s32 v5, v4  }
0x129: {  	[tilespmem:$0x52A0] =	vst v4;
	v4 =	vsel vm1, v5, v0;
	_ =	sdelay $0x1  }
0x12a: {  	[tilespmem:$0x5220] =	vst v6;
	v5 =	vld [tilespmem:$0x51B0]  }
0x12b: {  	[tilespmem:$0x5320] =	vst v4;
	v4 =	vpop (erf)  }
0x12c: {  	[tilespmem:$0x53A0] =	vst v4  }
0x12d: {  	v4 =	vld.idx.msk [tilespmem:v48+s5+$0x0], $0xffff;
	_ =	sdelay $0x4  }
0x12e: {  	v50 =	vld.idx.msk [tilespmem:v5+s18+$0x0], $0xffff;
	v49 =	vmul.f32 v4, v2;
	_ =	sdelay $0x1  }
0x12f: {  	v6 =	vmul.f32 $1.442695020e+00, v49;
	_ =	sdelay $0x1  }
0x130: {  	(erf) = vpow2.f32 v6  }
0x131: {  	v4 =	vadd.f32 v50, v4;
	_ =	sdelay $0x1  }
0x132: {  	v51 =	vld [tilespmem:$0x5140];
	vm1 =	vgt.f32 v4, $0.0e+00  }
0x133: {  	v7 =	vadd.s32 v1, v48;
	v4 =	vsel vm1, $0x0, v3  }
0x134: {  	vm1 =	vmxor vm0, vm1;
	v7 =	vadd.s32 v4, v7;
	v4 =	vadd.s32 v5, v4  }
0x135: {  	[tilespmem:$0x52B0] =	vst v4;
	v4 =	vsel vm1, v5, v0;
	_ =	sdelay $0x1  }
0x136: {  	[tilespmem:$0x5230] =	vst v7;
	v5 =	vld [tilespmem:$0x51C0]  }
0x137: {  	[tilespmem:$0x5330] =	vst v4;
	v4 =	vpop (erf)  }
0x138: {  	[tilespmem:$0x53B0] =	vst v4  }
0x139: {  	v4 =	vld.idx.msk [tilespmem:v51+s5+$0x0], $0xffff;
	_ =	sdelay $0x4  }
0x13a: {  	v53 =	vld.idx.msk [tilespmem:v5+s18+$0x0], $0xffff;
	v52 =	vmul.f32 v4, v2;
	_ =	sdelay $0x1  }
0x13b: {  	v7 =	vmul.f32 $1.442695020e+00, v52;
	_ =	sdelay $0x1  }
0x13c: {  	(erf) = vpow2.f32 v7  }
0x13d: {  	v4 =	vadd.f32 v53, v4;
	_ =	sdelay $0x1  }
0x13e: {  	v54 =	vld [tilespmem:$0x5150];
	vm1 =	vgt.f32 v4, $0.0e+00  }
0x13f: {  	v6 =	vadd.s32 v1, v51;
	v4 =	vsel vm1, $0x0, v3  }
0x140: {  	vm1 =	vmxor vm0, vm1;
	v6 =	vadd.s32 v4, v6;
	v4 =	vadd.s32 v5, v4  }
0x141: {  	[tilespmem:$0x52C0] =	vst v4;
	v4 =	vsel vm1, v5, v0;
	_ =	sdelay $0x1  }
0x142: {  	[tilespmem:$0x5240] =	vst v6;
	v5 =	vld [tilespmem:$0x51D0]  }
0x143: {  	[tilespmem:$0x5340] =	vst v4;
	v4 =	vpop (erf)  }
0x144: {  	[tilespmem:$0x53C0] =	vst v4  }
0x145: {  	v4 =	vld.idx.msk [tilespmem:v54+s5+$0x0], $0xffff;
	_ =	sdelay $0x4  }
0x146: {  	v56 =	vld.idx.msk [tilespmem:v5+s18+$0x0], $0xffff;
	v55 =	vmul.f32 v4, v2;
	_ =	sdelay $0x1  }
0x147: {  	v6 =	vmul.f32 $1.442695020e+00, v55;
	_ =	sdelay $0x1  }
0x148: {  	(erf) = vpow2.f32 v6  }
0x149: {  	v4 =	vadd.f32 v56, v4;
	_ =	sdelay $0x1  }
0x14a: {  	v57 =	vld [tilespmem:$0x5160];
	vm1 =	vgt.f32 v4, $0.0e+00  }
0x14b: {  	v7 =	vadd.s32 v1, v54;
	v4 =	vsel vm1, $0x0, v3  }
0x14c: {  	vm1 =	vmxor vm0, vm1;
	v7 =	vadd.s32 v4, v7;
	v4 =	vadd.s32 v5, v4  }
0x14d: {  	[tilespmem:$0x52D0] =	vst v4;
	v4 =	vsel vm1, v5, v0;
	_ =	sdelay $0x1  }
0x14e: {  	[tilespmem:$0x5250] =	vst v7;
	v5 =	vld [tilespmem:$0x51E0]  }
0x14f: {  	[tilespmem:$0x5350] =	vst v4;
	v4 =	vpop (erf)  }
0x150: {  	[tilespmem:$0x53D0] =	vst v4  }
0x151: {  	v4 =	vld.idx.msk [tilespmem:v57+s5+$0x0], $0xffff;
	_ =	sdelay $0x4  }
0x152: {  	v59 =	vld.idx.msk [tilespmem:v5+s18+$0x0], $0xffff;
	v58 =	vmul.f32 v4, v2;
	_ =	sdelay $0x1  }
0x153: {  	v7 =	vmul.f32 $1.442695020e+00, v58;
	_ =	sdelay $0x1  }
0x154: {  	(erf) = vpow2.f32 v7  }
0x155: {  	v4 =	vadd.f32 v59, v4;
	_ =	sdelay $0x1  }
0x156: {  	v60 =	vld [tilespmem:$0x5170];
	vm1 =	vgt.f32 v4, $0.0e+00  }
0x157: {  	v6 =	vadd.s32 v1, v57;
	v4 =	vsel vm1, $0x0, v3  }
0x158: {  	vm1 =	vmxor vm0, vm1;
	v6 =	vadd.s32 v4, v6;
	v4 =	vadd.s32 v5, v4  }
0x159: {  	[tilespmem:$0x52E0] =	vst v4;
	v4 =	vsel vm1, v5, v0;
	_ =	sdelay $0x1  }
0x15a: {  	[tilespmem:$0x5260] =	vst v6;
	v5 =	vld [tilespmem:$0x51F0]  }
0x15b: {  	[tilespmem:$0x5360] =	vst v4;
	v4 =	vpop (erf)  }
0x15c: {  	[tilespmem:$0x53E0] =	vst v4  }
0x15d: {  	v4 =	vld.idx.msk [tilespmem:v60+s5+$0x0], $0xffff;
	_ =	sdelay $0x4  }
0x15e: {  	v62 =	vld.idx.msk [tilespmem:v5+s18+$0x0], $0xffff;
	v61 =	vmul.f32 v4, v2;
	_ =	sdelay $0x1  }
0x15f: {  	v6 =	vmul.f32 $1.442695020e+00, v61;
	_ =	sdelay $0x1  }
0x160: {  	(erf) = vpow2.f32 v6  }
0x161: {  	v4 =	vadd.f32 v62, v4;
	_ =	sdelay $0x1  }
0x162: {  	vm1 =	vgt.f32 v4, $0.0e+00  }
0x163: {  	v63 =	vadd.s32 v1, v60;
	v4 =	vsel vm1, $0x0, v3  }
0x164: {  	vm1 =	vmxor vm0, vm1;
	v6 =	vadd.s32 v4, v63;
	v4 =	vadd.s32 v5, v4  }
0x165: {  	[tilespmem:$0x52F0] =	vst v4;
	v4 =	vsel vm1, v5, v0;
	_ =	sdelay $0x1  }
0x166: {  	[tilespmem:$0x5270] =	vst v6  }
0x167: {  	[tilespmem:$0x5370] =	vst v4;
	v4 =	vpop (erf)  }
0x168: {  	[tilespmem:$0x53F0] =	vst v4  }
0x169: {  	[tilespmem:s22], [sflag:$0x1] =	stream.indirect.gather [hbm4b:s6+s20], $0x40, s21, s20, $0xb8;
	[tilespmem:$0x1D880] =	vst v63  }
0x16a: {  	_ =	swait.ge [sflag:s30], $0x2000  }
0x16b: {  	[sflag:s30] =	ssyncset.done $0x0  }
0x16c: {  	[sflag:s30] =	ssyncadd.s32 $0xFFFFE000  }
0x16d: {  	[spmem:s3] =	stream.indirect.scatter.add.f32 [tilespmem:s24], [sflag:$0x3], $0x40, s31, s20, $0xb8;
	[tilespmem:$0x1D880] =	vst v63  }
0x16e: {  	_ =	swait.ge [sflag:s16], $0x2000  }
0x16f: {  	p0 =	sne.s32 s7, $0x1360;
	[sflag:s16] =	ssyncset.done $0x0  }
.Ltmp0:
0x170: {  	[sflag:s16] =	ssyncadd.s32 $0xFFFFE000;
	(pc) =	sbr.rel @p0 .LBB2_2-.Ltmp0, $4  }
0x171: {  	[spmem:s4] =	stream.indirect.scatter.add.f32 [tilespmem:s1], [sflag:$0x3], $0x1, s0, s20, $0xb8;
	[tilespmem:$0x1D880] =	vst v63  }
0x172: {  	_ =	swait.ge [sflag:s16], $0x80  }
0x173: {  	[sflag:s16] =	ssyncset.done $0x0  }
0x174: {  	s7 =	sadd.s32 $0x40, s7;
	[sflag:s16] =	ssyncadd.s32 $0xFFFFFF80  }
0x175: {  	_ =	swait.ge [sflag:s25], $0x2000  }
0x176: {  	[sflag:s25] =	ssyncset.done $0x0  }
0x177: {  	[sflag:s25] =	ssyncadd.s32 $0xFFFFE000  }
0x178: {  	[spmem:s3] =	stream.indirect.scatter.add.f32 [tilespmem:s22], [sflag:$0x3], $0x40, s26, s20, $0xb8;
	[tilespmem:$0x1D880] =	vst v63  }
0x179: {  	_ =	swait.ge [sflag:s16], $0x2000  }
0x17a: {  	[sflag:s16] =	ssyncset.done $0x0  }
0x17b: {  	[sflag:s16] =	ssyncadd.s32 $0xFFFFE000  }
0x17c: {  	[spmem:s4] =	stream.indirect.scatter.add.f32 [tilespmem:s29], [sflag:$0x3], $0x1, s28, s20, $0xb8;
	[tilespmem:$0x1D880] =	vst v63  }
0x17d: {  	_ =	swait.ge [sflag:s16], $0x80  }
0x17e: {  	[sflag:s16] =	ssyncset.done $0x0  }
0x17f: {  	[sflag:s16] =	ssyncadd.s32 $0xFFFFFF80  }
0x180: {  	[bflag:$0x0] =	sbarrier.arrive $0xFFFF  }
0x181: {  	[hbm:s12], [sflag:s10] =	dma.local [spmem:s15], $0x2800  }
0x182: {  	s2 =	sadd.s32 $0x1, s2;
	_ =	swait.ge [sflag:s16], $0x2800  }
0x183: {  	p0 =	sne.s32 s2, s14;
	[sflag:s16] =	ssyncset.done $0x0  }
.Ltmp1:
0x184: {  	[sflag:s16] =	ssyncadd.s32 $0xFFFFD800;
	(pc) =	sbr.rel @p0 .LBB2_1-.Ltmp1, $4  }
0x185: {  	[hbm:s13], [sflag:s10] =	dma.local [spmem:s17], $0x50  }
0x186: {  	_ =	swait.ge [sflag:s16], $0x50  }
0x187: {  	[sflag:s16] =	ssyncset.done $0x0  }
0x188: {  	[sflag:s16] =	ssyncadd.s32 $0xFFFFFFB0  }
0x189: {  	_ =	sfence.sel $0x180000  }
0x18a: {  	[bflag:$0x0] =	sbarrier.arrive $0xFFFF  }
0x18b: {  	_ =	strace $0x9000004A  }
0x18c: {  	s0 =	stileid.u32;
	[bflag:$0x2] =	sbarrier.arrive $0xFFFF  }
0x18d: {  	p0 =	sne.s32 s0, $0x0;
	s0 =	rddreg [dreg:$0x4]  }
0x18e: {  	s0 =	sadd.s32 @!p0 $0x100000, s0  }
0x18f: {  	[sflag:s0] =	ssyncadd.tile.s32 @!p0 $0x1;
	_ =	shalt  }
.Lfunc_end2:
_tile_overlayer_lowered:
.L_overlay_start_2:
0x190: {  	(tag) =	ssettag $0x2  }
0x191: {  	s0 =	rddreg [dreg:$0x0];
	s2 =	stileid.u32  }
0x192: {  	s1 =	rddreg [dreg:$0x1];
	p0 =	sne.s32 s2, $0x0  }
0x193: {  	s3 =	rddreg [dreg:$0x2];
	[bflag:$0x3] =	sbarrier.arrive $0xFFFF;
	s2 =	simm.s32 @!p0 $0x1C03  }
0x194: {  	[timem:s3], [sflag:s2] =	dma.local @!p0 [hbm:s0], s1  }
0x195: {  	s0 =	simm.s32 @!p0 $0x3  }
0x196: {  	_ =	swait.ge @!p0 [sflag:s0], s1  }
0x197: {  	s1 =	ssub.s32 @!p0 $0x0, s1;
	[sflag:s0] =	ssyncset.done @!p0 $0x0  }
0x198: {  	[sflag:s0] =	ssyncadd.s32 @!p0 s1  }
0x199: {  	[bflag:$0x3] =	sbarrier.arrive $0xFFFF  }
0x19a: {  	_ =	shalt  }

// kernel: kernel.9.cloned.1.call-start
scs
__scs_entry_jumppad:
0x0: {  	(pc) =	sbr.rel $0x88, $3  }
0x1: {  	(tag) =	ssettag $0x0;
	lr =	simm.s32 $0x1  }
0x2: {  	[smem:$0x3F94] =	sst lr;
	_ =	strace $0xD0000000  }
0x3: {  	_ = 	snop  }
0x4: {  	_ = 	snop  }
0x5: {  	_ = 	snop  }
0x6: {  	_ = 	snop  }
0x7: {  	_ = 	snop  }
__scs_overlays_trampoline_lowered:
0x8: {  	[smem:$0x3FA3] =	sst s0  }
0x9: {  	[smem:$0x3FA4] =	sst s1  }
0xa: {  	[smem:$0x3FA5] =	sst s2  }
0xb: {  	[smem:$0x3FA6] =	sst s3  }
0xc: {  	[smem:$0x3FA7] =	sst s4  }
0xd: {  	[smem:$0x3FA8] =	sst s5  }
0xe: {  	[smem:$0x3FA9] =	sst s6  }
0xf: {  	[smem:$0x3FAA] =	sst s7  }
0x10: {  	[smem:$0x3FAB] =	sst s8  }
0x11: {  	[smem:$0x3FAC] =	sst s9;
	s0 =	simm.s32 @!p0 $0x0  }
0x12: {  	s1 =	sld [smem:$0x3F92];
	s0 =	simm.s32 @p0 $0x1  }
0x13: {  	[smem:$0x3FAD] =	sst s0;
	s0 =	simm.s32 @!p1 $0x0  }
0x14: {  	s2 =	sld [smem:$0x3F91];
	s0 =	simm.s32 @p1 $0x1  }
0x15: {  	[smem:$0x3FAE] =	sst s0;
	s0 =	simm.s32 @!p2 $0x0  }
0x16: {  	s3 =	sld [smem:$0x3FDB];
	s0 =	simm.s32 @p2 $0x1  }
0x17: {  	s4 =	simm.s32 $0x1BF5;
	[smem:$0x3FB0] =	sst s0  }
0x18: {  	s0 =	sld [smem:$0x3F93];
	_ =	swait.ge [sflag:s4], $0x0  }
0x19: {  	s7 =	sld [smem:$0x3F94]  }
0x1a: {  	s8 =	sadd.s32 $0xFFFFE003, lr  }
0x1b: {  	s9 =	sadd.s32 $0xFFFFFEF7, lr;
	s5 =	simm.s32 $0xFFFFFFFF;
	p2 =	slt.u32 s8, $0xFFFFF086  }
0x1c: {  	p1 =	slt.u32 s9, $0xF7A;
	s5 =	simm.s32 @!p2 $0x0  }
0x1d: {  	s5 =	simm.s32 @p1 $0x1;
	p0 =	seq.s32 s7, s2  }
0x1e: {  	s7 =	smul.u32 @!p0 $0xF7A, s2;
	p2 =	seq.s32 @!p0 s5, $0x0  }
0x1f: {  	s9 =	smul.u32 $0xF7A, s1;
	s8 =	simm.s32 @!p0 $0x1BF5;
	p2 =	por !p2, p0  }
0x20: {  	[sflag:s8] =	ssyncset.s32 @!p0 $0xFFFFF086;
	s6 =	sadd.s32 @!p0 s3, s7;
	s7 =	simm.s32 @!p0 $0x108  }
0x21: {  	s3 =	sadd.s32 s3, s9;
	s6 =	sadd.s32 @!p0 $0x88, s6;
	s7 =	simm.s32 @p2 $0x1082  }
0x22: {  	[simem:s7], [sflag:s8] =	dma.local @!p0 [hbm:s6], $0xF7A  }
0x23: {  	s9 =	sor.u32 $0xD0000000, s2;
	s6 =	simm.s32 $0x108;
	_ =	swait.ge @!p0 [sflag:s8], $0x0  }
0x24: {  	s3 =	sadd.s32 $0x88, s3;
	s6 =	simm.s32 @!p1 $0x1082;
	[sflag:s4] =	ssyncset.s32 $0xFFFFF086  }
0x25: {  	[simem:s6], [sflag:s4] =	dma.local [hbm:s3], $0xF7A  }
0x26: {  	[smem:$0x3F94] =	sst s1;
	(tag) =	ssettag s2;
	_ =	strace s9  }
0x27: {  	s1 =	sld [smem:$0x3FA4]  }
0x28: {  	s2 =	sld [smem:$0x3FA5]  }
0x29: {  	s4 =	sld [smem:$0x3FA7]  }
0x2a: {  	p0 =	seq.s32 s5, $0x0;
	s5 =	sld [smem:$0x3FA8]  }
0x2b: {  	s6 =	sld [smem:$0x3FA9]  }
0x2c: {  	s7 =	sld [smem:$0x3FAA]  }
0x2d: {  	s3 =	simm.s32 $0x108;
	s8 =	sld [smem:$0x3FAB]  }
0x2e: {  	s3 =	simm.s32 @!p0 $0x1082;
	s9 =	sld [smem:$0x3FAC]  }
0x2f: {  	lr =	sadd.s32 s0, s3;
	s0 =	sld [smem:$0x3FA3]  }
0x30: {  	s3 =	sld [smem:$0x3FA6]  }
0x31: {  	[smem:$0x3FAF] =	sst s10  }
0x32: {  	s10 =	sld [smem:$0x3FAD];
	_ =	sdelay $0x3  }
0x33: {  	p0 =	seq.s32 s10, $0x1;
	s10 =	sld [smem:$0x3FAF];
	_ =	sdelay $0x3  }
0x34: {  	[smem:$0x3FAF] =	sst s10  }
0x35: {  	s10 =	sld [smem:$0x3FAE];
	_ =	sdelay $0x3  }
0x36: {  	p1 =	seq.s32 s10, $0x1;
	s10 =	sld [smem:$0x3FAF];
	_ =	sdelay $0x3  }
0x37: {  	[smem:$0x3FAF] =	sst s10  }
0x38: {  	s10 =	sld [smem:$0x3FB0]  }
0x39: {  	_ = 	snop;
	(pc) =	sbr.ind lr, $3  }
0x3a: {  	_ = 	snop  }
0x3b: {  	_ = 	snop  }
0x3c: {  	p2 =	seq.s32 s10, $0x1;
	s10 =	sld [smem:$0x3FAF]  }
0x3d: {  	_ =	shalt  }
0x3e: {  	_ =	shalt  }
0x3f: {  	_ =	shalt  }
0x40: {  	_ =	shalt  }
0x41: {  	_ =	shalt  }
0x42: {  	_ =	shalt  }
0x43: {  	_ =	shalt  }
0x44: {  	_ =	shalt  }
0x45: {  	_ =	shalt  }
0x46: {  	_ =	shalt  }
0x47: {  	_ =	shalt  }
0x48: {  	_ =	shalt  }
0x49: {  	_ =	shalt  }
0x4a: {  	_ =	shalt  }
0x4b: {  	_ =	shalt  }
0x4c: {  	_ =	shalt  }
0x4d: {  	_ =	shalt  }
0x4e: {  	_ =	shalt  }
0x4f: {  	_ =	shalt  }
0x50: {  	_ =	shalt  }
0x51: {  	_ =	shalt  }
0x52: {  	_ =	shalt  }
0x53: {  	_ =	shalt  }
0x54: {  	_ =	shalt  }
0x55: {  	_ =	shalt  }
0x56: {  	_ =	shalt  }
0x57: {  	_ =	shalt  }
0x58: {  	_ =	shalt  }
0x59: {  	_ =	shalt  }
0x5a: {  	_ =	shalt  }
0x5b: {  	_ =	shalt  }
0x5c: {  	_ =	shalt  }
0x5d: {  	_ =	shalt  }
0x5e: {  	_ =	shalt  }
0x5f: {  	_ =	shalt  }
0x60: {  	_ =	shalt  }
0x61: {  	_ =	shalt  }
0x62: {  	_ =	shalt  }
0x63: {  	_ =	shalt  }
0x64: {  	_ =	shalt  }
0x65: {  	_ =	shalt  }
0x66: {  	_ =	shalt  }
0x67: {  	_ =	shalt  }
0x68: {  	_ =	shalt  }
0x69: {  	_ =	shalt  }
0x6a: {  	_ =	shalt  }
0x6b: {  	_ =	shalt  }
0x6c: {  	_ =	shalt  }
0x6d: {  	_ =	shalt  }
0x6e: {  	_ =	shalt  }
0x6f: {  	_ =	shalt  }
0x70: {  	_ =	shalt  }
0x71: {  	_ =	shalt  }
0x72: {  	_ =	shalt  }
0x73: {  	_ =	shalt  }
0x74: {  	_ =	shalt  }
0x75: {  	_ =	shalt  }
0x76: {  	_ =	shalt  }
0x77: {  	_ =	shalt  }
0x78: {  	_ =	shalt  }
0x79: {  	_ =	shalt  }
0x7a: {  	_ =	shalt  }
0x7b: {  	_ =	shalt  }
0x7c: {  	_ =	shalt  }
0x7d: {  	_ =	shalt  }
0x7e: {  	_ =	shalt  }
0x7f: {  	_ =	shalt  }
0x80: {  	_ =	shalt  }
0x81: {  	_ =	shalt  }
0x82: {  	_ =	shalt  }
0x83: {  	_ =	shalt  }
0x84: {  	_ =	shalt  }
0x85: {  	_ =	shalt  }
0x86: {  	_ =	shalt  }
0x87: {  	_ =	shalt  }
.Lfunc_end0:
.L_simem_size_0:
called_computation_lowered:
.L_overlay_start_0:
0x88: {  	s2 =	sld [smem:$0x3FD9]  }
0x89: {  	s3 =	sld [smem:$0x3FFE];
	_ =	sdelay $0x1  }
0x8a: {  	s1 =	srdreg.scid  }
0x8b: {  	s0 =	sand.u32 $0x1, s1  }
0x8c: {  	s17 =	sshll.u32 s0, $0xA;
	s2 =	sadd.s32 s3, s2  }
0x8d: {  	s2 =	sadd.s32 s2, s17  }
0x8e: {  	[smem:$0x3FBB] =	sst s2  }
0x8f: {  	_ = 	snop  }
0x90: {  	s2 =	sld [smem:$0x3FD0];
	(tm) =	ssettm $0x1  }
0x91: {  	s18 =	sld [smem:$0x3FFB];
	_ =	sdelay $0x3  }
0x92: {  	_ =	strace s18  }
0x93: {  	s3 =	sld [smem:$0x3FFC];
	_ =	sdelay $0x3  }
0x94: {  	_ =	strace s3  }
0x95: {  	s3 =	sld [smem:$0x3FFD];
	_ =	sdelay $0x3  }
0x96: {  	_ =	strace s3  }
0x97: {  	_ =	strace $0x8FFFFFFF  }
0x98: {  	s19 =	sld [smem:$0x3FDB];
	_ =	sdelay $0x1  }
0x99: {  	s4 =	simm.s32 $_scs_section_size  }
0x9a: {  	s5 =	simm.s32 $_size__tile_overlayer_lowered;
	s6 =	simm.s32 $_tile_overlayer_lowered  }
0x9b: {  	s22 =	simm.s32 $0x1BFF;
	s21 =	sshll.u32 s6, $0x1;
	s3 =	sadd.s32 s4, s19  }
0x9c: {  	s7 =	simm.s32 $0x0;
	s20 =	sshll.u32 s5, $0x1;
	s5 =	sadd.s32 s21, s3  }
0x9d: {  	[timem:s7], [sflag:s22] =	dma.local [hbm:s5], s20  }
0x9e: {  	_ =	swait.ge [sflag:s22], s20  }
0x9f: {  	s4 =	ssub.s32 $0x0, s20;
	[sflag:s22] =	ssyncset.done $0x0  }
0xa0: {  	[sflag:s22] =	ssyncadd.s32 s4;
	_ =	sdelay $0x1  }
0xa1: {  	s23 =	simm.s32 $0x1B8B  }
0xa2: {  	_ =	swait.ge [sflag:s23], $0x1  }
0xa3: {  	[sflag:s23] =	ssyncset.done $0x0  }
0xa4: {  	s25 =	simm.s32 $0x1B8E;
	s24 =	sld [smem:$0x3FFE];
	[sflag:s23] =	ssyncadd.s32 $0xFFFFFFFF  }
0xa5: {  	s26 =	simm.s32 $execute0_lowered;
	[smem:$0x3FD2] =	sst s25  }
0xa6: {  	s5 =	sshll.u32 s26, $0x1;
	_ =	strace $0x80000046;
	[dreg:$0x1] =	wrdreg $0xFFFFFFFF  }
0xa7: {  	s28 =	simm.s32 $_size_execute0_lowered;
	s3 =	sadd.s32 s3, s5;
	[dreg:$0x0] =	wrdreg $0x0  }
0xa8: {  	s5 =	sshll.u32 s28, $0x1;
	[dreg:$0x2] =	wrdreg s3  }
0xa9: {  	[dreg:$0x3] =	wrdreg s5  }
0xaa: {  	[dreg:$0x4] =	wrdreg $0xC0  }
0xab: {  	_ =	task [dreg:s7], $0x5FFFF  }
0xac: {  	[dreg:$0x1] =	wrdreg $0xFFFFFFFF  }
0xad: {  	[dreg:$0x0] =	wrdreg $0x60  }
0xae: {  	[dreg:$0x2] =	wrdreg s24  }
0xaf: {  	[dreg:$0x3] =	wrdreg s2  }
0xb0: {  	[dreg:$0x4] =	wrdreg $0x96000  }
0xb1: {  	[dreg:$0x5] =	wrdreg $0x1D6000  }
0xb2: {  	[dreg:$0x6] =	wrdreg $0x9  }
0xb3: {  	_ =	task.clear_ibuf [dreg:s7], $0x7FFFF;
	_ =	strace $0x90000046  }
0xb4: {  	s29 =	simm.s32 $0x9;
	_ =	strace $0x80000048  }
0xb5: {  	_ =	swait.ge [sflag:s29], $0x1  }
0xb6: {  	[sflag:s29] =	ssyncadd.s32 $0xFFFFFFFF  }
0xb7: {  	_ =	strace $0x90000048  }
0xb8: {  	_ =	sfence  }
0xb9: {  	s30 =	sld [smem:$0x0];
	_ =	sdelay $0x2  }
0xba: {  	s31 =	sshll.u32 s1, $0xD;
	s1 =	sshrl.u32 s1, $0x2  }
0xbb: {  	s3 =	sand.u32 $0x4000, s31;
	s1 =	sadd.s32 s1, s30  }
0xbc: {  	s0 =	sor.u32 s3, s0;
	s1 =	sshll.u32 s1, $0x11  }
0xbd: {  	s0 =	sor.u32 s1, s0  }
0xbe: {  	s0 =	sadd.s32 $0x8F2B, s0  }
0xbf: {  	[sflag:s0] =	ssyncadd.remote.s32 $0x1  }
0xc0: {  	_ =	sfence.sel $0xFFFF  }
0xc1: {  	[dreg:$0x0] =	wrdreg $0xFFFFFFFF;
	(pc) =	sbr.abs _section_cstart, $3  }
0xc2: {  	[dreg:$0x1] =	wrdreg $0xFFFFFFFF  }
0xc3: {  	_ =	task.clear_ibuf [dreg:s7], $0x2FFFF;
	_ =	strace $0x9FFFFFFF  }
0xc4: {  	(tm) =	ssettm $0x7FFFFFFF  }
0xc5: {  	_ =	shalt  }
tec
execute0_lowered:
.L_overlay_start_1:
0x0: {  	(tag) =	ssettag $0x1  }
0x1: {  	s0 =	rddreg [dreg:$0x0]  }
0x2: {  	s3 =	rddreg [dreg:$0x2]  }
0x3: {  	s4 =	rddreg [dreg:$0x3]  }
0x4: {  	s8 =	stileid.u32;
	s2 =	srdreg.scid;
	s5 =	simm.s32 $0x0  }
0x5: {  	s18 =	simm.s32 $0x2800;
	s19 =	simm.s32 $0x5000;
	s20 =	simm.s32 $0x80  }
0x6: {  	s21 =	simm.s32 $0x5200;
	s22 =	simm.s32 $0x5400;
	s28 =	simm.s32 $0x5300  }
0x7: {  	s30 =	simm.s32 $0x2;
	s31 =	simm.s32 $0x7480;
	s1 =	smul.u32 $0x13A0, s8  }
0x8: {  	s2 =	sand.u32 $0x1, s2;
	s7 =	smul.u32 $0x500, s8;
	[smem:$0x7FF] =	sst s5  }
0x9: {  	s11 =	smul.u32 $0x280, s8;
	s6 =	sadd.s32 $0xA4400, s0;
	s23 =	sadd.s32 $0xA3800, s0  }
0xa: {  	s24 =	sadd.s32 $0xA3E00, s0;
	s9 =	sadd.s32 $0x17200, s0;
	s13 =	smul.u32 $0x50000, s8  }
0xb: {  	s29 =	smul.u32 $0x5000, s2;
	_ =	strace $0x80000047;
	[dreg:$0x5] =	wrdreg s23  }
0xc: {  	s10 =	smul.u32 $0x2800, s2;
	[dreg:$0x6] =	wrdreg s24;
	s12 =	ssub.s32 $0x2, s2  }
0xd: {  	p0 =	seq.s32 s2, $0x1;
	s23 =	simm.s32 $0x7400;
	s24 =	simm.s32 $0x7600  }
0xe: {  	s2 =	simm.s32 $0x0;
	s16 =	sadd.s32 s1, s0;
	s25 =	sshrl.u32 s12, $0x1  }
0xf: {  	s26 =	sshrl.u32 s13, $0x2;
	s1 =	sshll.u32 s8, $0x6;
	s17 =	sadd.s32 s11, s4  }
0x10: {  	s8 =	sor.u32 $0x2710, s8;
	s7 =	sadd.s32 s7, s29;
	s10 =	sadd.s32 s11, s10  }
0x11: {  	s14 =	ssub.s32 s12, s25;
	s15 =	sadd.s32 s26, s3;
	s11 =	sadd.s32 $0x3800, s16  }
0x12: {  	s16 =	simm.s32 $0x3;
	s17 =	sshrl.u32 s17, $0x3;
	s25 =	simm.s32 $0x1  }
0x13: {  	s26 =	simm.s32 $0x5280;
	v1 =	vmov s29;
	s29 =	simm.s32 $0x5380;
	s7 =	sshll.u32 s7, $0x3  }
0x14: {  	s10 =	sshrl.u32 s10, $0x3;
	s14 =	smax.u32 s14, $0x1;
	s7 =	sadd.s32 s7, s0  }
0x15: {  	s0 =	sadd.s32 s10, s0;
	s10 =	sor.u32 $0x1C03, s1;
	s1 =	simm.f32 $2.000000030e-01  }
0x16: {  	vm0 =	vmxor vm0, vm0;
	v3 =	vimm.s32 $0x2800;
	s15 =	sshrl.u32 s15, $0x3;
	s1 =	simm.s32 @!p0 $0x3F800000;
	s12 =	sadd.s32 $0x19A00, s7  }
0x17: {  	vm0 =	vmneg @p0 vm0;
	v0 =	vmov s8;
	s13 =	sadd.s32 $0x69A00, s0;
	s0 =	simm.s32 $0x7500;
	v2 =	vmov s1;
	s1 =	simm.s32 $0x7580  }
.LBB2_1:
0x18: {  	[spmem:s15], [sflag:s10] =	dma.local [hbm:s9], $0x2800  }
0x19: {  	_ =	swait.ge [sflag:s16], $0x2800  }
0x1a: {  	[sflag:s16] =	ssyncset.done $0x0  }
0x1b: {  	[sflag:s16] =	ssyncadd.s32 $0xFFFFD800  }
0x1c: {  	s7 =	rddreg [dreg:$0x1]  }
0x1d: {  	[spmem:s17], [sflag:s10] =	dma.local [hbm:s7], $0x50  }
0x1e: {  	_ =	swait.ge [sflag:s16], $0x50  }
0x1f: {  	[sflag:s16] =	ssyncset.done $0x0  }
0x20: {  	s8 =	rddreg [dreg:$0x5];
	[sflag:s16] =	ssyncadd.s32 $0xFFFFFFB0  }
0x21: {  	[tilespmem:s5], [sflag:$0x3] =	stream.linear.gather [hbm4b:s8+s5], $0x2800, $0x38;
	[tilespmem:$0x1D880] =	vst v63  }
0x22: {  	_ =	swait.ge [sflag:s16], $0x2800  }
0x23: {  	[sflag:s16] =	ssyncset.done $0x0  }
0x24: {  	s8 =	rddreg [dreg:$0x6];
	[sflag:s16] =	ssyncadd.s32 $0xFFFFD800  }
0x25: {  	[tilespmem:s18], [sflag:$0x3] =	stream.linear.gather [hbm4b:s8+s5], $0x2800, $0x38;
	[tilespmem:$0x1D880] =	vst v63  }
0x26: {  	_ =	swait.ge [sflag:s16], $0x2800  }
0x27: {  	[sflag:s16] =	ssyncset.done $0x0  }
0x28: {  	[sflag:s16] =	ssyncadd.s32 $0xFFFFD800  }
0x29: {  	[bflag:$0x0] =	sbarrier.arrive $0xFFFF  }
0x2a: {  	[tilespmem:s19], [sflag:$0x3] =	stream.linear.gather [hbm4b:s11+s5], $0x100, $0x38;
	[tilespmem:$0x1D880] =	vst v63  }
0x2b: {  	_ =	swait.ge [sflag:s16], $0x100  }
0x2c: {  	[sflag:s16] =	ssyncset.done $0x0  }
0x2d: {  	[sflag:s16] =	ssyncadd.s32 $0xFFFFFF00  }
0x2e: {  	v4 =	vld [tilespmem:$0x5000];
	_ =	sdelay $0x3  }
0x2f: {  	v5 =	vld [tilespmem:$0x5080];
	_ =	sdelay $0x3  }
0x30: {  	v6 =	vld.idx.msk [tilespmem:v4+s5+$0x0], $0xffff;
	_ =	sdelay $0x3  }
0x31: {  	v8 =	vld.idx.msk [tilespmem:v5+s18+$0x0], $0xffff  }
0x32: {  	v7 =	vmul.f32 v6, v2;
	_ =	sdelay $0x1  }
0x33: {  	v7 =	vmul.f32 $1.442695020e+00, v7;
	_ =	sdelay $0x1  }
0x34: {  	v6 =	vadd.f32 v8, v6;
	(erf) = vpow2.f32 v7;
	_ =	sdelay $0x1  }
0x35: {  	vm1 =	vgt.f32 v6, $0.0e+00  }
0x36: {  	v42 =	vld [tilespmem:$0x5010];
	v4 =	vadd.s32 v1, v4;
	v6 =	vsel vm1, $0x0, v3  }
0x37: {  	v4 =	vadd.s32 v6, v4  }
0x38: {  	vm1 =	vmxor vm0, vm1;
	[tilespmem:$0x5200] =	vst v4;
	v4 =	vadd.s32 v5, v6  }
0x39: {  	[tilespmem:$0x5280] =	vst v4;
	v4 =	vsel vm1, v5, v0;
	_ =	sdelay $0x1  }
0x3a: {  	v5 =	vld [tilespmem:$0x5090]  }
0x3b: {  	[tilespmem:$0x5300] =	vst v4;
	v4 =	vpop (erf)  }
0x3c: {  	[tilespmem:$0x5380] =	vst v4  }
0x3d: {  	v4 =	vld.idx.msk [tilespmem:v42+s5+$0x0], $0xffff;
	_ =	sdelay $0x4  }
0x3e: {  	v44 =	vld.idx.msk [tilespmem:v5+s18+$0x0], $0xffff;
	v43 =	vmul.f32 v4, v2;
	_ =	sdelay $0x1  }
0x3f: {  	v6 =	vmul.f32 $1.442695020e+00, v43;
	_ =	sdelay $0x1  }
0x40: {  	(erf) = vpow2.f32 v6  }
0x41: {  	v4 =	vadd.f32 v44, v4;
	_ =	sdelay $0x1  }
0x42: {  	v45 =	vld [tilespmem:$0x5020];
	vm1 =	vgt.f32 v4, $0.0e+00  }
0x43: {  	v7 =	vadd.s32 v1, v42;
	v4 =	vsel vm1, $0x0, v3  }
0x44: {  	vm1 =	vmxor vm0, vm1;
	v7 =	vadd.s32 v4, v7;
	v4 =	vadd.s32 v5, v4  }
0x45: {  	[tilespmem:$0x5290] =	vst v4;
	v4 =	vsel vm1, v5, v0;
	_ =	sdelay $0x1  }
0x46: {  	[tilespmem:$0x5210] =	vst v7;
	v5 =	vld [tilespmem:$0x50A0]  }
0x47: {  	[tilespmem:$0x5310] =	vst v4;
	v4 =	vpop (erf)  }
0x48: {  	[tilespmem:$0x5390] =	vst v4  }
0x49: {  	v4 =	vld.idx.msk [tilespmem:v45+s5+$0x0], $0xffff;
	_ =	sdelay $0x4  }
0x4a: {  	v47 =	vld.idx.msk [tilespmem:v5+s18+$0x0], $0xffff;
	v46 =	vmul.f32 v4, v2;
	_ =	sdelay $0x1  }
0x4b: {  	v7 =	vmul.f32 $1.442695020e+00, v46;
	_ =	sdelay $0x1  }
0x4c: {  	(erf) = vpow2.f32 v7  }
0x4d: {  	v4 =	vadd.f32 v47, v4;
	_ =	sdelay $0x1  }
0x4e: {  	v48 =	vld [tilespmem:$0x5030];
	vm1 =	vgt.f32 v4, $0.0e+00  }
0x4f: {  	v6 =	vadd.s32 v1, v45;
	v4 =	vsel vm1, $0x0, v3  }
0x50: {  	vm1 =	vmxor vm0, vm1;
	v6 =	vadd.s32 v4, v6;
	v4 =	vadd.s32 v5, v4  }
0x51: {  	[tilespmem:$0x52A0] =	vst v4;
	v4 =	vsel vm1, v5, v0;
	_ =	sdelay $0x1  }
0x52: {  	[tilespmem:$0x5220] =	vst v6;
	v5 =	vld [tilespmem:$0x50B0]  }
0x53: {  	[tilespmem:$0x5320] =	vst v4;
	v4 =	vpop (erf)  }
0x54: {  	[tilespmem:$0x53A0] =	vst v4  }
0x55: {  	v4 =	vld.idx.msk [tilespmem:v48+s5+$0x0], $0xffff;
	_ =	sdelay $0x4  }
0x56: {  	v50 =	vld.idx.msk [tilespmem:v5+s18+$0x0], $0xffff;
	v49 =	vmul.f32 v4, v2;
	_ =	sdelay $0x1  }
0x57: {  	v6 =	vmul.f32 $1.442695020e+00, v49;
	_ =	sdelay $0x1  }
0x58: {  	(erf) = vpow2.f32 v6  }
0x59: {  	v4 =	vadd.f32 v50, v4;
	_ =	sdelay $0x1  }
0x5a: {  	v51 =	vld [tilespmem:$0x5040];
	vm1 =	vgt.f32 v4, $0.0e+00  }
0x5b: {  	v7 =	vadd.s32 v1, v48;
	v4 =	vsel vm1, $0x0, v3  }
0x5c: {  	vm1 =	vmxor vm0, vm1;
	v7 =	vadd.s32 v4, v7;
	v4 =	vadd.s32 v5, v4  }
0x5d: {  	[tilespmem:$0x52B0] =	vst v4;
	v4 =	vsel vm1, v5, v0;
	_ =	sdelay $0x1  }
0x5e: {  	[tilespmem:$0x5230] =	vst v7;
	v5 =	vld [tilespmem:$0x50C0]  }
0x5f: {  	[tilespmem:$0x5330] =	vst v4;
	v4 =	vpop (erf)  }
0x60: {  	[tilespmem:$0x53B0] =	vst v4  }
0x61: {  	v4 =	vld.idx.msk [tilespmem:v51+s5+$0x0], $0xffff;
	_ =	sdelay $0x4  }
0x62: {  	v53 =	vld.idx.msk [tilespmem:v5+s18+$0x0], $0xffff;
	v52 =	vmul.f32 v4, v2;
	_ =	sdelay $0x1  }
0x63: {  	v7 =	vmul.f32 $1.442695020e+00, v52;
	_ =	sdelay $0x1  }
0x64: {  	(erf) = vpow2.f32 v7  }
0x65: {  	v4 =	vadd.f32 v53, v4;
	_ =	sdelay $0x1  }
0x66: {  	v54 =	vld [tilespmem:$0x5050];
	vm1 =	vgt.f32 v4, $0.0e+00  }
0x67: {  	v6 =	vadd.s32 v1, v51;
	v4 =	vsel vm1, $0x0, v3  }
0x68: {  	vm1 =	vmxor vm0, vm1;
	v6 =	vadd.s32 v4, v6;
	v4 =	vadd.s32 v5, v4  }
0x69: {  	[tilespmem:$0x52C0] =	vst v4;
	v4 =	vsel vm1, v5, v0;
	_ =	sdelay $0x1  }
0x6a: {  	[tilespmem:$0x5240] =	vst v6;
	v5 =	vld [tilespmem:$0x50D0]  }
0x6b: {  	[tilespmem:$0x5340] =	vst v4;
	v4 =	vpop (erf)  }
0x6c: {  	[tilespmem:$0x53C0] =	vst v4  }
0x6d: {  	v4 =	vld.idx.msk [tilespmem:v54+s5+$0x0], $0xffff;
	_ =	sdelay $0x4  }
0x6e: {  	v56 =	vld.idx.msk [tilespmem:v5+s18+$0x0], $0xffff;
	v55 =	vmul.f32 v4, v2;
	_ =	sdelay $0x1  }
0x6f: {  	v6 =	vmul.f32 $1.442695020e+00, v55;
	_ =	sdelay $0x1  }
0x70: {  	(erf) = vpow2.f32 v6  }
0x71: {  	v4 =	vadd.f32 v56, v4;
	_ =	sdelay $0x1  }
0x72: {  	v57 =	vld [tilespmem:$0x5060];
	vm1 =	vgt.f32 v4, $0.0e+00  }
0x73: {  	v7 =	vadd.s32 v1, v54;
	v4 =	vsel vm1, $0x0, v3  }
0x74: {  	vm1 =	vmxor vm0, vm1;
	v7 =	vadd.s32 v4, v7;
	v4 =	vadd.s32 v5, v4  }
0x75: {  	[tilespmem:$0x52D0] =	vst v4;
	v4 =	vsel vm1, v5, v0;
	_ =	sdelay $0x1  }
0x76: {  	[tilespmem:$0x5250] =	vst v7;
	v5 =	vld [tilespmem:$0x50E0]  }
0x77: {  	[tilespmem:$0x5350] =	vst v4;
	v4 =	vpop (erf)  }
0x78: {  	[tilespmem:$0x53D0] =	vst v4  }
0x79: {  	v4 =	vld.idx.msk [tilespmem:v57+s5+$0x0], $0xffff;
	_ =	sdelay $0x4  }
0x7a: {  	v59 =	vld.idx.msk [tilespmem:v5+s18+$0x0], $0xffff;
	v58 =	vmul.f32 v4, v2;
	_ =	sdelay $0x1  }
0x7b: {  	v7 =	vmul.f32 $1.442695020e+00, v58;
	_ =	sdelay $0x1  }
0x7c: {  	(erf) = vpow2.f32 v7  }
0x7d: {  	v4 =	vadd.f32 v59, v4;
	_ =	sdelay $0x1  }
0x7e: {  	v60 =	vld [tilespmem:$0x5070];
	vm1 =	vgt.f32 v4, $0.0e+00  }
0x7f: {  	v6 =	vadd.s32 v1, v57;
	v4 =	vsel vm1, $0x0, v3  }
0x80: {  	vm1 =	vmxor vm0, vm1;
	v6 =	vadd.s32 v4, v6;
	v4 =	vadd.s32 v5, v4  }
0x81: {  	[tilespmem:$0x52E0] =	vst v4;
	v4 =	vsel vm1, v5, v0;
	_ =	sdelay $0x1  }
0x82: {  	[tilespmem:$0x5260] =	vst v6;
	v5 =	vld [tilespmem:$0x50F0]  }
0x83: {  	[tilespmem:$0x5360] =	vst v4;
	v4 =	vpop (erf)  }
0x84: {  	[tilespmem:$0x53E0] =	vst v4  }
0x85: {  	v4 =	vld.idx.msk [tilespmem:v60+s5+$0x0], $0xffff;
	_ =	sdelay $0x4  }
0x86: {  	v62 =	vld.idx.msk [tilespmem:v5+s18+$0x0], $0xffff;
	v61 =	vmul.f32 v4, v2;
	_ =	sdelay $0x1  }
0x87: {  	v6 =	vmul.f32 $1.442695020e+00, v61;
	_ =	sdelay $0x1  }
0x88: {  	(erf) = vpow2.f32 v6  }
0x89: {  	v4 =	vadd.f32 v62, v4;
	_ =	sdelay $0x1  }
0x8a: {  	vm1 =	vgt.f32 v4, $0.0e+00  }
0x8b: {  	v63 =	vadd.s32 v1, v60;
	v4 =	vsel vm1, $0x0, v3  }
0x8c: {  	vm1 =	vmxor vm0, vm1;
	v6 =	vadd.s32 v4, v63;
	v4 =	vadd.s32 v5, v4  }
0x8d: {  	[tilespmem:$0x52F0] =	vst v4;
	v4 =	vsel vm1, v5, v0;
	_ =	sdelay $0x1  }
0x8e: {  	[tilespmem:$0x5270] =	vst v6  }
0x8f: {  	[tilespmem:$0x5370] =	vst v4;
	v4 =	vpop (erf)  }
0x90: {  	s7 =	simm.s32 $0x20;
	[tilespmem:$0x53F0] =	vst v4  }
0x91: {  	[tilespmem:s22], [sflag:$0x1] =	stream.indirect.gather [hbm4b:s6+s20], $0x40, s21, s20, $0xb8;
	[tilespmem:$0x1D880] =	vst v63  }
.LBB2_2:
0x92: {  	s8 =	sadd.s32 s7, s11  }
0x93: {  	[tilespmem:s19], [sflag:$0x3] =	stream.linear.gather [hbm4b:s8+s5], $0x200, $0x38;
	[tilespmem:$0x1D880] =	vst v63  }
0x94: {  	_ =	swait.ge [sflag:s16], $0x200  }
0x95: {  	[sflag:s16] =	ssyncset.done $0x0  }
0x96: {  	[sflag:s16] =	ssyncadd.s32 $0xFFFFFE00  }
0x97: {  	v4 =	vld [tilespmem:$0x5000];
	_ =	sdelay $0x3  }
0x98: {  	v5 =	vld [tilespmem:$0x5080];
	_ =	sdelay $0x3  }
0x99: {  	v6 =	vld.idx.msk [tilespmem:v4+s5+$0x0], $0xffff;
	_ =	sdelay $0x3  }
0x9a: {  	v8 =	vld.idx.msk [tilespmem:v5+s18+$0x0], $0xffff  }
0x9b: {  	v7 =	vmul.f32 v6, v2;
	_ =	sdelay $0x1  }
0x9c: {  	v7 =	vmul.f32 $1.442695020e+00, v7;
	_ =	sdelay $0x1  }
0x9d: {  	v6 =	vadd.f32 v8, v6;
	(erf) = vpow2.f32 v7;
	_ =	sdelay $0x1  }
0x9e: {  	vm1 =	vgt.f32 v6, $0.0e+00  }
0x9f: {  	v17 =	vld [tilespmem:$0x5010];
	v4 =	vadd.s32 v1, v4;
	v6 =	vsel vm1, $0x0, v3  }
0xa0: {  	v4 =	vadd.s32 v6, v4  }
0xa1: {  	vm1 =	vmxor vm0, vm1;
	[tilespmem:$0x7400] =	vst v4;
	v4 =	vadd.s32 v5, v6  }
0xa2: {  	[tilespmem:$0x7480] =	vst v4;
	v4 =	vsel vm1, v5, v0;
	_ =	sdelay $0x1  }
0xa3: {  	v5 =	vld [tilespmem:$0x5090]  }
0xa4: {  	[tilespmem:$0x7500] =	vst v4;
	v4 =	vpop (erf)  }
0xa5: {  	[tilespmem:$0x7580] =	vst v4  }
0xa6: {  	v4 =	vld.idx.msk [tilespmem:v17+s5+$0x0], $0xffff;
	_ =	sdelay $0x4  }
0xa7: {  	v19 =	vld.idx.msk [tilespmem:v5+s18+$0x0], $0xffff;
	v18 =	vmul.f32 v4, v2;
	_ =	sdelay $0x1  }
0xa8: {  	v6 =	vmul.f32 $1.442695020e+00, v18;
	_ =	sdelay $0x1  }
0xa9: {  	(erf) = vpow2.f32 v6  }
0xaa: {  	v4 =	vadd.f32 v19, v4;
	_ =	sdelay $0x1  }
0xab: {  	v20 =	vld [tilespmem:$0x5020];
	vm1 =	vgt.f32 v4, $0.0e+00  }
0xac: {  	v7 =	vadd.s32 v1, v17;
	v4 =	vsel vm1, $0x0, v3  }
0xad: {  	vm1 =	vmxor vm0, vm1;
	v7 =	vadd.s32 v4, v7;
	v4 =	vadd.s32 v5, v4  }
0xae: {  	[tilespmem:$0x7490] =	vst v4;
	v4 =	vsel vm1, v5, v0;
	_ =	sdelay $0x1  }
0xaf: {  	[tilespmem:$0x7410] =	vst v7;
	v5 =	vld [tilespmem:$0x50A0]  }
0xb0: {  	[tilespmem:$0x7510] =	vst v4;
	v4 =	vpop (erf)  }
0xb1: {  	[tilespmem:$0x7590] =	vst v4  }
0xb2: {  	v4 =	vld.idx.msk [tilespmem:v20+s5+$0x0], $0xffff;
	_ =	sdelay $0x4  }
0xb3: {  	v22 =	vld.idx.msk [tilespmem:v5+s18+$0x0], $0xffff;
	v21 =	vmul.f32 v4, v2;
	_ =	sdelay $0x1  }
0xb4: {  	v7 =	vmul.f32 $1.442695020e+00, v21;
	_ =	sdelay $0x1  }
0xb5: {  	(erf) = vpow2.f32 v7  }
0xb6: {  	v4 =	vadd.f32 v22, v4;
	_ =	sdelay $0x1  }
0xb7: {  	v23 =	vld [tilespmem:$0x5030];
	vm1 =	vgt.f32 v4, $0.0e+00  }
0xb8: {  	v6 =	vadd.s32 v1, v20;
	v4 =	vsel vm1, $0x0, v3  }
0xb9: {  	vm1 =	vmxor vm0, vm1;
	v6 =	vadd.s32 v4, v6;
	v4 =	vadd.s32 v5, v4  }
0xba: {  	[tilespmem:$0x74A0] =	vst v4;
	v4 =	vsel vm1, v5, v0;
	_ =	sdelay $0x1  }
0xbb: {  	[tilespmem:$0x7420] =	vst v6;
	v5 =	vld [tilespmem:$0x50B0]  }
0xbc: {  	[tilespmem:$0x7520] =	vst v4;
	v4 =	vpop (erf)  }
0xbd: {  	[tilespmem:$0x75A0] =	vst v4  }
0xbe: {  	v4 =	vld.idx.msk [tilespmem:v23+s5+$0x0], $0xffff;
	_ =	sdelay $0x4  }
0xbf: {  	v25 =	vld.idx.msk [tilespmem:v5+s18+$0x0], $0xffff;
	v24 =	vmul.f32 v4, v2;
	_ =	sdelay $0x1  }
0xc0: {  	v6 =	vmul.f32 $1.442695020e+00, v24;
	_ =	sdelay $0x1  }
0xc1: {  	(erf) = vpow2.f32 v6  }
0xc2: {  	v4 =	vadd.f32 v25, v4;
	_ =	sdelay $0x1  }
0xc3: {  	v26 =	vld [tilespmem:$0x5040];
	vm1 =	vgt.f32 v4, $0.0e+00  }
0xc4: {  	v7 =	vadd.s32 v1, v23;
	v4 =	vsel vm1, $0x0, v3  }
0xc5: {  	vm1 =	vmxor vm0, vm1;
	v7 =	vadd.s32 v4, v7;
	v4 =	vadd.s32 v5, v4  }
0xc6: {  	[tilespmem:$0x74B0] =	vst v4;
	v4 =	vsel vm1, v5, v0;
	_ =	sdelay $0x1  }
0xc7: {  	[tilespmem:$0x7430] =	vst v7;
	v5 =	vld [tilespmem:$0x50C0]  }
0xc8: {  	[tilespmem:$0x7530] =	vst v4;
	v4 =	vpop (erf)  }
0xc9: {  	[tilespmem:$0x75B0] =	vst v4  }
0xca: {  	v4 =	vld.idx.msk [tilespmem:v26+s5+$0x0], $0xffff;
	_ =	sdelay $0x4  }
0xcb: {  	v28 =	vld.idx.msk [tilespmem:v5+s18+$0x0], $0xffff;
	v27 =	vmul.f32 v4, v2;
	_ =	sdelay $0x1  }
0xcc: {  	v7 =	vmul.f32 $1.442695020e+00, v27;
	_ =	sdelay $0x1  }
0xcd: {  	(erf) = vpow2.f32 v7  }
0xce: {  	v4 =	vadd.f32 v28, v4;
	_ =	sdelay $0x1  }
0xcf: {  	v29 =	vld [tilespmem:$0x5050];
	vm1 =	vgt.f32 v4, $0.0e+00  }
0xd0: {  	v6 =	vadd.s32 v1, v26;
	v4 =	vsel vm1, $0x0, v3  }
0xd1: {  	vm1 =	vmxor vm0, vm1;
	v6 =	vadd.s32 v4, v6;
	v4 =	vadd.s32 v5, v4  }
0xd2: {  	[tilespmem:$0x74C0] =	vst v4;
	v4 =	vsel vm1, v5, v0;
	_ =	sdelay $0x1  }
0xd3: {  	[tilespmem:$0x7440] =	vst v6;
	v5 =	vld [tilespmem:$0x50D0]  }
0xd4: {  	[tilespmem:$0x7540] =	vst v4;
	v4 =	vpop (erf)  }
0xd5: {  	[tilespmem:$0x75C0] =	vst v4  }
0xd6: {  	v4 =	vld.idx.msk [tilespmem:v29+s5+$0x0], $0xffff;
	_ =	sdelay $0x4  }
0xd7: {  	v31 =	vld.idx.msk [tilespmem:v5+s18+$0x0], $0xffff;
	v30 =	vmul.f32 v4, v2;
	_ =	sdelay $0x1  }
0xd8: {  	v6 =	vmul.f32 $1.442695020e+00, v30;
	_ =	sdelay $0x1  }
0xd9: {  	(erf) = vpow2.f32 v6  }
0xda: {  	v4 =	vadd.f32 v31, v4;
	_ =	sdelay $0x1  }
0xdb: {  	v32 =	vld [tilespmem:$0x5060];
	vm1 =	vgt.f32 v4, $0.0e+00  }
0xdc: {  	v7 =	vadd.s32 v1, v29;
	v4 =	vsel vm1, $0x0, v3  }
0xdd: {  	vm1 =	vmxor vm0, vm1;
	v7 =	vadd.s32 v4, v7;
	v4 =	vadd.s32 v5, v4  }
0xde: {  	[tilespmem:$0x74D0] =	vst v4;
	v4 =	vsel vm1, v5, v0;
	_ =	sdelay $0x1  }
0xdf: {  	[tilespmem:$0x7450] =	vst v7;
	v5 =	vld [tilespmem:$0x50E0]  }
0xe0: {  	[tilespmem:$0x7550] =	vst v4;
	v4 =	vpop (erf)  }
0xe1: {  	[tilespmem:$0x75D0] =	vst v4  }
0xe2: {  	v4 =	vld.idx.msk [tilespmem:v32+s5+$0x0], $0xffff;
	_ =	sdelay $0x4  }
0xe3: {  	v34 =	vld.idx.msk [tilespmem:v5+s18+$0x0], $0xffff;
	v33 =	vmul.f32 v4, v2;
	_ =	sdelay $0x1  }
0xe4: {  	v7 =	vmul.f32 $1.442695020e+00, v33;
	_ =	sdelay $0x1  }
0xe5: {  	(erf) = vpow2.f32 v7  }
0xe6: {  	v4 =	vadd.f32 v34, v4;
	_ =	sdelay $0x1  }
0xe7: {  	v35 =	vld [tilespmem:$0x5070];
	vm1 =	vgt.f32 v4, $0.0e+00  }
0xe8: {  	v6 =	vadd.s32 v1, v32;
	v4 =	vsel vm1, $0x0, v3  }
0xe9: {  	vm1 =	vmxor vm0, vm1;
	v6 =	vadd.s32 v4, v6;
	v4 =	vadd.s32 v5, v4  }
0xea: {  	[tilespmem:$0x74E0] =	vst v4;
	v4 =	vsel vm1, v5, v0;
	_ =	sdelay $0x1  }
0xeb: {  	[tilespmem:$0x7460] =	vst v6;
	v5 =	vld [tilespmem:$0x50F0]  }
0xec: {  	[tilespmem:$0x7560] =	vst v4;
	v4 =	vpop (erf)  }
0xed: {  	[tilespmem:$0x75E0] =	vst v4  }
0xee: {  	v4 =	vld.idx.msk [tilespmem:v35+s5+$0x0], $0xffff;
	_ =	sdelay $0x4  }
0xef: {  	v37 =	vld.idx.msk [tilespmem:v5+s18+$0x0], $0xffff;
	v36 =	vmul.f32 v4, v2;
	_ =	sdelay $0x1  }
0xf0: {  	v6 =	vmul.f32 $1.442695020e+00, v36;
	_ =	sdelay $0x1  }
0xf1: {  	(erf) = vpow2.f32 v6  }
0xf2: {  	v4 =	vadd.f32 v37, v4;
	_ =	sdelay $0x1  }
0xf3: {  	vm1 =	vgt.f32 v4, $0.0e+00  }
0xf4: {  	v38 =	vadd.s32 v1, v35;
	v4 =	vsel vm1, $0x0, v3  }
0xf5: {  	vm1 =	vmxor vm0, vm1;
	v6 =	vadd.s32 v4, v38;
	v4 =	vadd.s32 v5, v4  }
0xf6: {  	[tilespmem:$0x74F0] =	vst v4;
	v4 =	vsel vm1, v5, v0;
	_ =	sdelay $0x1  }
0xf7: {  	[tilespmem:$0x7470] =	vst v6  }
0xf8: {  	[tilespmem:$0x7570] =	vst v4;
	v4 =	vpop (erf)  }
0xf9: {  	[tilespmem:$0x75F0] =	vst v4  }
0xfa: {  	[tilespmem:s24], [sflag:$0x2] =	stream.indirect.gather [hbm4b:s6+s20], $0x40, s23, s20, $0xb8;
	[tilespmem:$0x1D880] =	vst v63  }
0xfb: {  	_ =	swait.ge [sflag:s25], $0x2000  }
0xfc: {  	[sflag:s25] =	ssyncset.done $0x0  }
0xfd: {  	[sflag:s25] =	ssyncadd.s32 $0xFFFFE000  }
0xfe: {  	[spmem:s3] =	stream.indirect.scatter.add.f32 [tilespmem:s22], [sflag:$0x3], $0x40, s26, s20, $0xb8;
	[tilespmem:$0x1D880] =	vst v63  }
0xff: {  	_ =	swait.ge [sflag:s16], $0x2000  }
0x100: {  	[sflag:s16] =	ssyncset.done $0x0  }
0x101: {  	[sflag:s16] =	ssyncadd.s32 $0xFFFFE000  }
0x102: {  	[spmem:s4] =	stream.indirect.scatter.add.f32 [tilespmem:s29], [sflag:$0x3], $0x1, s28, s20, $0xb8;
	[tilespmem:$0x1D880] =	vst v63  }
0x103: {  	_ =	swait.ge [sflag:s16], $0x80  }
0x104: {  	[sflag:s16] =	ssyncset.done $0x0  }
0x105: {  	[sflag:s16] =	ssyncadd.s32 $0xFFFFFF80  }
0x106: {  	v4 =	vld [tilespmem:$0x5100];
	_ =	sdelay $0x3  }
0x107: {  	v5 =	vld [tilespmem:$0x5180];
	_ =	sdelay $0x3  }
0x108: {  	v39 =	vld.idx.msk [tilespmem:v4+s5+$0x0], $0xffff;
	_ =	sdelay $0x3  }
0x109: {  	v41 =	vld.idx.msk [tilespmem:v5+s18+$0x0], $0xffff  }
0x10a: {  	v40 =	vmul.f32 v39, v2;
	_ =	sdelay $0x1  }
0x10b: {  	v7 =	vmul.f32 $1.442695020e+00, v40;
	_ =	sdelay $0x1  }
0x10c: {  	v6 =	vadd.f32 v41, v39;
	(erf) = vpow2.f32 v7;
	_ =	sdelay $0x1  }
0x10d: {  	vm1 =	vgt.f32 v6, $0.0e+00  }
0x10e: {  	v42 =	vld [tilespmem:$0x5110];
	v4 =	vadd.s32 v1, v4;
	v6 =	vsel vm1, $0x0, v3  }
0x10f: {  	v4 =	vadd.s32 v6, v4  }
0x110: {  	vm1 =	vmxor vm0, vm1;
	[tilespmem:$0x5200] =	vst v4;
	v4 =	vadd.s32 v5, v6  }
0x111: {  	[tilespmem:$0x5280] =	vst v4;
	v4 =	vsel vm1, v5, v0;
	_ =	sdelay $0x1  }
0x112: {  	v5 =	vld [tilespmem:$0x5190]  }
0x113: {  	[tilespmem:$0x5300] =	vst v4;
	v4 =	vpop (erf)  }
0x114: {  	[tilespmem:$0x5380] =	vst v4  }
0x115: {  	v4 =	vld.idx.msk [tilespmem:v42+s5+$0x0], $0xffff;
	_ =	sdelay $0x4  }
0x116: {  	v44 =	vld.idx.msk [tilespmem:v5+s18+$0x0], $0xffff;
	v43 =	vmul.f32 v4, v2;
	_ =	sdelay $0x1  }
0x117: {  	v6 =	vmul.f32 $1.442695020e+00, v43;
	_ =	sdelay $0x1  }
0x118: {  	(erf) = vpow2.f32 v6  }
0x119: {  	v4 =	vadd.f32 v44, v4;
	_ =	sdelay $0x1  }
0x11a: {  	v45 =	vld [tilespmem:$0x5120];
	vm1 =	vgt.f32 v4, $0.0e+00  }
0x11b: {  	v7 =	vadd.s32 v1, v42;
	v4 =	vsel vm1, $0x0, v3  }
0x11c: {  	vm1 =	vmxor vm0, vm1;
	v7 =	vadd.s32 v4, v7;
	v4 =	vadd.s32 v5, v4  }
0x11d: {  	[tilespmem:$0x5290] =	vst v4;
	v4 =	vsel vm1, v5, v0;
	_ =	sdelay $0x1  }
0x11e: {  	[tilespmem:$0x5210] =	vst v7;
	v5 =	vld [tilespmem:$0x51A0]  }
0x11f: {  	[tilespmem:$0x5310] =	vst v4;
	v4 =	vpop (erf)  }
0x120: {  	[tilespmem:$0x5390] =	vst v4  }
0x121: {  	v4 =	vld.idx.msk [tilespmem:v45+s5+$0x0], $0xffff;
	_ =	sdelay $0x4  }
0x122: {  	v47 =	vld.idx.msk [tilespmem:v5+s18+$0x0], $0xffff;
	v46 =	vmul.f32 v4, v2;
	_ =	sdelay $0x1  }
0x123: {  	v7 =	vmul.f32 $1.442695020e+00, v46;
	_ =	sdelay $0x1  }
0x124: {  	(erf) = vpow2.f32 v7  }
0x125: {  	v4 =	vadd.f32 v47, v4;
	_ =	sdelay $0x1  }
0x126: {  	v48 =	vld [tilespmem:$0x5130];
	vm1 =	vgt.f32 v4, $0.0e+00  }
0x127: {  	v6 =	vadd.s32 v1, v45;
	v4 =	vsel vm1, $0x0, v3  }
0x128: {  	vm1 =	vmxor vm0, vm1;
	v6 =	vadd.s32 v4, v6;
	v4 =	vadd.s32 v5, v4  }
0x129: {  	[tilespmem:$0x52A0] =	vst v4;
	v4 =	vsel vm1, v5, v0;
	_ =	sdelay $0x1  }
0x12a: {  	[tilespmem:$0x5220] =	vst v6;
	v5 =	vld [tilespmem:$0x51B0]  }
0x12b: {  	[tilespmem:$0x5320] =	vst v4;
	v4 =	vpop (erf)  }
0x12c: {  	[tilespmem:$0x53A0] =	vst v4  }
0x12d: {  	v4 =	vld.idx.msk [tilespmem:v48+s5+$0x0], $0xffff;
	_ =	sdelay $0x4  }
0x12e: {  	v50 =	vld.idx.msk [tilespmem:v5+s18+$0x0], $0xffff;
	v49 =	vmul.f32 v4, v2;
	_ =	sdelay $0x1  }
0x12f: {  	v6 =	vmul.f32 $1.442695020e+00, v49;
	_ =	sdelay $0x1  }
0x130: {  	(erf) = vpow2.f32 v6  }
0x131: {  	v4 =	vadd.f32 v50, v4;
	_ =	sdelay $0x1  }
0x132: {  	v51 =	vld [tilespmem:$0x5140];
	vm1 =	vgt.f32 v4, $0.0e+00  }
0x133: {  	v7 =	vadd.s32 v1, v48;
	v4 =	vsel vm1, $0x0, v3  }
0x134: {  	vm1 =	vmxor vm0, vm1;
	v7 =	vadd.s32 v4, v7;
	v4 =	vadd.s32 v5, v4  }
0x135: {  	[tilespmem:$0x52B0] =	vst v4;
	v4 =	vsel vm1, v5, v0;
	_ =	sdelay $0x1  }
0x136: {  	[tilespmem:$0x5230] =	vst v7;
	v5 =	vld [tilespmem:$0x51C0]  }
0x137: {  	[tilespmem:$0x5330] =	vst v4;
	v4 =	vpop (erf)  }
0x138: {  	[tilespmem:$0x53B0] =	vst v4  }
0x139: {  	v4 =	vld.idx.msk [tilespmem:v51+s5+$0x0], $0xffff;
	_ =	sdelay $0x4  }
0x13a: {  	v53 =	vld.idx.msk [tilespmem:v5+s18+$0x0], $0xffff;
	v52 =	vmul.f32 v4, v2;
	_ =	sdelay $0x1  }
0x13b: {  	v7 =	vmul.f32 $1.442695020e+00, v52;
	_ =	sdelay $0x1  }
0x13c: {  	(erf) = vpow2.f32 v7  }
0x13d: {  	v4 =	vadd.f32 v53, v4;
	_ =	sdelay $0x1  }
0x13e: {  	v54 =	vld [tilespmem:$0x5150];
	vm1 =	vgt.f32 v4, $0.0e+00  }
0x13f: {  	v6 =	vadd.s32 v1, v51;
	v4 =	vsel vm1, $0x0, v3  }
0x140: {  	vm1 =	vmxor vm0, vm1;
	v6 =	vadd.s32 v4, v6;
	v4 =	vadd.s32 v5, v4  }
0x141: {  	[tilespmem:$0x52C0] =	vst v4;
	v4 =	vsel vm1, v5, v0;
	_ =	sdelay $0x1  }
0x142: {  	[tilespmem:$0x5240] =	vst v6;
	v5 =	vld [tilespmem:$0x51D0]  }
0x143: {  	[tilespmem:$0x5340] =	vst v4;
	v4 =	vpop (erf)  }
0x144: {  	[tilespmem:$0x53C0] =	vst v4  }
0x145: {  	v4 =	vld.idx.msk [tilespmem:v54+s5+$0x0], $0xffff;
	_ =	sdelay $0x4  }
0x146: {  	v56 =	vld.idx.msk [tilespmem:v5+s18+$0x0], $0xffff;
	v55 =	vmul.f32 v4, v2;
	_ =	sdelay $0x1  }
0x147: {  	v6 =	vmul.f32 $1.442695020e+00, v55;
	_ =	sdelay $0x1  }
0x148: {  	(erf) = vpow2.f32 v6  }
0x149: {  	v4 =	vadd.f32 v56, v4;
	_ =	sdelay $0x1  }
0x14a: {  	v57 =	vld [tilespmem:$0x5160];
	vm1 =	vgt.f32 v4, $0.0e+00  }
0x14b: {  	v7 =	vadd.s32 v1, v54;
	v4 =	vsel vm1, $0x0, v3  }
0x14c: {  	vm1 =	vmxor vm0, vm1;
	v7 =	vadd.s32 v4, v7;
	v4 =	vadd.s32 v5, v4  }
0x14d: {  	[tilespmem:$0x52D0] =	vst v4;
	v4 =	vsel vm1, v5, v0;
	_ =	sdelay $0x1  }
0x14e: {  	[tilespmem:$0x5250] =	vst v7;
	v5 =	vld [tilespmem:$0x51E0]  }
0x14f: {  	[tilespmem:$0x5350] =	vst v4;
	v4 =	vpop (erf)  }
0x150: {  	[tilespmem:$0x53D0] =	vst v4  }
0x151: {  	v4 =	vld.idx.msk [tilespmem:v57+s5+$0x0], $0xffff;
	_ =	sdelay $0x4  }
0x152: {  	v59 =	vld.idx.msk [tilespmem:v5+s18+$0x0], $0xffff;
	v58 =	vmul.f32 v4, v2;
	_ =	sdelay $0x1  }
0x153: {  	v7 =	vmul.f32 $1.442695020e+00, v58;
	_ =	sdelay $0x1  }
0x154: {  	(erf) = vpow2.f32 v7  }
0x155: {  	v4 =	vadd.f32 v59, v4;
	_ =	sdelay $0x1  }
0x156: {  	v60 =	vld [tilespmem:$0x5170];
	vm1 =	vgt.f32 v4, $0.0e+00  }
0x157: {  	v6 =	vadd.s32 v1, v57;
	v4 =	vsel vm1, $0x0, v3  }
0x158: {  	vm1 =	vmxor vm0, vm1;
	v6 =	vadd.s32 v4, v6;
	v4 =	vadd.s32 v5, v4  }
0x159: {  	[tilespmem:$0x52E0] =	vst v4;
	v4 =	vsel vm1, v5, v0;
	_ =	sdelay $0x1  }
0x15a: {  	[tilespmem:$0x5260] =	vst v6;
	v5 =	vld [tilespmem:$0x51F0]  }
0x15b: {  	[tilespmem:$0x5360] =	vst v4;
	v4 =	vpop (erf)  }
0x15c: {  	[tilespmem:$0x53E0] =	vst v4  }
0x15d: {  	v4 =	vld.idx.msk [tilespmem:v60+s5+$0x0], $0xffff;
	_ =	sdelay $0x4  }
0x15e: {  	v62 =	vld.idx.msk [tilespmem:v5+s18+$0x0], $0xffff;
	v61 =	vmul.f32 v4, v2;
	_ =	sdelay $0x1  }
0x15f: {  	v6 =	vmul.f32 $1.442695020e+00, v61;
	_ =	sdelay $0x1  }
0x160: {  	(erf) = vpow2.f32 v6  }
0x161: {  	v4 =	vadd.f32 v62, v4;
	_ =	sdelay $0x1  }
0x162: {  	vm1 =	vgt.f32 v4, $0.0e+00  }
0x163: {  	v63 =	vadd.s32 v1, v60;
	v4 =	vsel vm1, $0x0, v3  }
0x164: {  	vm1 =	vmxor vm0, vm1;
	v6 =	vadd.s32 v4, v63;
	v4 =	vadd.s32 v5, v4  }
0x165: {  	[tilespmem:$0x52F0] =	vst v4;
	v4 =	vsel vm1, v5, v0;
	_ =	sdelay $0x1  }
0x166: {  	[tilespmem:$0x5270] =	vst v6  }
0x167: {  	[tilespmem:$0x5370] =	vst v4;
	v4 =	vpop (erf)  }
0x168: {  	[tilespmem:$0x53F0] =	vst v4  }
0x169: {  	[tilespmem:s22], [sflag:$0x1] =	stream.indirect.gather [hbm4b:s6+s20], $0x40, s21, s20, $0xb8;
	[tilespmem:$0x1D880] =	vst v63  }
0x16a: {  	_ =	swait.ge [sflag:s30], $0x2000  }
0x16b: {  	[sflag:s30] =	ssyncset.done $0x0  }
0x16c: {  	[sflag:s30] =	ssyncadd.s32 $0xFFFFE000  }
0x16d: {  	[spmem:s3] =	stream.indirect.scatter.add.f32 [tilespmem:s24], [sflag:$0x3], $0x40, s31, s20, $0xb8;
	[tilespmem:$0x1D880] =	vst v63  }
0x16e: {  	_ =	swait.ge [sflag:s16], $0x2000  }
0x16f: {  	p0 =	sne.s32 s7, $0x1360;
	[sflag:s16] =	ssyncset.done $0x0  }
.Ltmp0:
0x170: {  	[sflag:s16] =	ssyncadd.s32 $0xFFFFE000;
	(pc) =	sbr.rel @p0 .LBB2_2-.Ltmp0, $4  }
0x171: {  	[spmem:s4] =	stream.indirect.scatter.add.f32 [tilespmem:s1], [sflag:$0x3], $0x1, s0, s20, $0xb8;
	[tilespmem:$0x1D880] =	vst v63  }
0x172: {  	_ =	swait.ge [sflag:s16], $0x80  }
0x173: {  	[sflag:s16] =	ssyncset.done $0x0  }
0x174: {  	s7 =	sadd.s32 $0x40, s7;
	[sflag:s16] =	ssyncadd.s32 $0xFFFFFF80  }
0x175: {  	_ =	swait.ge [sflag:s25], $0x2000  }
0x176: {  	[sflag:s25] =	ssyncset.done $0x0  }
0x177: {  	[sflag:s25] =	ssyncadd.s32 $0xFFFFE000  }
0x178: {  	[spmem:s3] =	stream.indirect.scatter.add.f32 [tilespmem:s22], [sflag:$0x3], $0x40, s26, s20, $0xb8;
	[tilespmem:$0x1D880] =	vst v63  }
0x179: {  	_ =	swait.ge [sflag:s16], $0x2000  }
0x17a: {  	[sflag:s16] =	ssyncset.done $0x0  }
0x17b: {  	[sflag:s16] =	ssyncadd.s32 $0xFFFFE000  }
0x17c: {  	[spmem:s4] =	stream.indirect.scatter.add.f32 [tilespmem:s29], [sflag:$0x3], $0x1, s28, s20, $0xb8;
	[tilespmem:$0x1D880] =	vst v63  }
0x17d: {  	_ =	swait.ge [sflag:s16], $0x80  }
0x17e: {  	[sflag:s16] =	ssyncset.done $0x0  }
0x17f: {  	[sflag:s16] =	ssyncadd.s32 $0xFFFFFF80  }
0x180: {  	[bflag:$0x0] =	sbarrier.arrive $0xFFFF  }
0x181: {  	[hbm:s12], [sflag:s10] =	dma.local [spmem:s15], $0x2800  }
0x182: {  	s2 =	sadd.s32 $0x1, s2;
	_ =	swait.ge [sflag:s16], $0x2800  }
0x183: {  	p0 =	sne.s32 s2, s14;
	[sflag:s16] =	ssyncset.done $0x0  }
.Ltmp1:
0x184: {  	[sflag:s16] =	ssyncadd.s32 $0xFFFFD800;
	(pc) =	sbr.rel @p0 .LBB2_1-.Ltmp1, $4  }
0x185: {  	[hbm:s13], [sflag:s10] =	dma.local [spmem:s17], $0x50  }
0x186: {  	_ =	swait.ge [sflag:s16], $0x50  }
0x187: {  	[sflag:s16] =	ssyncset.done $0x0  }
0x188: {  	[sflag:s16] =	ssyncadd.s32 $0xFFFFFFB0  }
0x189: {  	_ =	sfence.sel $0x180000  }
0x18a: {  	[bflag:$0x0] =	sbarrier.arrive $0xFFFF  }
0x18b: {  	_ =	strace $0x90000047  }
0x18c: {  	s0 =	stileid.u32;
	[bflag:$0x2] =	sbarrier.arrive $0xFFFF  }
0x18d: {  	p0 =	sne.s32 s0, $0x0;
	s0 =	rddreg [dreg:$0x4]  }
0x18e: {  	s0 =	sadd.s32 @!p0 $0x100000, s0  }
0x18f: {  	[sflag:s0] =	ssyncadd.tile.s32 @!p0 $0x1;
	_ =	shalt  }
.Lfunc_end2:
_tile_overlayer_lowered:
.L_overlay_start_2:
0x190: {  	(tag) =	ssettag $0x2  }
0x191: {  	s0 =	rddreg [dreg:$0x0];
	s2 =	stileid.u32  }
0x192: {  	s1 =	rddreg [dreg:$0x1];
	p0 =	sne.s32 s2, $0x0  }
0x193: {  	s3 =	rddreg [dreg:$0x2];
	[bflag:$0x3] =	sbarrier.arrive $0xFFFF;
	s2 =	simm.s32 @!p0 $0x1C03  }
0x194: {  	[timem:s3], [sflag:s2] =	dma.local @!p0 [hbm:s0], s1  }
0x195: {  	s0 =	simm.s32 @!p0 $0x3  }
0x196: {  	_ =	swait.ge @!p0 [sflag:s0], s1  }
0x197: {  	s1 =	ssub.s32 @!p0 $0x0, s1;
	[sflag:s0] =	ssyncset.done @!p0 $0x0  }
0x198: {  	[sflag:s0] =	ssyncadd.s32 @!p0 s1  }
0x199: {  	[bflag:$0x3] =	sbarrier.arrive $0xFFFF  }
0x19a: {  	_ =	shalt  }

</sc_bundles>
